<compile_context>
chip_gen: v7x
topology: tpu7x:2x2x1
jax: 0.10.2.dev20260603
libtpu: 0.0.44.dev20260713+nightly
codegen_flags: <defaults>
</compile_context>

<pallas_src>
import functools

import jax
import jax.numpy as jnp
from jax import lax
from jax.experimental import pallas as pl
from jax.experimental.pallas import tpu as pltpu
from jax.experimental.pallas import tpu_sc as plsc

NN = 10000
NE = 320000
DF = 128
DH = 64
DO = 16

NP = 10240
NC = 2
NS = 16
NW = NC * NS
EW = NE // NW
CHUNK = 80
NCH = EW // CHUNK
SPT = NP // NS
NBUF = 5

_MESH = dict(core_axis_name="c", subcore_axis_name="s",
             num_cores=NC, num_subcores=NS)


def _fill_const_1d(ref, n, value):
    vec = jnp.full((16,), value, jnp.float32)

    def body(r, _):
        ref[pl.ds(r * 16, 16)] = vec
        return _

    lax.fori_loop(0, n // 16, body, None)


@functools.partial(
    pl.kernel,
    out_type=jax.ShapeDtypeStruct((NC, NP), jnp.float32),
    mesh=plsc.VectorSubcoreMesh(**_MESH),
    compiler_params=pltpu.CompilerParams(use_tc_tiling_on_sc=False),
    scratch_types=[
        pltpu.VMEM((NCH, CHUNK), jnp.int32),
        pltpu.VMEM((CHUNK,), jnp.float32),
        pltpu.VMEM((SPT,), jnp.float32),
        pltpu.VMEM_SHARED((NP,), jnp.float32),
    ] + [pltpu.SemaphoreType.DMA] * NBUF,
)
def _deg_kernel(ei_hbm, out_hbm, idx_v, ones_v, zero_v, hist_sh, *ssem):
    cid = lax.axis_index("c")
    sid = lax.axis_index("s")
    wid = cid * NS + sid

    _fill_const_1d(ones_v, CHUNK, 1.0)
    _fill_const_1d(zero_v, SPT, 0.0)

    pltpu.sync_copy(zero_v, hist_sh.at[pl.ds(sid * SPT, SPT)])
    plsc.subcore_barrier()

    pltpu.sync_copy(ei_hbm.at[1, wid], idx_v)

    for b in range(NBUF):
        pltpu.async_copy(ones_v, hist_sh.at[idx_v.at[b]], ssem[b], add=True)

    def body(k, _):
        for b in range(NBUF):
            c = NBUF * k + b
            pltpu.make_async_copy(ones_v, hist_sh.at[idx_v.at[c]],
                                  ssem[b]).wait()
            pltpu.async_copy(ones_v, hist_sh.at[idx_v.at[c + NBUF]],
                             ssem[b], add=True)
        return _

    lax.fori_loop(0, NCH // NBUF - 1, body, None)
    for b in range(NBUF):
        c = NCH - NBUF + b
        pltpu.make_async_copy(ones_v, hist_sh.at[idx_v.at[c]], ssem[b]).wait()
    plsc.subcore_barrier()

    pltpu.sync_copy(hist_sh.at[pl.ds(sid * SPT, SPT)],
                    out_hbm.at[cid, pl.ds(sid * SPT, SPT)])


def _make_agg_kernel(d, nbuf):
    @functools.partial(
        pl.kernel,
        out_type=jax.ShapeDtypeStruct((NC, NP, d), jnp.float32),
        mesh=plsc.VectorSubcoreMesh(**_MESH),
        compiler_params=pltpu.CompilerParams(use_tc_tiling_on_sc=False),
        scratch_types=[
            pltpu.VMEM((NCH, CHUNK), jnp.int32),
            pltpu.VMEM((NCH, CHUNK), jnp.int32),
            pltpu.VMEM((nbuf, CHUNK, d), jnp.float32),
            pltpu.VMEM_SHARED((NP, d), jnp.float32),
        ] + [pltpu.SemaphoreType.DMA] * (2 * nbuf),
    )
    def _agg(ei_hbm, feat_hbm, zin_hbm, out_hbm,
             sidx_v, didx_v, rows_v, acc_sh, *sems):
        gsem, ssem = sems[:nbuf], sems[nbuf:]
        cid = lax.axis_index("c")
        sid = lax.axis_index("s")
        wid = cid * NS + sid

        pltpu.sync_copy(zin_hbm, acc_sh.at[pl.ds(sid * SPT, SPT)])
        plsc.subcore_barrier()

        pltpu.sync_copy(ei_hbm.at[0, wid], sidx_v)
        pltpu.sync_copy(ei_hbm.at[1, wid], didx_v)

        for b in range(nbuf):
            pltpu.async_copy(feat_hbm.at[sidx_v.at[b]], rows_v.at[b], gsem[b])

        def body(k, _):
            for b in range(nbuf):
                c = nbuf * k + b
                pltpu.make_async_copy(feat_hbm.at[sidx_v.at[c]],
                                      rows_v.at[b], gsem[b]).wait()
                pltpu.async_copy(rows_v.at[b], acc_sh.at[didx_v.at[c]],
                                 ssem[b], add=True)
            for b in range(nbuf):
                c = nbuf * k + b
                pltpu.make_async_copy(rows_v.at[b], acc_sh.at[didx_v.at[c]],
                                      ssem[b]).wait()
                pltpu.async_copy(feat_hbm.at[sidx_v.at[c + nbuf]],
                                 rows_v.at[b], gsem[b])
            return _

        lax.fori_loop(0, NCH // nbuf - 1, body, None)
        for b in range(nbuf):
            c = NCH - nbuf + b
            pltpu.make_async_copy(feat_hbm.at[sidx_v.at[c]],
                                  rows_v.at[b], gsem[b]).wait()
            pltpu.async_copy(rows_v.at[b], acc_sh.at[didx_v.at[c]],
                             ssem[b], add=True)
        for b in range(nbuf):
            c = NCH - nbuf + b
            pltpu.make_async_copy(rows_v.at[b], acc_sh.at[didx_v.at[c]],
                                  ssem[b]).wait()
        plsc.subcore_barrier()

        pltpu.sync_copy(acc_sh.at[pl.ds(sid * SPT, SPT)],
                        out_hbm.at[cid, pl.ds(sid * SPT, SPT)])

    return _agg


_agg64 = _make_agg_kernel(DH, NBUF)
_agg16 = _make_agg_kernel(DO, NBUF)


def _dinv_col(degp_ref):
    i = pl.program_id(0)
    dg = degp_ref[:, pl.ds(i * _RB, _RB)]
    deg = 1.0 + dg[0:1, :] + dg[1:2, :]
    return jnp.transpose(lax.rsqrt(deg), (1, 0))


def _dinv_packed(degp_ref, npr, do):
    dinv = _dinv_col(degp_ref)
    return jnp.broadcast_to(
        dinv.reshape(_RB // npr, npr, 1),
        (_RB // npr, npr, do)).reshape(_RB // npr, npr * do)


def _stage1_body(xw_ref, w1b_ref, degp_ref, hsw_ref, dvw_ref, dv8_ref):
    h = jnp.dot(xw_ref[...], w1b_ref[...], preferred_element_type=jnp.float32)
    dinvw = _dinv_packed(degp_ref, 2, DH)
    hsw_ref[...] = dinvw * h
    dvw_ref[...] = dinvw
    dv8_ref[...] = _dinv_packed(degp_ref, _NPR, DO)


def _stage2_body(aggw_ref, hsw_ref, dvw_ref, b1w_ref, w2b_ref, zs_ref):
    dinvw = dvw_ref[...]
    p = aggw_ref[0] + aggw_ref[1] + hsw_ref[...]
    h = dinvw * jnp.maximum(dinvw * p + b1w_ref[...], 0.0)
    zs_ref[...] = jnp.dot(h, w2b_ref[...], preferred_element_type=jnp.float32)


_NPR = 128 // DO


def _stage3_body(aggw_ref, zsw_ref, dv8_ref, b2w_ref, out_ref):
    q = aggw_ref[0] + aggw_ref[1] + zsw_ref[...]
    out_ref[...] = dv8_ref[...] * q + b2w_ref[...]


_RB = 2048
_DSPEC = pl.BlockSpec((NC, NP), lambda i: (0, 0))


_R2 = _RB // 2


def _stage1(xw, W1b, degp):
    g = (NN + _RB - 1) // _RB
    return pl.pallas_call(
        _stage1_body,
        grid=(g,),
        in_specs=[
            pl.BlockSpec((_R2, 2 * DF), lambda i: (i, 0)),
            pl.BlockSpec((2 * DF, 2 * DH), lambda i: (0, 0)),
            _DSPEC,
        ],
        out_specs=[
            pl.BlockSpec((_R2, 2 * DH), lambda i: (i, 0)),
            pl.BlockSpec((_R2, 2 * DH), lambda i: (i, 0)),
            pl.BlockSpec((_PB, 128), lambda i: (i, 0)),
        ],
        out_shape=[
            jax.ShapeDtypeStruct((NN // 2, 2 * DH), jnp.float32),
            jax.ShapeDtypeStruct((NN // 2, 2 * DH), jnp.float32),
            jax.ShapeDtypeStruct((NN * DO // 128, 128), jnp.float32),
        ],
    )(xw, W1b, degp)


def _stage2(agg1w, hsw, dvw, b1w, W2b):
    g = (NN + _RB - 1) // _RB
    return pl.pallas_call(
        _stage2_body,
        grid=(g,),
        in_specs=[
            pl.BlockSpec((NC, _R2, 2 * DH), lambda i: (0, i, 0)),
            pl.BlockSpec((_R2, 2 * DH), lambda i: (i, 0)),
            pl.BlockSpec((_R2, 2 * DH), lambda i: (i, 0)),
            pl.BlockSpec((1, 2 * DH), lambda i: (0, 0)),
            pl.BlockSpec((2 * DH, 2 * DO), lambda i: (0, 0)),
        ],
        out_specs=pl.BlockSpec((_R2, 2 * DO), lambda i: (i, 0)),
        out_shape=jax.ShapeDtypeStruct((NN // 2, 2 * DO), jnp.float32),
    )(agg1w, hsw, dvw, b1w, W2b)


_PB = _RB // _NPR


def _stage3(agg2w, zsw, dv8, b2w):
    g = (NN + _RB - 1) // _RB
    return pl.pallas_call(
        _stage3_body,
        grid=(g,),
        in_specs=[
            pl.BlockSpec((NC, _PB, 128), lambda i: (0, i, 0)),
            pl.BlockSpec((_PB, 128), lambda i: (i, 0)),
            pl.BlockSpec((_PB, 128), lambda i: (i, 0)),
            pl.BlockSpec((1, 128), lambda i: (0, 0)),
        ],
        out_specs=pl.BlockSpec((_PB, 128), lambda i: (i, 0)),
        out_shape=jax.ShapeDtypeStruct((NN * DO // 128, 128), jnp.float32),
    )(agg2w, zsw, dv8, b2w)


def _blockdiag2(W):
    r, c = W.shape
    Wb = jnp.zeros((2 * r, 2 * c), W.dtype)
    return Wb.at[:r, :c].set(W).at[r:, c:].set(W)


def kernel(x, edge_index, W1, b1, W2, b2):
    ei3 = edge_index.astype(jnp.int32).reshape(2, NW, NCH, CHUNK)
    xw = x.reshape(NN // 2, 2 * DF)
    W1b = _blockdiag2(W1)
    W2p = jnp.pad(W2, ((0, 0), (0, DO - W2.shape[1])))
    W2b = _blockdiag2(W2p)
    b1w = jnp.tile(b1.reshape(1, DH), (1, 2))
    b2w = jnp.tile(jnp.pad(b2, (0, DO - b2.shape[0])).reshape(1, DO),
                   (1, _NPR))
    z64 = jnp.zeros((SPT, DH), jnp.float32)
    z16 = jnp.zeros((SPT, DO), jnp.float32)

    degp = _deg_kernel(ei3)
    hsw, dvw, dv8 = _stage1(xw, W1b, degp)
    hs = hsw.reshape(NN, DH)
    agg1 = _agg64(ei3, hs, z64)
    agg1w = agg1.reshape(NC, NP * DH // 128, 128)
    zs = _stage2(agg1w, hsw, dvw, b1w, W2b)
    zs16 = zs.reshape(NN, DO)
    agg2 = _agg16(ei3, zs16, z16)
    agg2w = agg2.reshape(NC, NP * DO // 128, 128)
    zsw = zs.reshape(NN * DO // 128, 128)
    outw = _stage3(agg2w, zsw, dv8, b2w)
    return outw.reshape(NN, DO)[:, :8]

# --- scband reference (transcript-rebuilt; emitter-appended) ---
"""Pipeline reference for scband-gcn-4612794876470 (READ-ONLY COPY).

The authoritative reference and input builder live on the scoring server;
editing this copy changes nothing except your own understanding.
"""

import jax, jax.numpy as jnp
import numpy as np

N_NODES = 10000
N_EDGES = 320000
D_FEAT = 128
D_HID = 64
N_CLASSES = 8


def gcn_conv(x, W, b, src, dst, n_nodes):
    # GCNConv (PyG default): add self-loops, symmetric normalization D^{-1/2} (A+I) D^{-1/2} X W + b
    x = x @ W
    loop = jnp.arange(n_nodes, dtype=src.dtype)
    src_full = jnp.concatenate([src, loop])
    dst_full = jnp.concatenate([dst, loop])
    ones = jnp.ones(src_full.shape[0], dtype=x.dtype)
    deg = jax.ops.segment_sum(ones, dst_full, num_segments=n_nodes)
    deg_inv_sqrt = jnp.where(deg > 0, jax.lax.rsqrt(jnp.maximum(deg, 1e-12)), 0.0)
    norm = deg_inv_sqrt[src_full] * deg_inv_sqrt[dst_full]
    msgs = norm[:, None] * jnp.take(x, src_full, axis=0)
    out = jax.ops.segment_sum(msgs, dst_full, num_segments=n_nodes)
    return out + b


def setup_inputs(seed: int = 0) -> dict:
    key = jax.random.key(seed)
    k_x, k_e, k_w1, k_w2 = jax.random.split(key, 4)
    x = jax.random.normal(k_x, (N_NODES, D_FEAT), dtype=jnp.float32)
    edge_index = jax.random.randint(k_e, (2, N_EDGES), 0, N_NODES, dtype=jnp.int64)
    # glorot-initialized weights, zero biases (GCNConv defaults)
    W1 = jax.random.normal(k_w1, (D_FEAT, D_HID), dtype=jnp.float32) * np.sqrt(2.0 / (D_FEAT + D_HID))
    b1 = jnp.zeros((D_HID,), dtype=jnp.float32)
    W2 = jax.random.normal(k_w2, (D_HID, N_CLASSES), dtype=jnp.float32) * np.sqrt(2.0 / (D_HID + N_CLASSES))
    b2 = jnp.zeros((N_CLASSES,), dtype=jnp.float32)
    return {"x": x, "edge_index": edge_index, "W1": W1, "b1": b1, "W2": W2, "b2": b2}


def reference(x, edge_index, W1, b1, W2, b2):
    src = edge_index[0]
    dst = edge_index[1]
    n_nodes = x.shape[0]
    h = gcn_conv(x, W1, b1, src, dst, n_nodes)
    h = jax.nn.relu(h)
    out = gcn_conv(h, W2, b2, src, dst, n_nodes)
    return out

if __name__ == "__main__":
    import jax
    _d = setup_inputs()
    print(jax.jit(kernel)(*tuple(_d.values())))

</pallas_src>

<mosaic_0001>
#map = affine_map<(d0, d1) -> (0, 0, 0, 0)>
#map1 = affine_map<(d0, d1) -> (0, 0)>
module attributes {stable_mosaic.version = 14 : i64} {
  func.func @_deg_kernel(%arg0: i32, %arg1: i32, %arg2: memref<2x32x125x80xi32, #tpu.memory_space<hbm>>, %arg3: memref<2x10240xf32, #tpu.memory_space<hbm>>, %arg4: memref<125x80xi32, #tpu.memory_space<vmem>>, %arg5: memref<80xf32, #tpu.memory_space<vmem>>, %arg6: memref<640xf32, #tpu.memory_space<vmem>>, %arg7: memref<10240xf32, #tpu.memory_space<vmem_shared>>, %arg8: memref<!tpu.dma_semaphore, #tpu.memory_space<semaphore_mem>>, %arg9: memref<!tpu.dma_semaphore, #tpu.memory_space<semaphore_mem>>, %arg10: memref<!tpu.dma_semaphore, #tpu.memory_space<semaphore_mem>>, %arg11: memref<!tpu.dma_semaphore, #tpu.memory_space<semaphore_mem>>, %arg12: memref<!tpu.dma_semaphore, #tpu.memory_space<semaphore_mem>>) attributes {dimension_semantics = [#tpu.dimension_semantics<core_parallel>, #tpu.dimension_semantics<subcore_parallel>], iteration_bounds = array<i64: 2, 16>, scalar_prefetch = 0 : i64, scratch_operands = 9 : i64, tpu.core_type = #tpu.core_type<sc_vector_subcore>, window_params = [{transform_indices = #map}, {transform_indices = #map1}]} {
    %mul3A = arith.constant 16 : i32
    %mul3A_0 = arith.muli %arg0, %mul3A : i32
    %add3A = arith.addi %mul3A_0, %arg1 : i32
    %broadcast_in_dim3A = arith.constant 1.000000e+00 : f32
    %broadcast_in_dim3A_1 = vector.broadcast %broadcast_in_dim3A : f32 to vector<16xf32>
    %scan3A = arith.constant 0 : i32
    %scan3A_2 = arith.constant 5 : i32
    %scan3A_3 = arith.addi %scan3A, %scan3A_2 : i32
    %scan3A_4 = arith.constant 1 : i32
    scf.for %scan3A_83 = %scan3A to %scan3A_3 step %scan3A_4  : i32 {
      %mul3A_84 = arith.constant 16 : i32
      %mul3A_85 = arith.muli %scan3A_83, %mul3A_84 : i32
      %swap3A = arith.index_cast %mul3A_85 : i32 to index
      %swap3A_86 = tpu.vector_load %arg5[%swap3A] {strides = array<i32>} : memref<80xf32, #tpu.memory_space<vmem>>, vector<16xf32>,
      %swap3A_87 = vector.shape_cast %swap3A_86 : vector<16xf32> to vector<16xf32>
      %swap3A_88 = vector.shape_cast %broadcast_in_dim3A_1 : vector<16xf32> to vector<16xf32>
      tpu.vector_store %arg5[%swap3A], %swap3A_88 {strides = array<i32>} : memref<80xf32, #tpu.memory_space<vmem>>, vector<16xf32>,
    }
    %scan3A_5 = arith.constant 5 : i32
    %broadcast_in_dim3A_6 = arith.constant 0.000000e+00 : f32
    %broadcast_in_dim3A_7 = vector.broadcast %broadcast_in_dim3A_6 : f32 to vector<16xf32>
    %scan3A_8 = arith.constant 0 : i32
    %scan3A_9 = arith.constant 40 : i32
    %scan3A_10 = arith.addi %scan3A_8, %scan3A_9 : i32
    %scan3A_11 = arith.constant 1 : i32
    scf.for %scan3A_83 = %scan3A_8 to %scan3A_10 step %scan3A_11  : i32 {
      %mul3A_84 = arith.constant 16 : i32
      %mul3A_85 = arith.muli %scan3A_83, %mul3A_84 : i32
      %swap3A = arith.index_cast %mul3A_85 : i32 to index
      %swap3A_86 = tpu.vector_load %arg6[%swap3A] {strides = array<i32>} : memref<640xf32, #tpu.memory_space<vmem>>, vector<16xf32>,
      %swap3A_87 = vector.shape_cast %swap3A_86 : vector<16xf32> to vector<16xf32>
      %swap3A_88 = vector.shape_cast %broadcast_in_dim3A_7 : vector<16xf32> to vector<16xf32>
      tpu.vector_store %arg6[%swap3A], %swap3A_88 {strides = array<i32>} : memref<640xf32, #tpu.memory_space<vmem>>, vector<16xf32>,
    }
    %scan3A_12 = arith.constant 40 : i32
    %mul3A_13 = arith.constant 640 : i32
    %mul3A_14 = arith.muli %arg1, %mul3A_13 : i32
    "tpu.region"() ({
      %run_scoped3A_83 = tpu.sem_alloc : memref<!tpu.dma_semaphore, #tpu.memory_space<semaphore_mem>>
      %dma_start3A_84 = tpu.memref_slice %arg7[%mul3A_14] : memref<10240xf32, #tpu.memory_space<vmem_shared>> -> memref<640xf32, #tpu.memory_space<vmem_shared>>
      %dma_start3A_85 = tpu.memref_slice %arg7[%mul3A_14] : memref<10240xf32, #tpu.memory_space<vmem_shared>> -> memref<640xf32, #tpu.memory_space<vmem_shared>>
      tpu.enqueue_dma source(%arg6 : memref<640xf32, #tpu.memory_space<vmem>>) target(%dma_start3A_85 : memref<640xf32, #tpu.memory_space<vmem_shared>>) target_semaphore(%run_scoped3A_83 : memref<!tpu.dma_semaphore, #tpu.memory_space<semaphore_mem>>)
      %dma_wait3A_86 = tpu.memref_slice %arg7[%mul3A_14] : memref<10240xf32, #tpu.memory_space<vmem_shared>> -> memref<640xf32, #tpu.memory_space<vmem_shared>>
      %dma_wait3A_87 = tpu.memref_slice %arg7[%mul3A_14] : memref<10240xf32, #tpu.memory_space<vmem_shared>> -> memref<640xf32, #tpu.memory_space<vmem_shared>>
      tpu.wait_dma2 semaphore(%run_scoped3A_83 : memref<!tpu.dma_semaphore, #tpu.memory_space<semaphore_mem>>) src(%arg6 : memref<640xf32, #tpu.memory_space<vmem>>) dst(%dma_wait3A_87 : memref<640xf32, #tpu.memory_space<vmem_shared>>)
      tpu.yield
    }) : () -> ()
    %barrier3A = arith.constant 0 : index
    tpu.barrier barrier_id(%barrier3A)
    %run_scoped3A = arith.constant 1 : i32
    "tpu.region"() ({
      %run_scoped3A_83 = tpu.sem_alloc : memref<!tpu.dma_semaphore, #tpu.memory_space<semaphore_mem>>
      %dma_start3A_84 = arith.constant 0 : i32
      %dma_start3A_85 = arith.constant 0 : i32
      %dma_start3A_86 = tpu.memref_slice %arg2[%run_scoped3A, %add3A, %dma_start3A_84, %dma_start3A_85] : memref<2x32x125x80xi32, #tpu.memory_space<hbm>> -> memref<1x1x125x80xi32, #tpu.memory_space<hbm>>
      %dma_start3A_87 = tpu.memref_squeeze %dma_start3A_86 : memref<1x1x125x80xi32, #tpu.memory_space<hbm>> -> memref<125x80xi32, #tpu.memory_space<hbm>>
      %dma_start3A_88 = arith.constant 0 : i32
      %dma_start3A_89 = arith.constant 0 : i32
      %dma_start3A_90 = tpu.memref_slice %arg2[%run_scoped3A, %add3A, %dma_start3A_88, %dma_start3A_89] : memref<2x32x125x80xi32, #tpu.memory_space<hbm>> -> memref<1x1x125x80xi32, #tpu.memory_space<hbm>>
      %dma_start3A_91 = tpu.memref_squeeze %dma_start3A_90 : memref<1x1x125x80xi32, #tpu.memory_space<hbm>> -> memref<125x80xi32, #tpu.memory_space<hbm>>
      tpu.enqueue_dma source(%dma_start3A_91 : memref<125x80xi32, #tpu.memory_space<hbm>>) target(%arg4 : memref<125x80xi32, #tpu.memory_space<vmem>>) target_semaphore(%run_scoped3A_83 : memref<!tpu.dma_semaphore, #tpu.memory_space<semaphore_mem>>)
      %dma_wait3A_92 = arith.constant 0 : i32
      %dma_wait3A_93 = arith.constant 0 : i32
      %dma_wait3A_94 = tpu.memref_slice %arg2[%run_scoped3A, %add3A, %dma_wait3A_92, %dma_wait3A_93] : memref<2x32x125x80xi32, #tpu.memory_space<hbm>> -> memref<1x1x125x80xi32, #tpu.memory_space<hbm>>
      %dma_wait3A_95 = tpu.memref_squeeze %dma_wait3A_94 : memref<1x1x125x80xi32, #tpu.memory_space<hbm>> -> memref<125x80xi32, #tpu.memory_space<hbm>>
      %dma_wait3A_96 = arith.constant 0 : i32
      %dma_wait3A_97 = arith.constant 0 : i32
      %dma_wait3A_98 = tpu.memref_slice %arg2[%run_scoped3A, %add3A, %dma_wait3A_96, %dma_wait3A_97] : memref<2x32x125x80xi32, #tpu.memory_space<hbm>> -> memref<1x1x125x80xi32, #tpu.memory_space<hbm>>
      %dma_wait3A_99 = tpu.memref_squeeze %dma_wait3A_98 : memref<1x1x125x80xi32, #tpu.memory_space<hbm>> -> memref<125x80xi32, #tpu.memory_space<hbm>>
      tpu.wait_dma2 semaphore(%run_scoped3A_83 : memref<!tpu.dma_semaphore, #tpu.memory_space<semaphore_mem>>) src(%dma_wait3A_99 : memref<125x80xi32, #tpu.memory_space<hbm>>) dst(%arg4 : memref<125x80xi32, #tpu.memory_space<vmem>>)
      tpu.yield
    }) : () -> ()
    %dma_start3A = arith.constant 0 : i32
    %dma_start3A_15 = arith.constant 0 : i32
    %dma_start3A_16 = tpu.memref_slice %arg4[%dma_start3A, %dma_start3A_15] : memref<125x80xi32, #tpu.memory_space<vmem>> -> memref<1x80xi32, #tpu.memory_space<vmem>>
    %dma_start3A_17 = tpu.memref_squeeze %dma_start3A_16 : memref<1x80xi32, #tpu.memory_space<vmem>> -> memref<80xi32, #tpu.memory_space<vmem>>
    %dma_start3A_18 = arith.constant 0 : i32
    %dma_start3A_19 = tpu.memref_slice %arg7[%dma_start3A_18] : memref<10240xf32, #tpu.memory_space<vmem_shared>> -> memref<10240xf32, #tpu.memory_space<vmem_shared>>
    tpu.enqueue_indirect_dma source(%arg5 : memref<80xf32, #tpu.memory_space<vmem>>) target(%dma_start3A_19 : memref<10240xf32, #tpu.memory_space<vmem_shared>>) offsets(%dma_start3A_17 : memref<80xi32, #tpu.memory_space<vmem>>) semaphore(%arg8 : memref<!tpu.dma_semaphore, #tpu.memory_space<semaphore_mem>>) {add = true}
    %dma_start3A_20 = arith.constant 1 : i32
    %dma_start3A_21 = arith.constant 0 : i32
    %dma_start3A_22 = tpu.memref_slice %arg4[%dma_start3A_20, %dma_start3A_21] : memref<125x80xi32, #tpu.memory_space<vmem>> -> memref<1x80xi32, #tpu.memory_space<vmem>>
    %dma_start3A_23 = tpu.memref_squeeze %dma_start3A_22 : memref<1x80xi32, #tpu.memory_space<vmem>> -> memref<80xi32, #tpu.memory_space<vmem>>
    %dma_start3A_24 = arith.constant 0 : i32
    %dma_start3A_25 = tpu.memref_slice %arg7[%dma_start3A_24] : memref<10240xf32, #tpu.memory_space<vmem_shared>> -> memref<10240xf32, #tpu.memory_space<vmem_shared>>
    tpu.enqueue_indirect_dma source(%arg5 : memref<80xf32, #tpu.memory_space<vmem>>) target(%dma_start3A_25 : memref<10240xf32, #tpu.memory_space<vmem_shared>>) offsets(%dma_start3A_23 : memref<80xi32, #tpu.memory_space<vmem>>) semaphore(%arg9 : memref<!tpu.dma_semaphore, #tpu.memory_space<semaphore_mem>>) {add = true}
    %dma_start3A_26 = arith.constant 2 : i32
    %dma_start3A_27 = arith.constant 0 : i32
    %dma_start3A_28 = tpu.memref_slice %arg4[%dma_start3A_26, %dma_start3A_27] : memref<125x80xi32, #tpu.memory_space<vmem>> -> memref<1x80xi32, #tpu.memory_space<vmem>>
    %dma_start3A_29 = tpu.memref_squeeze %dma_start3A_28 : memref<1x80xi32, #tpu.memory_space<vmem>> -> memref<80xi32, #tpu.memory_space<vmem>>
    %dma_start3A_30 = arith.constant 0 : i32
    %dma_start3A_31 = tpu.memref_slice %arg7[%dma_start3A_30] : memref<10240xf32, #tpu.memory_space<vmem_shared>> -> memref<10240xf32, #tpu.memory_space<vmem_shared>>
    tpu.enqueue_indirect_dma source(%arg5 : memref<80xf32, #tpu.memory_space<vmem>>) target(%dma_start3A_31 : memref<10240xf32, #tpu.memory_space<vmem_shared>>) offsets(%dma_start3A_29 : memref<80xi32, #tpu.memory_space<vmem>>) semaphore(%arg10 : memref<!tpu.dma_semaphore, #tpu.memory_space<semaphore_mem>>) {add = true}
    %dma_start3A_32 = arith.constant 3 : i32
    %dma_start3A_33 = arith.constant 0 : i32
    %dma_start3A_34 = tpu.memref_slice %arg4[%dma_start3A_32, %dma_start3A_33] : memref<125x80xi32, #tpu.memory_space<vmem>> -> memref<1x80xi32, #tpu.memory_space<vmem>>
    %dma_start3A_35 = tpu.memref_squeeze %dma_start3A_34 : memref<1x80xi32, #tpu.memory_space<vmem>> -> memref<80xi32, #tpu.memory_space<vmem>>
    %dma_start3A_36 = arith.constant 0 : i32
    %dma_start3A_37 = tpu.memref_slice %arg7[%dma_start3A_36] : memref<10240xf32, #tpu.memory_space<vmem_shared>> -> memref<10240xf32, #tpu.memory_space<vmem_shared>>
    tpu.enqueue_indirect_dma source(%arg5 : memref<80xf32, #tpu.memory_space<vmem>>) target(%dma_start3A_37 : memref<10240xf32, #tpu.memory_space<vmem_shared>>) offsets(%dma_start3A_35 : memref<80xi32, #tpu.memory_space<vmem>>) semaphore(%arg11 : memref<!tpu.dma_semaphore, #tpu.memory_space<semaphore_mem>>) {add = true}
    %dma_start3A_38 = arith.constant 4 : i32
    %dma_start3A_39 = arith.constant 0 : i32
    %dma_start3A_40 = tpu.memref_slice %arg4[%dma_start3A_38, %dma_start3A_39] : memref<125x80xi32, #tpu.memory_space<vmem>> -> memref<1x80xi32, #tpu.memory_space<vmem>>
    %dma_start3A_41 = tpu.memref_squeeze %dma_start3A_40 : memref<1x80xi32, #tpu.memory_space<vmem>> -> memref<80xi32, #tpu.memory_space<vmem>>
    %dma_start3A_42 = arith.constant 0 : i32
    %dma_start3A_43 = tpu.memref_slice %arg7[%dma_start3A_42] : memref<10240xf32, #tpu.memory_space<vmem_shared>> -> memref<10240xf32, #tpu.memory_space<vmem_shared>>
    tpu.enqueue_indirect_dma source(%arg5 : memref<80xf32, #tpu.memory_space<vmem>>) target(%dma_start3A_43 : memref<10240xf32, #tpu.memory_space<vmem_shared>>) offsets(%dma_start3A_41 : memref<80xi32, #tpu.memory_space<vmem>>) semaphore(%arg12 : memref<!tpu.dma_semaphore, #tpu.memory_space<semaphore_mem>>) {add = true}
    %scan3A_44 = arith.constant 0 : i32
    %scan3A_45 = arith.constant 24 : i32
    %scan3A_46 = arith.addi %scan3A_44, %scan3A_45 : i32
    %scan3A_47 = arith.constant 1 : i32
    scf.for %scan3A_83 = %scan3A_44 to %scan3A_46 step %scan3A_47  : i32 {
      %mul3A_84 = arith.constant 5 : i32
      %mul3A_85 = arith.muli %mul3A_84, %scan3A_83 : i32
      %add3A_86 = arith.constant 0 : i32
      %add3A_87 = arith.addi %mul3A_85, %add3A_86 : i32
      %dma_wait3A_88 = arith.constant 0 : i32
      %dma_wait3A_89 = tpu.memref_slice %arg4[%add3A_87, %dma_wait3A_88] : memref<125x80xi32, #tpu.memory_space<vmem>> -> memref<1x80xi32, #tpu.memory_space<vmem>>
      %dma_wait3A_90 = tpu.memref_squeeze %dma_wait3A_89 : memref<1x80xi32, #tpu.memory_space<vmem>> -> memref<80xi32, #tpu.memory_space<vmem>>
      %dma_wait3A_91 = arith.constant 0 : i32
      %dma_wait3A_92 = tpu.memref_slice %arg7[%dma_wait3A_91] : memref<10240xf32, #tpu.memory_space<vmem_shared>> -> memref<10240xf32, #tpu.memory_space<vmem_shared>>
      tpu.wait_indirect_dma semaphore(%arg8 : memref<!tpu.dma_semaphore, #tpu.memory_space<semaphore_mem>>) src(%arg5 : memref<80xf32, #tpu.memory_space<vmem>>) dst(%dma_wait3A_92 : memref<10240xf32, #tpu.memory_space<vmem_shared>>)
      %add3A_93 = arith.constant 5 : i32
      %add3A_94 = arith.addi %add3A_87, %add3A_93 : i32
      %dma_start3A_95 = arith.constant 0 : i32
      %dma_start3A_96 = tpu.memref_slice %arg4[%add3A_94, %dma_start3A_95] : memref<125x80xi32, #tpu.memory_space<vmem>> -> memref<1x80xi32, #tpu.memory_space<vmem>>
      %dma_start3A_97 = tpu.memref_squeeze %dma_start3A_96 : memref<1x80xi32, #tpu.memory_space<vmem>> -> memref<80xi32, #tpu.memory_space<vmem>>
      %dma_start3A_98 = arith.constant 0 : i32
      %dma_start3A_99 = tpu.memref_slice %arg7[%dma_start3A_98] : memref<10240xf32, #tpu.memory_space<vmem_shared>> -> memref<10240xf32, #tpu.memory_space<vmem_shared>>
      tpu.enqueue_indirect_dma source(%arg5 : memref<80xf32, #tpu.memory_space<vmem>>) target(%dma_start3A_99 : memref<10240xf32, #tpu.memory_space<vmem_shared>>) offsets(%dma_start3A_97 : memref<80xi32, #tpu.memory_space<vmem>>) semaphore(%arg8 : memref<!tpu.dma_semaphore, #tpu.memory_space<semaphore_mem>>) {add = true}
      %mul3A_100 = arith.constant 5 : i32
      %mul3A_101 = arith.muli %mul3A_100, %scan3A_83 : i32
      %add3A_102 = arith.constant 1 : i32
      %add3A_103 = arith.addi %mul3A_101, %add3A_102 : i32
      %dma_wait3A_104 = arith.constant 0 : i32
      %dma_wait3A_105 = tpu.memref_slice %arg4[%add3A_103, %dma_wait3A_104] : memref<125x80xi32, #tpu.memory_space<vmem>> -> memref<1x80xi32, #tpu.memory_space<vmem>>
      %dma_wait3A_106 = tpu.memref_squeeze %dma_wait3A_105 : memref<1x80xi32, #tpu.memory_space<vmem>> -> memref<80xi32, #tpu.memory_space<vmem>>
      %dma_wait3A_107 = arith.constant 0 : i32
      %dma_wait3A_108 = tpu.memref_slice %arg7[%dma_wait3A_107] : memref<10240xf32, #tpu.memory_space<vmem_shared>> -> memref<10240xf32, #tpu.memory_space<vmem_shared>>
      tpu.wait_indirect_dma semaphore(%arg9 : memref<!tpu.dma_semaphore, #tpu.memory_space<semaphore_mem>>) src(%arg5 : memref<80xf32, #tpu.memory_space<vmem>>) dst(%dma_wait3A_108 : memref<10240xf32, #tpu.memory_space<vmem_shared>>)
      %add3A_109 = arith.constant 5 : i32
      %add3A_110 = arith.addi %add3A_103, %add3A_109 : i32
      %dma_start3A_111 = arith.constant 0 : i32
      %dma_start3A_112 = tpu.memref_slice %arg4[%add3A_110, %dma_start3A_111] : memref<125x80xi32, #tpu.memory_space<vmem>> -> memref<1x80xi32, #tpu.memory_space<vmem>>
      %dma_start3A_113 = tpu.memref_squeeze %dma_start3A_112 : memref<1x80xi32, #tpu.memory_space<vmem>> -> memref<80xi32, #tpu.memory_space<vmem>>
      %dma_start3A_114 = arith.constant 0 : i32
      %dma_start3A_115 = tpu.memref_slice %arg7[%dma_start3A_114] : memref<10240xf32, #tpu.memory_space<vmem_shared>> -> memref<10240xf32, #tpu.memory_space<vmem_shared>>
      tpu.enqueue_indirect_dma source(%arg5 : memref<80xf32, #tpu.memory_space<vmem>>) target(%dma_start3A_115 : memref<10240xf32, #tpu.memory_space<vmem_shared>>) offsets(%dma_start3A_113 : memref<80xi32, #tpu.memory_space<vmem>>) semaphore(%arg9 : memref<!tpu.dma_semaphore, #tpu.memory_space<semaphore_mem>>) {add = true}
      %mul3A_116 = arith.constant 5 : i32
      %mul3A_117 = arith.muli %mul3A_116, %scan3A_83 : i32
      %add3A_118 = arith.constant 2 : i32
      %add3A_119 = arith.addi %mul3A_117, %add3A_118 : i32
      %dma_wait3A_120 = arith.constant 0 : i32
      %dma_wait3A_121 = tpu.memref_slice %arg4[%add3A_119, %dma_wait3A_120] : memref<125x80xi32, #tpu.memory_space<vmem>> -> memref<1x80xi32, #tpu.memory_space<vmem>>
      %dma_wait3A_122 = tpu.memref_squeeze %dma_wait3A_121 : memref<1x80xi32, #tpu.memory_space<vmem>> -> memref<80xi32, #tpu.memory_space<vmem>>
      %dma_wait3A_123 = arith.constant 0 : i32
      %dma_wait3A_124 = tpu.memref_slice %arg7[%dma_wait3A_123] : memref<10240xf32, #tpu.memory_space<vmem_shared>> -> memref<10240xf32, #tpu.memory_space<vmem_shared>>
      tpu.wait_indirect_dma semaphore(%arg10 : memref<!tpu.dma_semaphore, #tpu.memory_space<semaphore_mem>>) src(%arg5 : memref<80xf32, #tpu.memory_space<vmem>>) dst(%dma_wait3A_124 : memref<10240xf32, #tpu.memory_space<vmem_shared>>)
      %add3A_125 = arith.constant 5 : i32
      %add3A_126 = arith.addi %add3A_119, %add3A_125 : i32
      %dma_start3A_127 = arith.constant 0 : i32
      %dma_start3A_128 = tpu.memref_slice %arg4[%add3A_126, %dma_start3A_127] : memref<125x80xi32, #tpu.memory_space<vmem>> -> memref<1x80xi32, #tpu.memory_space<vmem>>
      %dma_start3A_129 = tpu.memref_squeeze %dma_start3A_128 : memref<1x80xi32, #tpu.memory_space<vmem>> -> memref<80xi32, #tpu.memory_space<vmem>>
      %dma_start3A_130 = arith.constant 0 : i32
      %dma_start3A_131 = tpu.memref_slice %arg7[%dma_start3A_130] : memref<10240xf32, #tpu.memory_space<vmem_shared>> -> memref<10240xf32, #tpu.memory_space<vmem_shared>>
      tpu.enqueue_indirect_dma source(%arg5 : memref<80xf32, #tpu.memory_space<vmem>>) target(%dma_start3A_131 : memref<10240xf32, #tpu.memory_space<vmem_shared>>) offsets(%dma_start3A_129 : memref<80xi32, #tpu.memory_space<vmem>>) semaphore(%arg10 : memref<!tpu.dma_semaphore, #tpu.memory_space<semaphore_mem>>) {add = true}
      %mul3A_132 = arith.constant 5 : i32
      %mul3A_133 = arith.muli %mul3A_132, %scan3A_83 : i32
      %add3A_134 = arith.constant 3 : i32
      %add3A_135 = arith.addi %mul3A_133, %add3A_134 : i32
      %dma_wait3A_136 = arith.constant 0 : i32
      %dma_wait3A_137 = tpu.memref_slice %arg4[%add3A_135, %dma_wait3A_136] : memref<125x80xi32, #tpu.memory_space<vmem>> -> memref<1x80xi32, #tpu.memory_space<vmem>>
      %dma_wait3A_138 = tpu.memref_squeeze %dma_wait3A_137 : memref<1x80xi32, #tpu.memory_space<vmem>> -> memref<80xi32, #tpu.memory_space<vmem>>
      %dma_wait3A_139 = arith.constant 0 : i32
      %dma_wait3A_140 = tpu.memref_slice %arg7[%dma_wait3A_139] : memref<10240xf32, #tpu.memory_space<vmem_shared>> -> memref<10240xf32, #tpu.memory_space<vmem_shared>>
      tpu.wait_indirect_dma semaphore(%arg11 : memref<!tpu.dma_semaphore, #tpu.memory_space<semaphore_mem>>) src(%arg5 : memref<80xf32, #tpu.memory_space<vmem>>) dst(%dma_wait3A_140 : memref<10240xf32, #tpu.memory_space<vmem_shared>>)
      %add3A_141 = arith.constant 5 : i32
      %add3A_142 = arith.addi %add3A_135, %add3A_141 : i32
      %dma_start3A_143 = arith.constant 0 : i32
      %dma_start3A_144 = tpu.memref_slice %arg4[%add3A_142, %dma_start3A_143] : memref<125x80xi32, #tpu.memory_space<vmem>> -> memref<1x80xi32, #tpu.memory_space<vmem>>
      %dma_start3A_145 = tpu.memref_squeeze %dma_start3A_144 : memref<1x80xi32, #tpu.memory_space<vmem>> -> memref<80xi32, #tpu.memory_space<vmem>>
      %dma_start3A_146 = arith.constant 0 : i32
      %dma_start3A_147 = tpu.memref_slice %arg7[%dma_start3A_146] : memref<10240xf32, #tpu.memory_space<vmem_shared>> -> memref<10240xf32, #tpu.memory_space<vmem_shared>>
      tpu.enqueue_indirect_dma source(%arg5 : memref<80xf32, #tpu.memory_space<vmem>>) target(%dma_start3A_147 : memref<10240xf32, #tpu.memory_space<vmem_shared>>) offsets(%dma_start3A_145 : memref<80xi32, #tpu.memory_space<vmem>>) semaphore(%arg11 : memref<!tpu.dma_semaphore, #tpu.memory_space<semaphore_mem>>) {add = true}
      %mul3A_148 = arith.constant 5 : i32
      %mul3A_149 = arith.muli %mul3A_148, %scan3A_83 : i32
      %add3A_150 = arith.constant 4 : i32
      %add3A_151 = arith.addi %mul3A_149, %add3A_150 : i32
      %dma_wait3A_152 = arith.constant 0 : i32
      %dma_wait3A_153 = tpu.memref_slice %arg4[%add3A_151, %dma_wait3A_152] : memref<125x80xi32, #tpu.memory_space<vmem>> -> memref<1x80xi32, #tpu.memory_space<vmem>>
      %dma_wait3A_154 = tpu.memref_squeeze %dma_wait3A_153 : memref<1x80xi32, #tpu.memory_space<vmem>> -> memref<80xi32, #tpu.memory_space<vmem>>
      %dma_wait3A_155 = arith.constant 0 : i32
      %dma_wait3A_156 = tpu.memref_slice %arg7[%dma_wait3A_155] : memref<10240xf32, #tpu.memory_space<vmem_shared>> -> memref<10240xf32, #tpu.memory_space<vmem_shared>>
      tpu.wait_indirect_dma semaphore(%arg12 : memref<!tpu.dma_semaphore, #tpu.memory_space<semaphore_mem>>) src(%arg5 : memref<80xf32, #tpu.memory_space<vmem>>) dst(%dma_wait3A_156 : memref<10240xf32, #tpu.memory_space<vmem_shared>>)
      %add3A_157 = arith.constant 5 : i32
      %add3A_158 = arith.addi %add3A_151, %add3A_157 : i32
      %dma_start3A_159 = arith.constant 0 : i32
      %dma_start3A_160 = tpu.memref_slice %arg4[%add3A_158, %dma_start3A_159] : memref<125x80xi32, #tpu.memory_space<vmem>> -> memref<1x80xi32, #tpu.memory_space<vmem>>
      %dma_start3A_161 = tpu.memref_squeeze %dma_start3A_160 : memref<1x80xi32, #tpu.memory_space<vmem>> -> memref<80xi32, #tpu.memory_space<vmem>>
      %dma_start3A_162 = arith.constant 0 : i32
      %dma_start3A_163 = tpu.memref_slice %arg7[%dma_start3A_162] : memref<10240xf32, #tpu.memory_space<vmem_shared>> -> memref<10240xf32, #tpu.memory_space<vmem_shared>>
      tpu.enqueue_indirect_dma source(%arg5 : memref<80xf32, #tpu.memory_space<vmem>>) target(%dma_start3A_163 : memref<10240xf32, #tpu.memory_space<vmem_shared>>) offsets(%dma_start3A_161 : memref<80xi32, #tpu.memory_space<vmem>>) semaphore(%arg12 : memref<!tpu.dma_semaphore, #tpu.memory_space<semaphore_mem>>) {add = true}
    }
    %scan3A_48 = arith.constant 24 : i32
    %dma_wait3A = arith.constant 120 : i32
    %dma_wait3A_49 = arith.constant 0 : i32
    %dma_wait3A_50 = tpu.memref_slice %arg4[%dma_wait3A, %dma_wait3A_49] : memref<125x80xi32, #tpu.memory_space<vmem>> -> memref<1x80xi32, #tpu.memory_space<vmem>>
    %dma_wait3A_51 = tpu.memref_squeeze %dma_wait3A_50 : memref<1x80xi32, #tpu.memory_space<vmem>> -> memref<80xi32, #tpu.memory_space<vmem>>
    %dma_wait3A_52 = arith.constant 0 : i32
    %dma_wait3A_53 = tpu.memref_slice %arg7[%dma_wait3A_52] : memref<10240xf32, #tpu.memory_space<vmem_shared>> -> memref<10240xf32, #tpu.memory_space<vmem_shared>>
    tpu.wait_indirect_dma semaphore(%arg8 : memref<!tpu.dma_semaphore, #tpu.memory_space<semaphore_mem>>) src(%arg5 : memref<80xf32, #tpu.memory_space<vmem>>) dst(%dma_wait3A_53 : memref<10240xf32, #tpu.memory_space<vmem_shared>>)
    %dma_wait3A_54 = arith.constant 121 : i32
    %dma_wait3A_55 = arith.constant 0 : i32
    %dma_wait3A_56 = tpu.memref_slice %arg4[%dma_wait3A_54, %dma_wait3A_55] : memref<125x80xi32, #tpu.memory_space<vmem>> -> memref<1x80xi32, #tpu.memory_space<vmem>>
    %dma_wait3A_57 = tpu.memref_squeeze %dma_wait3A_56 : memref<1x80xi32, #tpu.memory_space<vmem>> -> memref<80xi32, #tpu.memory_space<vmem>>
    %dma_wait3A_58 = arith.constant 0 : i32
    %dma_wait3A_59 = tpu.memref_slice %arg7[%dma_wait3A_58] : memref<10240xf32, #tpu.memory_space<vmem_shared>> -> memref<10240xf32, #tpu.memory_space<vmem_shared>>
    tpu.wait_indirect_dma semaphore(%arg9 : memref<!tpu.dma_semaphore, #tpu.memory_space<semaphore_mem>>) src(%arg5 : memref<80xf32, #tpu.memory_space<vmem>>) dst(%dma_wait3A_59 : memref<10240xf32, #tpu.memory_space<vmem_shared>>)
    %dma_wait3A_60 = arith.constant 122 : i32
    %dma_wait3A_61 = arith.constant 0 : i32
    %dma_wait3A_62 = tpu.memref_slice %arg4[%dma_wait3A_60, %dma_wait3A_61] : memref<125x80xi32, #tpu.memory_space<vmem>> -> memref<1x80xi32, #tpu.memory_space<vmem>>
    %dma_wait3A_63 = tpu.memref_squeeze %dma_wait3A_62 : memref<1x80xi32, #tpu.memory_space<vmem>> -> memref<80xi32, #tpu.memory_space<vmem>>
    %dma_wait3A_64 = arith.constant 0 : i32
    %dma_wait3A_65 = tpu.memref_slice %arg7[%dma_wait3A_64] : memref<10240xf32, #tpu.memory_space<vmem_shared>> -> memref<10240xf32, #tpu.memory_space<vmem_shared>>
    tpu.wait_indirect_dma semaphore(%arg10 : memref<!tpu.dma_semaphore, #tpu.memory_space<semaphore_mem>>) src(%arg5 : memref<80xf32, #tpu.memory_space<vmem>>) dst(%dma_wait3A_65 : memref<10240xf32, #tpu.memory_space<vmem_shared>>)
    %dma_wait3A_66 = arith.constant 123 : i32
    %dma_wait3A_67 = arith.constant 0 : i32
    %dma_wait3A_68 = tpu.memref_slice %arg4[%dma_wait3A_66, %dma_wait3A_67] : memref<125x80xi32, #tpu.memory_space<vmem>> -> memref<1x80xi32, #tpu.memory_space<vmem>>
    %dma_wait3A_69 = tpu.memref_squeeze %dma_wait3A_68 : memref<1x80xi32, #tpu.memory_space<vmem>> -> memref<80xi32, #tpu.memory_space<vmem>>
    %dma_wait3A_70 = arith.constant 0 : i32
    %dma_wait3A_71 = tpu.memref_slice %arg7[%dma_wait3A_70] : memref<10240xf32, #tpu.memory_space<vmem_shared>> -> memref<10240xf32, #tpu.memory_space<vmem_shared>>
    tpu.wait_indirect_dma semaphore(%arg11 : memref<!tpu.dma_semaphore, #tpu.memory_space<semaphore_mem>>) src(%arg5 : memref<80xf32, #tpu.memory_space<vmem>>) dst(%dma_wait3A_71 : memref<10240xf32, #tpu.memory_space<vmem_shared>>)
    %dma_wait3A_72 = arith.constant 124 : i32
    %dma_wait3A_73 = arith.constant 0 : i32
    %dma_wait3A_74 = tpu.memref_slice %arg4[%dma_wait3A_72, %dma_wait3A_73] : memref<125x80xi32, #tpu.memory_space<vmem>> -> memref<1x80xi32, #tpu.memory_space<vmem>>
    %dma_wait3A_75 = tpu.memref_squeeze %dma_wait3A_74 : memref<1x80xi32, #tpu.memory_space<vmem>> -> memref<80xi32, #tpu.memory_space<vmem>>
    %dma_wait3A_76 = arith.constant 0 : i32
    %dma_wait3A_77 = tpu.memref_slice %arg7[%dma_wait3A_76] : memref<10240xf32, #tpu.memory_space<vmem_shared>> -> memref<10240xf32, #tpu.memory_space<vmem_shared>>
    tpu.wait_indirect_dma semaphore(%arg12 : memref<!tpu.dma_semaphore, #tpu.memory_space<semaphore_mem>>) src(%arg5 : memref<80xf32, #tpu.memory_space<vmem>>) dst(%dma_wait3A_77 : memref<10240xf32, #tpu.memory_space<vmem_shared>>)
    %barrier3A_78 = arith.constant 0 : index
    tpu.barrier barrier_id(%barrier3A_78)
    %mul3A_79 = arith.constant 640 : i32
    %mul3A_80 = arith.muli %arg1, %mul3A_79 : i32
    %mul3A_81 = arith.constant 640 : i32
    %mul3A_82 = arith.muli %arg1, %mul3A_81 : i32
    "tpu.region"() ({
      %run_scoped3A_83 = tpu.sem_alloc : memref<!tpu.dma_semaphore, #tpu.memory_space<semaphore_mem>>
      %dma_start3A_84 = tpu.memref_slice %arg3[%arg0, %mul3A_82] : memref<2x10240xf32, #tpu.memory_space<hbm>> -> memref<1x640xf32, #tpu.memory_space<hbm>>
      %dma_start3A_85 = tpu.memref_squeeze %dma_start3A_84 : memref<1x640xf32, #tpu.memory_space<hbm>> -> memref<640xf32, #tpu.memory_space<hbm>>
      %dma_start3A_86 = tpu.memref_slice %arg7[%mul3A_80] : memref<10240xf32, #tpu.memory_space<vmem_shared>> -> memref<640xf32, #tpu.memory_space<vmem_shared>>
      tpu.enqueue_dma source(%dma_start3A_86 : memref<640xf32, #tpu.memory_space<vmem_shared>>) target(%dma_start3A_85 : memref<640xf32, #tpu.memory_space<hbm>>) target_semaphore(%run_scoped3A_83 : memref<!tpu.dma_semaphore, #tpu.memory_space<semaphore_mem>>)
      %dma_wait3A_87 = tpu.memref_slice %arg3[%arg0, %mul3A_82] : memref<2x10240xf32, #tpu.memory_space<hbm>> -> memref<1x640xf32, #tpu.memory_space<hbm>>
      %dma_wait3A_88 = tpu.memref_squeeze %dma_wait3A_87 : memref<1x640xf32, #tpu.memory_space<hbm>> -> memref<640xf32, #tpu.memory_space<hbm>>
      %dma_wait3A_89 = tpu.memref_slice %arg7[%mul3A_80] : memref<10240xf32, #tpu.memory_space<vmem_shared>> -> memref<640xf32, #tpu.memory_space<vmem_shared>>
      tpu.wait_dma2 semaphore(%run_scoped3A_83 : memref<!tpu.dma_semaphore, #tpu.memory_space<semaphore_mem>>) src(%dma_wait3A_89 : memref<640xf32, #tpu.memory_space<vmem_shared>>) dst(%dma_wait3A_88 : memref<640xf32, #tpu.memory_space<hbm>>)
      tpu.yield
    }) : () -> ()
    return
  }
}

#map = affine_map<(d0, d1) -> (0, 0, 0, 0)>
#map1 = affine_map<(d0, d1) -> (0, 0)>
#map2 = affine_map<(d0, d1) -> (0, 0, 0)>
module attributes {stable_mosaic.version = 14 : i64} {
  func.func @_agg(%arg0: i32, %arg1: i32, %arg2: memref<2x32x125x80xi32, #tpu.memory_space<hbm>>, %arg3: memref<10000x16xf32, #tpu.memory_space<hbm>>, %arg4: memref<640x16xf32, #tpu.memory_space<hbm>>, %arg5: memref<2x10240x16xf32, #tpu.memory_space<hbm>>, %arg6: memref<125x80xi32, #tpu.memory_space<vmem>>, %arg7: memref<125x80xi32, #tpu.memory_space<vmem>>, %arg8: memref<5x80x16xf32, #tpu.memory_space<vmem>>, %arg9: memref<10240x16xf32, #tpu.memory_space<vmem_shared>>, %arg10: memref<!tpu.dma_semaphore, #tpu.memory_space<semaphore_mem>>, %arg11: memref<!tpu.dma_semaphore, #tpu.memory_space<semaphore_mem>>, %arg12: memref<!tpu.dma_semaphore, #tpu.memory_space<semaphore_mem>>, %arg13: memref<!tpu.dma_semaphore, #tpu.memory_space<semaphore_mem>>, %arg14: memref<!tpu.dma_semaphore, #tpu.memory_space<semaphore_mem>>, %arg15: memref<!tpu.dma_semaphore, #tpu.memory_space<semaphore_mem>>, %arg16: memref<!tpu.dma_semaphore, #tpu.memory_space<semaphore_mem>>, %arg17: memref<!tpu.dma_semaphore, #tpu.memory_space<semaphore_mem>>, %arg18: memref<!tpu.dma_semaphore, #tpu.memory_space<semaphore_mem>>, %arg19: memref<!tpu.dma_semaphore, #tpu.memory_space<semaphore_mem>>) attributes {dimension_semantics = [#tpu.dimension_semantics<core_parallel>, #tpu.dimension_semantics<subcore_parallel>], iteration_bounds = array<i64: 2, 16>, scalar_prefetch = 0 : i64, scratch_operands = 14 : i64, tpu.core_type = #tpu.core_type<sc_vector_subcore>, window_params = [{transform_indices = #map}, {transform_indices = #map1}, {transform_indices = #map1}, {transform_indices = #map2}]} {
    %mul3A = arith.constant 16 : i32
    %mul3A_0 = arith.muli %arg0, %mul3A : i32
    %add3A = arith.addi %mul3A_0, %arg1 : i32
    %mul3A_1 = arith.constant 640 : i32
    %mul3A_2 = arith.muli %arg1, %mul3A_1 : i32
    "tpu.region"() ({
      %run_scoped3A_251 = tpu.sem_alloc : memref<!tpu.dma_semaphore, #tpu.memory_space<semaphore_mem>>
      %dma_start3A_252 = arith.constant 0 : i32
      %dma_start3A_253 = tpu.memref_slice %arg9[%mul3A_2, %dma_start3A_252] : memref<10240x16xf32, #tpu.memory_space<vmem_shared>> -> memref<640x16xf32, #tpu.memory_space<vmem_shared>>
      tpu.enqueue_dma source(%arg4 : memref<640x16xf32, #tpu.memory_space<hbm>>) target(%dma_start3A_253 : memref<640x16xf32, #tpu.memory_space<vmem_shared>>) target_semaphore(%run_scoped3A_251 : memref<!tpu.dma_semaphore, #tpu.memory_space<semaphore_mem>>)
      %dma_wait3A_254 = arith.constant 0 : i32
      %dma_wait3A_255 = tpu.memref_slice %arg9[%mul3A_2, %dma_wait3A_254] : memref<10240x16xf32, #tpu.memory_space<vmem_shared>> -> memref<640x16xf32, #tpu.memory_space<vmem_shared>>
      tpu.wait_dma2 semaphore(%run_scoped3A_251 : memref<!tpu.dma_semaphore, #tpu.memory_space<semaphore_mem>>) src(%arg4 : memref<640x16xf32, #tpu.memory_space<hbm>>) dst(%dma_wait3A_255 : memref<640x16xf32, #tpu.memory_space<vmem_shared>>)
      tpu.yield
    }) : () -> ()
    %barrier3A = arith.constant 0 : index
    tpu.barrier barrier_id(%barrier3A)
    %run_scoped3A = arith.constant 0 : i32
    "tpu.region"() ({
      %run_scoped3A_251 = tpu.sem_alloc : memref<!tpu.dma_semaphore, #tpu.memory_space<semaphore_mem>>
      %dma_start3A_252 = arith.constant 0 : i32
      %dma_start3A_253 = arith.constant 0 : i32
      %dma_start3A_254 = tpu.memref_slice %arg2[%run_scoped3A, %add3A, %dma_start3A_252, %dma_start3A_253] : memref<2x32x125x80xi32, #tpu.memory_space<hbm>> -> memref<1x1x125x80xi32, #tpu.memory_space<hbm>>
      %dma_start3A_255 = tpu.memref_squeeze %dma_start3A_254 : memref<1x1x125x80xi32, #tpu.memory_space<hbm>> -> memref<125x80xi32, #tpu.memory_space<hbm>>
      %dma_start3A_256 = arith.constant 0 : i32
      %dma_start3A_257 = arith.constant 0 : i32
      %dma_start3A_258 = tpu.memref_slice %arg2[%run_scoped3A, %add3A, %dma_start3A_256, %dma_start3A_257] : memref<2x32x125x80xi32, #tpu.memory_space<hbm>> -> memref<1x1x125x80xi32, #tpu.memory_space<hbm>>
      %dma_start3A_259 = tpu.memref_squeeze %dma_start3A_258 : memref<1x1x125x80xi32, #tpu.memory_space<hbm>> -> memref<125x80xi32, #tpu.memory_space<hbm>>
      tpu.enqueue_dma source(%dma_start3A_259 : memref<125x80xi32, #tpu.memory_space<hbm>>) target(%arg6 : memref<125x80xi32, #tpu.memory_space<vmem>>) target_semaphore(%run_scoped3A_251 : memref<!tpu.dma_semaphore, #tpu.memory_space<semaphore_mem>>)
      %dma_wait3A_260 = arith.constant 0 : i32
      %dma_wait3A_261 = arith.constant 0 : i32
      %dma_wait3A_262 = tpu.memref_slice %arg2[%run_scoped3A, %add3A, %dma_wait3A_260, %dma_wait3A_261] : memref<2x32x125x80xi32, #tpu.memory_space<hbm>> -> memref<1x1x125x80xi32, #tpu.memory_space<hbm>>
      %dma_wait3A_263 = tpu.memref_squeeze %dma_wait3A_262 : memref<1x1x125x80xi32, #tpu.memory_space<hbm>> -> memref<125x80xi32, #tpu.memory_space<hbm>>
      %dma_wait3A_264 = arith.constant 0 : i32
      %dma_wait3A_265 = arith.constant 0 : i32
      %dma_wait3A_266 = tpu.memref_slice %arg2[%run_scoped3A, %add3A, %dma_wait3A_264, %dma_wait3A_265] : memref<2x32x125x80xi32, #tpu.memory_space<hbm>> -> memref<1x1x125x80xi32, #tpu.memory_space<hbm>>
      %dma_wait3A_267 = tpu.memref_squeeze %dma_wait3A_266 : memref<1x1x125x80xi32, #tpu.memory_space<hbm>> -> memref<125x80xi32, #tpu.memory_space<hbm>>
      tpu.wait_dma2 semaphore(%run_scoped3A_251 : memref<!tpu.dma_semaphore, #tpu.memory_space<semaphore_mem>>) src(%dma_wait3A_267 : memref<125x80xi32, #tpu.memory_space<hbm>>) dst(%arg6 : memref<125x80xi32, #tpu.memory_space<vmem>>)
      tpu.yield
    }) : () -> ()
    %run_scoped3A_3 = arith.constant 1 : i32
    "tpu.region"() ({
      %run_scoped3A_251 = tpu.sem_alloc : memref<!tpu.dma_semaphore, #tpu.memory_space<semaphore_mem>>
      %dma_start3A_252 = arith.constant 0 : i32
      %dma_start3A_253 = arith.constant 0 : i32
      %dma_start3A_254 = tpu.memref_slice %arg2[%run_scoped3A_3, %add3A, %dma_start3A_252, %dma_start3A_253] : memref<2x32x125x80xi32, #tpu.memory_space<hbm>> -> memref<1x1x125x80xi32, #tpu.memory_space<hbm>>
      %dma_start3A_255 = tpu.memref_squeeze %dma_start3A_254 : memref<1x1x125x80xi32, #tpu.memory_space<hbm>> -> memref<125x80xi32, #tpu.memory_space<hbm>>
      %dma_start3A_256 = arith.constant 0 : i32
      %dma_start3A_257 = arith.constant 0 : i32
      %dma_start3A_258 = tpu.memref_slice %arg2[%run_scoped3A_3, %add3A, %dma_start3A_256, %dma_start3A_257] : memref<2x32x125x80xi32, #tpu.memory_space<hbm>> -> memref<1x1x125x80xi32, #tpu.memory_space<hbm>>
      %dma_start3A_259 = tpu.memref_squeeze %dma_start3A_258 : memref<1x1x125x80xi32, #tpu.memory_space<hbm>> -> memref<125x80xi32, #tpu.memory_space<hbm>>
      tpu.enqueue_dma source(%dma_start3A_259 : memref<125x80xi32, #tpu.memory_space<hbm>>) target(%arg7 : memref<125x80xi32, #tpu.memory_space<vmem>>) target_semaphore(%run_scoped3A_251 : memref<!tpu.dma_semaphore, #tpu.memory_space<semaphore_mem>>)
      %dma_wait3A_260 = arith.constant 0 : i32
      %dma_wait3A_261 = arith.constant 0 : i32
      %dma_wait3A_262 = tpu.memref_slice %arg2[%run_scoped3A_3, %add3A, %dma_wait3A_260, %dma_wait3A_261] : memref<2x32x125x80xi32, #tpu.memory_space<hbm>> -> memref<1x1x125x80xi32, #tpu.memory_space<hbm>>
      %dma_wait3A_263 = tpu.memref_squeeze %dma_wait3A_262 : memref<1x1x125x80xi32, #tpu.memory_space<hbm>> -> memref<125x80xi32, #tpu.memory_space<hbm>>
      %dma_wait3A_264 = arith.constant 0 : i32
      %dma_wait3A_265 = arith.constant 0 : i32
      %dma_wait3A_266 = tpu.memref_slice %arg2[%run_scoped3A_3, %add3A, %dma_wait3A_264, %dma_wait3A_265] : memref<2x32x125x80xi32, #tpu.memory_space<hbm>> -> memref<1x1x125x80xi32, #tpu.memory_space<hbm>>
      %dma_wait3A_267 = tpu.memref_squeeze %dma_wait3A_266 : memref<1x1x125x80xi32, #tpu.memory_space<hbm>> -> memref<125x80xi32, #tpu.memory_space<hbm>>
      tpu.wait_dma2 semaphore(%run_scoped3A_251 : memref<!tpu.dma_semaphore, #tpu.memory_space<semaphore_mem>>) src(%dma_wait3A_267 : memref<125x80xi32, #tpu.memory_space<hbm>>) dst(%arg7 : memref<125x80xi32, #tpu.memory_space<vmem>>)
      tpu.yield
    }) : () -> ()
    %dma_start3A = arith.constant 0 : i32
    %dma_start3A_4 = arith.constant 0 : i32
    %dma_start3A_5 = arith.constant 0 : i32
    %dma_start3A_6 = arith.constant 0 : i32
    %dma_start3A_7 = tpu.memref_slice %arg8[%dma_start3A_4, %dma_start3A_5, %dma_start3A_6] : memref<5x80x16xf32, #tpu.memory_space<vmem>> -> memref<1x80x16xf32, #tpu.memory_space<vmem>>
    %dma_start3A_8 = tpu.memref_squeeze %dma_start3A_7 : memref<1x80x16xf32, #tpu.memory_space<vmem>> -> memref<80x16xf32, #tpu.memory_space<vmem>>
    %dma_start3A_9 = arith.constant 0 : i32
    %dma_start3A_10 = tpu.memref_slice %arg6[%dma_start3A, %dma_start3A_9] : memref<125x80xi32, #tpu.memory_space<vmem>> -> memref<1x80xi32, #tpu.memory_space<vmem>>
    %dma_start3A_11 = tpu.memref_squeeze %dma_start3A_10 : memref<1x80xi32, #tpu.memory_space<vmem>> -> memref<80xi32, #tpu.memory_space<vmem>>
    %dma_start3A_12 = arith.constant 0 : i32
    %dma_start3A_13 = arith.constant 0 : i32
    %dma_start3A_14 = tpu.memref_slice %arg3[%dma_start3A_12, %dma_start3A_13] : memref<10000x16xf32, #tpu.memory_space<hbm>> -> memref<10000x16xf32, #tpu.memory_space<hbm>>
    tpu.enqueue_indirect_dma source(%dma_start3A_14 : memref<10000x16xf32, #tpu.memory_space<hbm>>) target(%dma_start3A_8 : memref<80x16xf32, #tpu.memory_space<vmem>>) offsets(%dma_start3A_11 : memref<80xi32, #tpu.memory_space<vmem>>) semaphore(%arg10 : memref<!tpu.dma_semaphore, #tpu.memory_space<semaphore_mem>>)
    %dma_start3A_15 = arith.constant 1 : i32
    %dma_start3A_16 = arith.constant 1 : i32
    %dma_start3A_17 = arith.constant 0 : i32
    %dma_start3A_18 = arith.constant 0 : i32
    %dma_start3A_19 = tpu.memref_slice %arg8[%dma_start3A_16, %dma_start3A_17, %dma_start3A_18] : memref<5x80x16xf32, #tpu.memory_space<vmem>> -> memref<1x80x16xf32, #tpu.memory_space<vmem>>
    %dma_start3A_20 = tpu.memref_squeeze %dma_start3A_19 : memref<1x80x16xf32, #tpu.memory_space<vmem>> -> memref<80x16xf32, #tpu.memory_space<vmem>>
    %dma_start3A_21 = arith.constant 0 : i32
    %dma_start3A_22 = tpu.memref_slice %arg6[%dma_start3A_15, %dma_start3A_21] : memref<125x80xi32, #tpu.memory_space<vmem>> -> memref<1x80xi32, #tpu.memory_space<vmem>>
    %dma_start3A_23 = tpu.memref_squeeze %dma_start3A_22 : memref<1x80xi32, #tpu.memory_space<vmem>> -> memref<80xi32, #tpu.memory_space<vmem>>
    %dma_start3A_24 = arith.constant 0 : i32
    %dma_start3A_25 = arith.constant 0 : i32
    %dma_start3A_26 = tpu.memref_slice %arg3[%dma_start3A_24, %dma_start3A_25] : memref<10000x16xf32, #tpu.memory_space<hbm>> -> memref<10000x16xf32, #tpu.memory_space<hbm>>
    tpu.enqueue_indirect_dma source(%dma_start3A_26 : memref<10000x16xf32, #tpu.memory_space<hbm>>) target(%dma_start3A_20 : memref<80x16xf32, #tpu.memory_space<vmem>>) offsets(%dma_start3A_23 : memref<80xi32, #tpu.memory_space<vmem>>) semaphore(%arg11 : memref<!tpu.dma_semaphore, #tpu.memory_space<semaphore_mem>>)
    %dma_start3A_27 = arith.constant 2 : i32
    %dma_start3A_28 = arith.constant 2 : i32
    %dma_start3A_29 = arith.constant 0 : i32
    %dma_start3A_30 = arith.constant 0 : i32
    %dma_start3A_31 = tpu.memref_slice %arg8[%dma_start3A_28, %dma_start3A_29, %dma_start3A_30] : memref<5x80x16xf32, #tpu.memory_space<vmem>> -> memref<1x80x16xf32, #tpu.memory_space<vmem>>
    %dma_start3A_32 = tpu.memref_squeeze %dma_start3A_31 : memref<1x80x16xf32, #tpu.memory_space<vmem>> -> memref<80x16xf32, #tpu.memory_space<vmem>>
    %dma_start3A_33 = arith.constant 0 : i32
    %dma_start3A_34 = tpu.memref_slice %arg6[%dma_start3A_27, %dma_start3A_33] : memref<125x80xi32, #tpu.memory_space<vmem>> -> memref<1x80xi32, #tpu.memory_space<vmem>>
    %dma_start3A_35 = tpu.memref_squeeze %dma_start3A_34 : memref<1x80xi32, #tpu.memory_space<vmem>> -> memref<80xi32, #tpu.memory_space<vmem>>
    %dma_start3A_36 = arith.constant 0 : i32
    %dma_start3A_37 = arith.constant 0 : i32
    %dma_start3A_38 = tpu.memref_slice %arg3[%dma_start3A_36, %dma_start3A_37] : memref<10000x16xf32, #tpu.memory_space<hbm>> -> memref<10000x16xf32, #tpu.memory_space<hbm>>
    tpu.enqueue_indirect_dma source(%dma_start3A_38 : memref<10000x16xf32, #tpu.memory_space<hbm>>) target(%dma_start3A_32 : memref<80x16xf32, #tpu.memory_space<vmem>>) offsets(%dma_start3A_35 : memref<80xi32, #tpu.memory_space<vmem>>) semaphore(%arg12 : memref<!tpu.dma_semaphore, #tpu.memory_space<semaphore_mem>>)
    %dma_start3A_39 = arith.constant 3 : i32
    %dma_start3A_40 = arith.constant 3 : i32
    %dma_start3A_41 = arith.constant 0 : i32
    %dma_start3A_42 = arith.constant 0 : i32
    %dma_start3A_43 = tpu.memref_slice %arg8[%dma_start3A_40, %dma_start3A_41, %dma_start3A_42] : memref<5x80x16xf32, #tpu.memory_space<vmem>> -> memref<1x80x16xf32, #tpu.memory_space<vmem>>
    %dma_start3A_44 = tpu.memref_squeeze %dma_start3A_43 : memref<1x80x16xf32, #tpu.memory_space<vmem>> -> memref<80x16xf32, #tpu.memory_space<vmem>>
    %dma_start3A_45 = arith.constant 0 : i32
    %dma_start3A_46 = tpu.memref_slice %arg6[%dma_start3A_39, %dma_start3A_45] : memref<125x80xi32, #tpu.memory_space<vmem>> -> memref<1x80xi32, #tpu.memory_space<vmem>>
    %dma_start3A_47 = tpu.memref_squeeze %dma_start3A_46 : memref<1x80xi32, #tpu.memory_space<vmem>> -> memref<80xi32, #tpu.memory_space<vmem>>
    %dma_start3A_48 = arith.constant 0 : i32
    %dma_start3A_49 = arith.constant 0 : i32
    %dma_start3A_50 = tpu.memref_slice %arg3[%dma_start3A_48, %dma_start3A_49] : memref<10000x16xf32, #tpu.memory_space<hbm>> -> memref<10000x16xf32, #tpu.memory_space<hbm>>
    tpu.enqueue_indirect_dma source(%dma_start3A_50 : memref<10000x16xf32, #tpu.memory_space<hbm>>) target(%dma_start3A_44 : memref<80x16xf32, #tpu.memory_space<vmem>>) offsets(%dma_start3A_47 : memref<80xi32, #tpu.memory_space<vmem>>) semaphore(%arg13 : memref<!tpu.dma_semaphore, #tpu.memory_space<semaphore_mem>>)
    %dma_start3A_51 = arith.constant 4 : i32
    %dma_start3A_52 = arith.constant 4 : i32
    %dma_start3A_53 = arith.constant 0 : i32
    %dma_start3A_54 = arith.constant 0 : i32
    %dma_start3A_55 = tpu.memref_slice %arg8[%dma_start3A_52, %dma_start3A_53, %dma_start3A_54] : memref<5x80x16xf32, #tpu.memory_space<vmem>> -> memref<1x80x16xf32, #tpu.memory_space<vmem>>
    %dma_start3A_56 = tpu.memref_squeeze %dma_start3A_55 : memref<1x80x16xf32, #tpu.memory_space<vmem>> -> memref<80x16xf32, #tpu.memory_space<vmem>>
    %dma_start3A_57 = arith.constant 0 : i32
    %dma_start3A_58 = tpu.memref_slice %arg6[%dma_start3A_51, %dma_start3A_57] : memref<125x80xi32, #tpu.memory_space<vmem>> -> memref<1x80xi32, #tpu.memory_space<vmem>>
    %dma_start3A_59 = tpu.memref_squeeze %dma_start3A_58 : memref<1x80xi32, #tpu.memory_space<vmem>> -> memref<80xi32, #tpu.memory_space<vmem>>
    %dma_start3A_60 = arith.constant 0 : i32
    %dma_start3A_61 = arith.constant 0 : i32
    %dma_start3A_62 = tpu.memref_slice %arg3[%dma_start3A_60, %dma_start3A_61] : memref<10000x16xf32, #tpu.memory_space<hbm>> -> memref<10000x16xf32, #tpu.memory_space<hbm>>
    tpu.enqueue_indirect_dma source(%dma_start3A_62 : memref<10000x16xf32, #tpu.memory_space<hbm>>) target(%dma_start3A_56 : memref<80x16xf32, #tpu.memory_space<vmem>>) offsets(%dma_start3A_59 : memref<80xi32, #tpu.memory_space<vmem>>) semaphore(%arg14 : memref<!tpu.dma_semaphore, #tpu.memory_space<semaphore_mem>>)
    %scan3A = arith.constant 0 : i32
    %scan3A_63 = arith.constant 24 : i32
    %scan3A_64 = arith.addi %scan3A, %scan3A_63 : i32
    %scan3A_65 = arith.constant 1 : i32
    scf.for %scan3A_251 = %scan3A to %scan3A_64 step %scan3A_65  : i32 {
      %mul3A_252 = arith.constant 5 : i32
      %mul3A_253 = arith.muli %mul3A_252, %scan3A_251 : i32
      %add3A_254 = arith.constant 0 : i32
      %add3A_255 = arith.addi %mul3A_253, %add3A_254 : i32
      %dma_wait3A_256 = arith.constant 0 : i32
      %dma_wait3A_257 = arith.constant 0 : i32
      %dma_wait3A_258 = arith.constant 0 : i32
      %dma_wait3A_259 = tpu.memref_slice %arg8[%dma_wait3A_256, %dma_wait3A_257, %dma_wait3A_258] : memref<5x80x16xf32, #tpu.memory_space<vmem>> -> memref<1x80x16xf32, #tpu.memory_space<vmem>>
      %dma_wait3A_260 = tpu.memref_squeeze %dma_wait3A_259 : memref<1x80x16xf32, #tpu.memory_space<vmem>> -> memref<80x16xf32, #tpu.memory_space<vmem>>
      %dma_wait3A_261 = arith.constant 0 : i32
      %dma_wait3A_262 = tpu.memref_slice %arg6[%add3A_255, %dma_wait3A_261] : memref<125x80xi32, #tpu.memory_space<vmem>> -> memref<1x80xi32, #tpu.memory_space<vmem>>
      %dma_wait3A_263 = tpu.memref_squeeze %dma_wait3A_262 : memref<1x80xi32, #tpu.memory_space<vmem>> -> memref<80xi32, #tpu.memory_space<vmem>>
      %dma_wait3A_264 = arith.constant 0 : i32
      %dma_wait3A_265 = arith.constant 0 : i32
      %dma_wait3A_266 = tpu.memref_slice %arg3[%dma_wait3A_264, %dma_wait3A_265] : memref<10000x16xf32, #tpu.memory_space<hbm>> -> memref<10000x16xf32, #tpu.memory_space<hbm>>
      tpu.wait_indirect_dma semaphore(%arg10 : memref<!tpu.dma_semaphore, #tpu.memory_space<semaphore_mem>>) src(%dma_wait3A_266 : memref<10000x16xf32, #tpu.memory_space<hbm>>) dst(%dma_wait3A_260 : memref<80x16xf32, #tpu.memory_space<vmem>>)
      %dma_start3A_267 = arith.constant 0 : i32
      %dma_start3A_268 = arith.constant 0 : i32
      %dma_start3A_269 = arith.constant 0 : i32
      %dma_start3A_270 = tpu.memref_slice %arg8[%dma_start3A_267, %dma_start3A_268, %dma_start3A_269] : memref<5x80x16xf32, #tpu.memory_space<vmem>> -> memref<1x80x16xf32, #tpu.memory_space<vmem>>
      %dma_start3A_271 = tpu.memref_squeeze %dma_start3A_270 : memref<1x80x16xf32, #tpu.memory_space<vmem>> -> memref<80x16xf32, #tpu.memory_space<vmem>>
      %dma_start3A_272 = arith.constant 0 : i32
      %dma_start3A_273 = tpu.memref_slice %arg7[%add3A_255, %dma_start3A_272] : memref<125x80xi32, #tpu.memory_space<vmem>> -> memref<1x80xi32, #tpu.memory_space<vmem>>
      %dma_start3A_274 = tpu.memref_squeeze %dma_start3A_273 : memref<1x80xi32, #tpu.memory_space<vmem>> -> memref<80xi32, #tpu.memory_space<vmem>>
      %dma_start3A_275 = arith.constant 0 : i32
      %dma_start3A_276 = arith.constant 0 : i32
      %dma_start3A_277 = tpu.memref_slice %arg9[%dma_start3A_275, %dma_start3A_276] : memref<10240x16xf32, #tpu.memory_space<vmem_shared>> -> memref<10240x16xf32, #tpu.memory_space<vmem_shared>>
      tpu.enqueue_indirect_dma source(%dma_start3A_271 : memref<80x16xf32, #tpu.memory_space<vmem>>) target(%dma_start3A_277 : memref<10240x16xf32, #tpu.memory_space<vmem_shared>>) offsets(%dma_start3A_274 : memref<80xi32, #tpu.memory_space<vmem>>) semaphore(%arg15 : memref<!tpu.dma_semaphore, #tpu.memory_space<semaphore_mem>>) {add = true}
      %mul3A_278 = arith.constant 5 : i32
      %mul3A_279 = arith.muli %mul3A_278, %scan3A_251 : i32
      %add3A_280 = arith.constant 1 : i32
      %add3A_281 = arith.addi %mul3A_279, %add3A_280 : i32
      %dma_wait3A_282 = arith.constant 1 : i32
      %dma_wait3A_283 = arith.constant 0 : i32
      %dma_wait3A_284 = arith.constant 0 : i32
      %dma_wait3A_285 = tpu.memref_slice %arg8[%dma_wait3A_282, %dma_wait3A_283, %dma_wait3A_284] : memref<5x80x16xf32, #tpu.memory_space<vmem>> -> memref<1x80x16xf32, #tpu.memory_space<vmem>>
      %dma_wait3A_286 = tpu.memref_squeeze %dma_wait3A_285 : memref<1x80x16xf32, #tpu.memory_space<vmem>> -> memref<80x16xf32, #tpu.memory_space<vmem>>
      %dma_wait3A_287 = arith.constant 0 : i32
      %dma_wait3A_288 = tpu.memref_slice %arg6[%add3A_281, %dma_wait3A_287] : memref<125x80xi32, #tpu.memory_space<vmem>> -> memref<1x80xi32, #tpu.memory_space<vmem>>
      %dma_wait3A_289 = tpu.memref_squeeze %dma_wait3A_288 : memref<1x80xi32, #tpu.memory_space<vmem>> -> memref<80xi32, #tpu.memory_space<vmem>>
      %dma_wait3A_290 = arith.constant 0 : i32
      %dma_wait3A_291 = arith.constant 0 : i32
      %dma_wait3A_292 = tpu.memref_slice %arg3[%dma_wait3A_290, %dma_wait3A_291] : memref<10000x16xf32, #tpu.memory_space<hbm>> -> memref<10000x16xf32, #tpu.memory_space<hbm>>
      tpu.wait_indirect_dma semaphore(%arg11 : memref<!tpu.dma_semaphore, #tpu.memory_space<semaphore_mem>>) src(%dma_wait3A_292 : memref<10000x16xf32, #tpu.memory_space<hbm>>) dst(%dma_wait3A_286 : memref<80x16xf32, #tpu.memory_space<vmem>>)
      %dma_start3A_293 = arith.constant 1 : i32
      %dma_start3A_294 = arith.constant 0 : i32
      %dma_start3A_295 = arith.constant 0 : i32
      %dma_start3A_296 = tpu.memref_slice %arg8[%dma_start3A_293, %dma_start3A_294, %dma_start3A_295] : memref<5x80x16xf32, #tpu.memory_space<vmem>> -> memref<1x80x16xf32, #tpu.memory_space<vmem>>
      %dma_start3A_297 = tpu.memref_squeeze %dma_start3A_296 : memref<1x80x16xf32, #tpu.memory_space<vmem>> -> memref<80x16xf32, #tpu.memory_space<vmem>>
      %dma_start3A_298 = arith.constant 0 : i32
      %dma_start3A_299 = tpu.memref_slice %arg7[%add3A_281, %dma_start3A_298] : memref<125x80xi32, #tpu.memory_space<vmem>> -> memref<1x80xi32, #tpu.memory_space<vmem>>
      %dma_start3A_300 = tpu.memref_squeeze %dma_start3A_299 : memref<1x80xi32, #tpu.memory_space<vmem>> -> memref<80xi32, #tpu.memory_space<vmem>>
      %dma_start3A_301 = arith.constant 0 : i32
      %dma_start3A_302 = arith.constant 0 : i32
      %dma_start3A_303 = tpu.memref_slice %arg9[%dma_start3A_301, %dma_start3A_302] : memref<10240x16xf32, #tpu.memory_space<vmem_shared>> -> memref<10240x16xf32, #tpu.memory_space<vmem_shared>>
      tpu.enqueue_indirect_dma source(%dma_start3A_297 : memref<80x16xf32, #tpu.memory_space<vmem>>) target(%dma_start3A_303 : memref<10240x16xf32, #tpu.memory_space<vmem_shared>>) offsets(%dma_start3A_300 : memref<80xi32, #tpu.memory_space<vmem>>) semaphore(%arg16 : memref<!tpu.dma_semaphore, #tpu.memory_space<semaphore_mem>>) {add = true}
      %mul3A_304 = arith.constant 5 : i32
      %mul3A_305 = arith.muli %mul3A_304, %scan3A_251 : i32
      %add3A_306 = arith.constant 2 : i32
      %add3A_307 = arith.addi %mul3A_305, %add3A_306 : i32
      %dma_wait3A_308 = arith.constant 2 : i32
      %dma_wait3A_309 = arith.constant 0 : i32
      %dma_wait3A_310 = arith.constant 0 : i32
      %dma_wait3A_311 = tpu.memref_slice %arg8[%dma_wait3A_308, %dma_wait3A_309, %dma_wait3A_310] : memref<5x80x16xf32, #tpu.memory_space<vmem>> -> memref<1x80x16xf32, #tpu.memory_space<vmem>>
      %dma_wait3A_312 = tpu.memref_squeeze %dma_wait3A_311 : memref<1x80x16xf32, #tpu.memory_space<vmem>> -> memref<80x16xf32, #tpu.memory_space<vmem>>
      %dma_wait3A_313 = arith.constant 0 : i32
      %dma_wait3A_314 = tpu.memref_slice %arg6[%add3A_307, %dma_wait3A_313] : memref<125x80xi32, #tpu.memory_space<vmem>> -> memref<1x80xi32, #tpu.memory_space<vmem>>
      %dma_wait3A_315 = tpu.memref_squeeze %dma_wait3A_314 : memref<1x80xi32, #tpu.memory_space<vmem>> -> memref<80xi32, #tpu.memory_space<vmem>>
      %dma_wait3A_316 = arith.constant 0 : i32
      %dma_wait3A_317 = arith.constant 0 : i32
      %dma_wait3A_318 = tpu.memref_slice %arg3[%dma_wait3A_316, %dma_wait3A_317] : memref<10000x16xf32, #tpu.memory_space<hbm>> -> memref<10000x16xf32, #tpu.memory_space<hbm>>
      tpu.wait_indirect_dma semaphore(%arg12 : memref<!tpu.dma_semaphore, #tpu.memory_space<semaphore_mem>>) src(%dma_wait3A_318 : memref<10000x16xf32, #tpu.memory_space<hbm>>) dst(%dma_wait3A_312 : memref<80x16xf32, #tpu.memory_space<vmem>>)
      %dma_start3A_319 = arith.constant 2 : i32
      %dma_start3A_320 = arith.constant 0 : i32
      %dma_start3A_321 = arith.constant 0 : i32
      %dma_start3A_322 = tpu.memref_slice %arg8[%dma_start3A_319, %dma_start3A_320, %dma_start3A_321] : memref<5x80x16xf32, #tpu.memory_space<vmem>> -> memref<1x80x16xf32, #tpu.memory_space<vmem>>
      %dma_start3A_323 = tpu.memref_squeeze %dma_start3A_322 : memref<1x80x16xf32, #tpu.memory_space<vmem>> -> memref<80x16xf32, #tpu.memory_space<vmem>>
      %dma_start3A_324 = arith.constant 0 : i32
      %dma_start3A_325 = tpu.memref_slice %arg7[%add3A_307, %dma_start3A_324] : memref<125x80xi32, #tpu.memory_space<vmem>> -> memref<1x80xi32, #tpu.memory_space<vmem>>
      %dma_start3A_326 = tpu.memref_squeeze %dma_start3A_325 : memref<1x80xi32, #tpu.memory_space<vmem>> -> memref<80xi32, #tpu.memory_space<vmem>>
      %dma_start3A_327 = arith.constant 0 : i32
      %dma_start3A_328 = arith.constant 0 : i32
      %dma_start3A_329 = tpu.memref_slice %arg9[%dma_start3A_327, %dma_start3A_328] : memref<10240x16xf32, #tpu.memory_space<vmem_shared>> -> memref<10240x16xf32, #tpu.memory_space<vmem_shared>>
      tpu.enqueue_indirect_dma source(%dma_start3A_323 : memref<80x16xf32, #tpu.memory_space<vmem>>) target(%dma_start3A_329 : memref<10240x16xf32, #tpu.memory_space<vmem_shared>>) offsets(%dma_start3A_326 : memref<80xi32, #tpu.memory_space<vmem>>) semaphore(%arg17 : memref<!tpu.dma_semaphore, #tpu.memory_space<semaphore_mem>>) {add = true}
      %mul3A_330 = arith.constant 5 : i32
      %mul3A_331 = arith.muli %mul3A_330, %scan3A_251 : i32
      %add3A_332 = arith.constant 3 : i32
      %add3A_333 = arith.addi %mul3A_331, %add3A_332 : i32
      %dma_wait3A_334 = arith.constant 3 : i32
      %dma_wait3A_335 = arith.constant 0 : i32
      %dma_wait3A_336 = arith.constant 0 : i32
      %dma_wait3A_337 = tpu.memref_slice %arg8[%dma_wait3A_334, %dma_wait3A_335, %dma_wait3A_336] : memref<5x80x16xf32, #tpu.memory_space<vmem>> -> memref<1x80x16xf32, #tpu.memory_space<vmem>>
      %dma_wait3A_338 = tpu.memref_squeeze %dma_wait3A_337 : memref<1x80x16xf32, #tpu.memory_space<vmem>> -> memref<80x16xf32, #tpu.memory_space<vmem>>
      %dma_wait3A_339 = arith.constant 0 : i32
      %dma_wait3A_340 = tpu.memref_slice %arg6[%add3A_333, %dma_wait3A_339] : memref<125x80xi32, #tpu.memory_space<vmem>> -> memref<1x80xi32, #tpu.memory_space<vmem>>
      %dma_wait3A_341 = tpu.memref_squeeze %dma_wait3A_340 : memref<1x80xi32, #tpu.memory_space<vmem>> -> memref<80xi32, #tpu.memory_space<vmem>>
      %dma_wait3A_342 = arith.constant 0 : i32
      %dma_wait3A_343 = arith.constant 0 : i32
      %dma_wait3A_344 = tpu.memref_slice %arg3[%dma_wait3A_342, %dma_wait3A_343] : memref<10000x16xf32, #tpu.memory_space<hbm>> -> memref<10000x16xf32, #tpu.memory_space<hbm>>
      tpu.wait_indirect_dma semaphore(%arg13 : memref<!tpu.dma_semaphore, #tpu.memory_space<semaphore_mem>>) src(%dma_wait3A_344 : memref<10000x16xf32, #tpu.memory_space<hbm>>) dst(%dma_wait3A_338 : memref<80x16xf32, #tpu.memory_space<vmem>>)
      %dma_start3A_345 = arith.constant 3 : i32
      %dma_start3A_346 = arith.constant 0 : i32
      %dma_start3A_347 = arith.constant 0 : i32
      %dma_start3A_348 = tpu.memref_slice %arg8[%dma_start3A_345, %dma_start3A_346, %dma_start3A_347] : memref<5x80x16xf32, #tpu.memory_space<vmem>> -> memref<1x80x16xf32, #tpu.memory_space<vmem>>
      %dma_start3A_349 = tpu.memref_squeeze %dma_start3A_348 : memref<1x80x16xf32, #tpu.memory_space<vmem>> -> memref<80x16xf32, #tpu.memory_space<vmem>>
      %dma_start3A_350 = arith.constant 0 : i32
      %dma_start3A_351 = tpu.memref_slice %arg7[%add3A_333, %dma_start3A_350] : memref<125x80xi32, #tpu.memory_space<vmem>> -> memref<1x80xi32, #tpu.memory_space<vmem>>
      %dma_start3A_352 = tpu.memref_squeeze %dma_start3A_351 : memref<1x80xi32, #tpu.memory_space<vmem>> -> memref<80xi32, #tpu.memory_space<vmem>>
      %dma_start3A_353 = arith.constant 0 : i32
      %dma_start3A_354 = arith.constant 0 : i32
      %dma_start3A_355 = tpu.memref_slice %arg9[%dma_start3A_353, %dma_start3A_354] : memref<10240x16xf32, #tpu.memory_space<vmem_shared>> -> memref<10240x16xf32, #tpu.memory_space<vmem_shared>>
      tpu.enqueue_indirect_dma source(%dma_start3A_349 : memref<80x16xf32, #tpu.memory_space<vmem>>) target(%dma_start3A_355 : memref<10240x16xf32, #tpu.memory_space<vmem_shared>>) offsets(%dma_start3A_352 : memref<80xi32, #tpu.memory_space<vmem>>) semaphore(%arg18 : memref<!tpu.dma_semaphore, #tpu.memory_space<semaphore_mem>>) {add = true}
      %mul3A_356 = arith.constant 5 : i32
      %mul3A_357 = arith.muli %mul3A_356, %scan3A_251 : i32
      %add3A_358 = arith.constant 4 : i32
      %add3A_359 = arith.addi %mul3A_357, %add3A_358 : i32
      %dma_wait3A_360 = arith.constant 4 : i32
      %dma_wait3A_361 = arith.constant 0 : i32
      %dma_wait3A_362 = arith.constant 0 : i32
      %dma_wait3A_363 = tpu.memref_slice %arg8[%dma_wait3A_360, %dma_wait3A_361, %dma_wait3A_362] : memref<5x80x16xf32, #tpu.memory_space<vmem>> -> memref<1x80x16xf32, #tpu.memory_space<vmem>>
      %dma_wait3A_364 = tpu.memref_squeeze %dma_wait3A_363 : memref<1x80x16xf32, #tpu.memory_space<vmem>> -> memref<80x16xf32, #tpu.memory_space<vmem>>
      %dma_wait3A_365 = arith.constant 0 : i32
      %dma_wait3A_366 = tpu.memref_slice %arg6[%add3A_359, %dma_wait3A_365] : memref<125x80xi32, #tpu.memory_space<vmem>> -> memref<1x80xi32, #tpu.memory_space<vmem>>
      %dma_wait3A_367 = tpu.memref_squeeze %dma_wait3A_366 : memref<1x80xi32, #tpu.memory_space<vmem>> -> memref<80xi32, #tpu.memory_space<vmem>>
      %dma_wait3A_368 = arith.constant 0 : i32
      %dma_wait3A_369 = arith.constant 0 : i32
      %dma_wait3A_370 = tpu.memref_slice %arg3[%dma_wait3A_368, %dma_wait3A_369] : memref<10000x16xf32, #tpu.memory_space<hbm>> -> memref<10000x16xf32, #tpu.memory_space<hbm>>
      tpu.wait_indirect_dma semaphore(%arg14 : memref<!tpu.dma_semaphore, #tpu.memory_space<semaphore_mem>>) src(%dma_wait3A_370 : memref<10000x16xf32, #tpu.memory_space<hbm>>) dst(%dma_wait3A_364 : memref<80x16xf32, #tpu.memory_space<vmem>>)
      %dma_start3A_371 = arith.constant 4 : i32
      %dma_start3A_372 = arith.constant 0 : i32
      %dma_start3A_373 = arith.constant 0 : i32
      %dma_start3A_374 = tpu.memref_slice %arg8[%dma_start3A_371, %dma_start3A_372, %dma_start3A_373] : memref<5x80x16xf32, #tpu.memory_space<vmem>> -> memref<1x80x16xf32, #tpu.memory_space<vmem>>
      %dma_start3A_375 = tpu.memref_squeeze %dma_start3A_374 : memref<1x80x16xf32, #tpu.memory_space<vmem>> -> memref<80x16xf32, #tpu.memory_space<vmem>>
      %dma_start3A_376 = arith.constant 0 : i32
      %dma_start3A_377 = tpu.memref_slice %arg7[%add3A_359, %dma_start3A_376] : memref<125x80xi32, #tpu.memory_space<vmem>> -> memref<1x80xi32, #tpu.memory_space<vmem>>
      %dma_start3A_378 = tpu.memref_squeeze %dma_start3A_377 : memref<1x80xi32, #tpu.memory_space<vmem>> -> memref<80xi32, #tpu.memory_space<vmem>>
      %dma_start3A_379 = arith.constant 0 : i32
      %dma_start3A_380 = arith.constant 0 : i32
      %dma_start3A_381 = tpu.memref_slice %arg9[%dma_start3A_379, %dma_start3A_380] : memref<10240x16xf32, #tpu.memory_space<vmem_shared>> -> memref<10240x16xf32, #tpu.memory_space<vmem_shared>>
      tpu.enqueue_indirect_dma source(%dma_start3A_375 : memref<80x16xf32, #tpu.memory_space<vmem>>) target(%dma_start3A_381 : memref<10240x16xf32, #tpu.memory_space<vmem_shared>>) offsets(%dma_start3A_378 : memref<80xi32, #tpu.memory_space<vmem>>) semaphore(%arg19 : memref<!tpu.dma_semaphore, #tpu.memory_space<semaphore_mem>>) {add = true}
      %mul3A_382 = arith.constant 5 : i32
      %mul3A_383 = arith.muli %mul3A_382, %scan3A_251 : i32
      %add3A_384 = arith.constant 0 : i32
      %add3A_385 = arith.addi %mul3A_383, %add3A_384 : i32
      %dma_wait3A_386 = arith.constant 0 : i32
      %dma_wait3A_387 = arith.constant 0 : i32
      %dma_wait3A_388 = arith.constant 0 : i32
      %dma_wait3A_389 = tpu.memref_slice %arg8[%dma_wait3A_386, %dma_wait3A_387, %dma_wait3A_388] : memref<5x80x16xf32, #tpu.memory_space<vmem>> -> memref<1x80x16xf32, #tpu.memory_space<vmem>>
      %dma_wait3A_390 = tpu.memref_squeeze %dma_wait3A_389 : memref<1x80x16xf32, #tpu.memory_space<vmem>> -> memref<80x16xf32, #tpu.memory_space<vmem>>
      %dma_wait3A_391 = arith.constant 0 : i32
      %dma_wait3A_392 = tpu.memref_slice %arg7[%add3A_385, %dma_wait3A_391] : memref<125x80xi32, #tpu.memory_space<vmem>> -> memref<1x80xi32, #tpu.memory_space<vmem>>
      %dma_wait3A_393 = tpu.memref_squeeze %dma_wait3A_392 : memref<1x80xi32, #tpu.memory_space<vmem>> -> memref<80xi32, #tpu.memory_space<vmem>>
      %dma_wait3A_394 = arith.constant 0 : i32
      %dma_wait3A_395 = arith.constant 0 : i32
      %dma_wait3A_396 = tpu.memref_slice %arg9[%dma_wait3A_394, %dma_wait3A_395] : memref<10240x16xf32, #tpu.memory_space<vmem_shared>> -> memref<10240x16xf32, #tpu.memory_space<vmem_shared>>
      tpu.wait_indirect_dma semaphore(%arg15 : memref<!tpu.dma_semaphore, #tpu.memory_space<semaphore_mem>>) src(%dma_wait3A_390 : memref<80x16xf32, #tpu.memory_space<vmem>>) dst(%dma_wait3A_396 : memref<10240x16xf32, #tpu.memory_space<vmem_shared>>)
      %add3A_397 = arith.constant 5 : i32
      %add3A_398 = arith.addi %add3A_385, %add3A_397 : i32
      %dma_start3A_399 = arith.constant 0 : i32
      %dma_start3A_400 = arith.constant 0 : i32
      %dma_start3A_401 = arith.constant 0 : i32
      %dma_start3A_402 = tpu.memref_slice %arg8[%dma_start3A_399, %dma_start3A_400, %dma_start3A_401] : memref<5x80x16xf32, #tpu.memory_space<vmem>> -> memref<1x80x16xf32, #tpu.memory_space<vmem>>
      %dma_start3A_403 = tpu.memref_squeeze %dma_start3A_402 : memref<1x80x16xf32, #tpu.memory_space<vmem>> -> memref<80x16xf32, #tpu.memory_space<vmem>>
      %dma_start3A_404 = arith.constant 0 : i32
      %dma_start3A_405 = tpu.memref_slice %arg6[%add3A_398, %dma_start3A_404] : memref<125x80xi32, #tpu.memory_space<vmem>> -> memref<1x80xi32, #tpu.memory_space<vmem>>
      %dma_start3A_406 = tpu.memref_squeeze %dma_start3A_405 : memref<1x80xi32, #tpu.memory_space<vmem>> -> memref<80xi32, #tpu.memory_space<vmem>>
      %dma_start3A_407 = arith.constant 0 : i32
      %dma_start3A_408 = arith.constant 0 : i32
      %dma_start3A_409 = tpu.memref_slice %arg3[%dma_start3A_407, %dma_start3A_408] : memref<10000x16xf32, #tpu.memory_space<hbm>> -> memref<10000x16xf32, #tpu.memory_space<hbm>>
      tpu.enqueue_indirect_dma source(%dma_start3A_409 : memref<10000x16xf32, #tpu.memory_space<hbm>>) target(%dma_start3A_403 : memref<80x16xf32, #tpu.memory_space<vmem>>) offsets(%dma_start3A_406 : memref<80xi32, #tpu.memory_space<vmem>>) semaphore(%arg10 : memref<!tpu.dma_semaphore, #tpu.memory_space<semaphore_mem>>)
      %mul3A_410 = arith.constant 5 : i32
      %mul3A_411 = arith.muli %mul3A_410, %scan3A_251 : i32
      %add3A_412 = arith.constant 1 : i32
      %add3A_413 = arith.addi %mul3A_411, %add3A_412 : i32
      %dma_wait3A_414 = arith.constant 1 : i32
      %dma_wait3A_415 = arith.constant 0 : i32
      %dma_wait3A_416 = arith.constant 0 : i32
      %dma_wait3A_417 = tpu.memref_slice %arg8[%dma_wait3A_414, %dma_wait3A_415, %dma_wait3A_416] : memref<5x80x16xf32, #tpu.memory_space<vmem>> -> memref<1x80x16xf32, #tpu.memory_space<vmem>>
      %dma_wait3A_418 = tpu.memref_squeeze %dma_wait3A_417 : memref<1x80x16xf32, #tpu.memory_space<vmem>> -> memref<80x16xf32, #tpu.memory_space<vmem>>
      %dma_wait3A_419 = arith.constant 0 : i32
      %dma_wait3A_420 = tpu.memref_slice %arg7[%add3A_413, %dma_wait3A_419] : memref<125x80xi32, #tpu.memory_space<vmem>> -> memref<1x80xi32, #tpu.memory_space<vmem>>
      %dma_wait3A_421 = tpu.memref_squeeze %dma_wait3A_420 : memref<1x80xi32, #tpu.memory_space<vmem>> -> memref<80xi32, #tpu.memory_space<vmem>>
      %dma_wait3A_422 = arith.constant 0 : i32
      %dma_wait3A_423 = arith.constant 0 : i32
      %dma_wait3A_424 = tpu.memref_slice %arg9[%dma_wait3A_422, %dma_wait3A_423] : memref<10240x16xf32, #tpu.memory_space<vmem_shared>> -> memref<10240x16xf32, #tpu.memory_space<vmem_shared>>
      tpu.wait_indirect_dma semaphore(%arg16 : memref<!tpu.dma_semaphore, #tpu.memory_space<semaphore_mem>>) src(%dma_wait3A_418 : memref<80x16xf32, #tpu.memory_space<vmem>>) dst(%dma_wait3A_424 : memref<10240x16xf32, #tpu.memory_space<vmem_shared>>)
      %add3A_425 = arith.constant 5 : i32
      %add3A_426 = arith.addi %add3A_413, %add3A_425 : i32
      %dma_start3A_427 = arith.constant 1 : i32
      %dma_start3A_428 = arith.constant 0 : i32
      %dma_start3A_429 = arith.constant 0 : i32
      %dma_start3A_430 = tpu.memref_slice %arg8[%dma_start3A_427, %dma_start3A_428, %dma_start3A_429] : memref<5x80x16xf32, #tpu.memory_space<vmem>> -> memref<1x80x16xf32, #tpu.memory_space<vmem>>
      %dma_start3A_431 = tpu.memref_squeeze %dma_start3A_430 : memref<1x80x16xf32, #tpu.memory_space<vmem>> -> memref<80x16xf32, #tpu.memory_space<vmem>>
      %dma_start3A_432 = arith.constant 0 : i32
      %dma_start3A_433 = tpu.memref_slice %arg6[%add3A_426, %dma_start3A_432] : memref<125x80xi32, #tpu.memory_space<vmem>> -> memref<1x80xi32, #tpu.memory_space<vmem>>
      %dma_start3A_434 = tpu.memref_squeeze %dma_start3A_433 : memref<1x80xi32, #tpu.memory_space<vmem>> -> memref<80xi32, #tpu.memory_space<vmem>>
      %dma_start3A_435 = arith.constant 0 : i32
      %dma_start3A_436 = arith.constant 0 : i32
      %dma_start3A_437 = tpu.memref_slice %arg3[%dma_start3A_435, %dma_start3A_436] : memref<10000x16xf32, #tpu.memory_space<hbm>> -> memref<10000x16xf32, #tpu.memory_space<hbm>>
      tpu.enqueue_indirect_dma source(%dma_start3A_437 : memref<10000x16xf32, #tpu.memory_space<hbm>>) target(%dma_start3A_431 : memref<80x16xf32, #tpu.memory_space<vmem>>) offsets(%dma_start3A_434 : memref<80xi32, #tpu.memory_space<vmem>>) semaphore(%arg11 : memref<!tpu.dma_semaphore, #tpu.memory_space<semaphore_mem>>)
      %mul3A_438 = arith.constant 5 : i32
      %mul3A_439 = arith.muli %mul3A_438, %scan3A_251 : i32
      %add3A_440 = arith.constant 2 : i32
      %add3A_441 = arith.addi %mul3A_439, %add3A_440 : i32
      %dma_wait3A_442 = arith.constant 2 : i32
      %dma_wait3A_443 = arith.constant 0 : i32
      %dma_wait3A_444 = arith.constant 0 : i32
      %dma_wait3A_445 = tpu.memref_slice %arg8[%dma_wait3A_442, %dma_wait3A_443, %dma_wait3A_444] : memref<5x80x16xf32, #tpu.memory_space<vmem>> -> memref<1x80x16xf32, #tpu.memory_space<vmem>>
      %dma_wait3A_446 = tpu.memref_squeeze %dma_wait3A_445 : memref<1x80x16xf32, #tpu.memory_space<vmem>> -> memref<80x16xf32, #tpu.memory_space<vmem>>
      %dma_wait3A_447 = arith.constant 0 : i32
      %dma_wait3A_448 = tpu.memref_slice %arg7[%add3A_441, %dma_wait3A_447] : memref<125x80xi32, #tpu.memory_space<vmem>> -> memref<1x80xi32, #tpu.memory_space<vmem>>
      %dma_wait3A_449 = tpu.memref_squeeze %dma_wait3A_448 : memref<1x80xi32, #tpu.memory_space<vmem>> -> memref<80xi32, #tpu.memory_space<vmem>>
      %dma_wait3A_450 = arith.constant 0 : i32
      %dma_wait3A_451 = arith.constant 0 : i32
      %dma_wait3A_452 = tpu.memref_slice %arg9[%dma_wait3A_450, %dma_wait3A_451] : memref<10240x16xf32, #tpu.memory_space<vmem_shared>> -> memref<10240x16xf32, #tpu.memory_space<vmem_shared>>
      tpu.wait_indirect_dma semaphore(%arg17 : memref<!tpu.dma_semaphore, #tpu.memory_space<semaphore_mem>>) src(%dma_wait3A_446 : memref<80x16xf32, #tpu.memory_space<vmem>>) dst(%dma_wait3A_452 : memref<10240x16xf32, #tpu.memory_space<vmem_shared>>)
      %add3A_453 = arith.constant 5 : i32
      %add3A_454 = arith.addi %add3A_441, %add3A_453 : i32
      %dma_start3A_455 = arith.constant 2 : i32
      %dma_start3A_456 = arith.constant 0 : i32
      %dma_start3A_457 = arith.constant 0 : i32
      %dma_start3A_458 = tpu.memref_slice %arg8[%dma_start3A_455, %dma_start3A_456, %dma_start3A_457] : memref<5x80x16xf32, #tpu.memory_space<vmem>> -> memref<1x80x16xf32, #tpu.memory_space<vmem>>
      %dma_start3A_459 = tpu.memref_squeeze %dma_start3A_458 : memref<1x80x16xf32, #tpu.memory_space<vmem>> -> memref<80x16xf32, #tpu.memory_space<vmem>>
      %dma_start3A_460 = arith.constant 0 : i32
      %dma_start3A_461 = tpu.memref_slice %arg6[%add3A_454, %dma_start3A_460] : memref<125x80xi32, #tpu.memory_space<vmem>> -> memref<1x80xi32, #tpu.memory_space<vmem>>
      %dma_start3A_462 = tpu.memref_squeeze %dma_start3A_461 : memref<1x80xi32, #tpu.memory_space<vmem>> -> memref<80xi32, #tpu.memory_space<vmem>>
      %dma_start3A_463 = arith.constant 0 : i32
      %dma_start3A_464 = arith.constant 0 : i32
      %dma_start3A_465 = tpu.memref_slice %arg3[%dma_start3A_463, %dma_start3A_464] : memref<10000x16xf32, #tpu.memory_space<hbm>> -> memref<10000x16xf32, #tpu.memory_space<hbm>>
      tpu.enqueue_indirect_dma source(%dma_start3A_465 : memref<10000x16xf32, #tpu.memory_space<hbm>>) target(%dma_start3A_459 : memref<80x16xf32, #tpu.memory_space<vmem>>) offsets(%dma_start3A_462 : memref<80xi32, #tpu.memory_space<vmem>>) semaphore(%arg12 : memref<!tpu.dma_semaphore, #tpu.memory_space<semaphore_mem>>)
      %mul3A_466 = arith.constant 5 : i32
      %mul3A_467 = arith.muli %mul3A_466, %scan3A_251 : i32
      %add3A_468 = arith.constant 3 : i32
      %add3A_469 = arith.addi %mul3A_467, %add3A_468 : i32
      %dma_wait3A_470 = arith.constant 3 : i32
      %dma_wait3A_471 = arith.constant 0 : i32
      %dma_wait3A_472 = arith.constant 0 : i32
      %dma_wait3A_473 = tpu.memref_slice %arg8[%dma_wait3A_470, %dma_wait3A_471, %dma_wait3A_472] : memref<5x80x16xf32, #tpu.memory_space<vmem>> -> memref<1x80x16xf32, #tpu.memory_space<vmem>>
      %dma_wait3A_474 = tpu.memref_squeeze %dma_wait3A_473 : memref<1x80x16xf32, #tpu.memory_space<vmem>> -> memref<80x16xf32, #tpu.memory_space<vmem>>
      %dma_wait3A_475 = arith.constant 0 : i32
      %dma_wait3A_476 = tpu.memref_slice %arg7[%add3A_469, %dma_wait3A_475] : memref<125x80xi32, #tpu.memory_space<vmem>> -> memref<1x80xi32, #tpu.memory_space<vmem>>
      %dma_wait3A_477 = tpu.memref_squeeze %dma_wait3A_476 : memref<1x80xi32, #tpu.memory_space<vmem>> -> memref<80xi32, #tpu.memory_space<vmem>>
      %dma_wait3A_478 = arith.constant 0 : i32
      %dma_wait3A_479 = arith.constant 0 : i32
      %dma_wait3A_480 = tpu.memref_slice %arg9[%dma_wait3A_478, %dma_wait3A_479] : memref<10240x16xf32, #tpu.memory_space<vmem_shared>> -> memref<10240x16xf32, #tpu.memory_space<vmem_shared>>
      tpu.wait_indirect_dma semaphore(%arg18 : memref<!tpu.dma_semaphore, #tpu.memory_space<semaphore_mem>>) src(%dma_wait3A_474 : memref<80x16xf32, #tpu.memory_space<vmem>>) dst(%dma_wait3A_480 : memref<10240x16xf32, #tpu.memory_space<vmem_shared>>)
      %add3A_481 = arith.constant 5 : i32
      %add3A_482 = arith.addi %add3A_469, %add3A_481 : i32
      %dma_start3A_483 = arith.constant 3 : i32
      %dma_start3A_484 = arith.constant 0 : i32
      %dma_start3A_485 = arith.constant 0 : i32
      %dma_start3A_486 = tpu.memref_slice %arg8[%dma_start3A_483, %dma_start3A_484, %dma_start3A_485] : memref<5x80x16xf32, #tpu.memory_space<vmem>> -> memref<1x80x16xf32, #tpu.memory_space<vmem>>
      %dma_start3A_487 = tpu.memref_squeeze %dma_start3A_486 : memref<1x80x16xf32, #tpu.memory_space<vmem>> -> memref<80x16xf32, #tpu.memory_space<vmem>>
      %dma_start3A_488 = arith.constant 0 : i32
      %dma_start3A_489 = tpu.memref_slice %arg6[%add3A_482, %dma_start3A_488] : memref<125x80xi32, #tpu.memory_space<vmem>> -> memref<1x80xi32, #tpu.memory_space<vmem>>
      %dma_start3A_490 = tpu.memref_squeeze %dma_start3A_489 : memref<1x80xi32, #tpu.memory_space<vmem>> -> memref<80xi32, #tpu.memory_space<vmem>>
      %dma_start3A_491 = arith.constant 0 : i32
      %dma_start3A_492 = arith.constant 0 : i32
      %dma_start3A_493 = tpu.memref_slice %arg3[%dma_start3A_491, %dma_start3A_492] : memref<10000x16xf32, #tpu.memory_space<hbm>> -> memref<10000x16xf32, #tpu.memory_space<hbm>>
      tpu.enqueue_indirect_dma source(%dma_start3A_493 : memref<10000x16xf32, #tpu.memory_space<hbm>>) target(%dma_start3A_487 : memref<80x16xf32, #tpu.memory_space<vmem>>) offsets(%dma_start3A_490 : memref<80xi32, #tpu.memory_space<vmem>>) semaphore(%arg13 : memref<!tpu.dma_semaphore, #tpu.memory_space<semaphore_mem>>)
      %mul3A_494 = arith.constant 5 : i32
      %mul3A_495 = arith.muli %mul3A_494, %scan3A_251 : i32
      %add3A_496 = arith.constant 4 : i32
      %add3A_497 = arith.addi %mul3A_495, %add3A_496 : i32
      %dma_wait3A_498 = arith.constant 4 : i32
      %dma_wait3A_499 = arith.constant 0 : i32
      %dma_wait3A_500 = arith.constant 0 : i32
      %dma_wait3A_501 = tpu.memref_slice %arg8[%dma_wait3A_498, %dma_wait3A_499, %dma_wait3A_500] : memref<5x80x16xf32, #tpu.memory_space<vmem>> -> memref<1x80x16xf32, #tpu.memory_space<vmem>>
      %dma_wait3A_502 = tpu.memref_squeeze %dma_wait3A_501 : memref<1x80x16xf32, #tpu.memory_space<vmem>> -> memref<80x16xf32, #tpu.memory_space<vmem>>
      %dma_wait3A_503 = arith.constant 0 : i32
      %dma_wait3A_504 = tpu.memref_slice %arg7[%add3A_497, %dma_wait3A_503] : memref<125x80xi32, #tpu.memory_space<vmem>> -> memref<1x80xi32, #tpu.memory_space<vmem>>
      %dma_wait3A_505 = tpu.memref_squeeze %dma_wait3A_504 : memref<1x80xi32, #tpu.memory_space<vmem>> -> memref<80xi32, #tpu.memory_space<vmem>>
      %dma_wait3A_506 = arith.constant 0 : i32
      %dma_wait3A_507 = arith.constant 0 : i32
      %dma_wait3A_508 = tpu.memref_slice %arg9[%dma_wait3A_506, %dma_wait3A_507] : memref<10240x16xf32, #tpu.memory_space<vmem_shared>> -> memref<10240x16xf32, #tpu.memory_space<vmem_shared>>
      tpu.wait_indirect_dma semaphore(%arg19 : memref<!tpu.dma_semaphore, #tpu.memory_space<semaphore_mem>>) src(%dma_wait3A_502 : memref<80x16xf32, #tpu.memory_space<vmem>>) dst(%dma_wait3A_508 : memref<10240x16xf32, #tpu.memory_space<vmem_shared>>)
      %add3A_509 = arith.constant 5 : i32
      %add3A_510 = arith.addi %add3A_497, %add3A_509 : i32
      %dma_start3A_511 = arith.constant 4 : i32
      %dma_start3A_512 = arith.constant 0 : i32
      %dma_start3A_513 = arith.constant 0 : i32
      %dma_start3A_514 = tpu.memref_slice %arg8[%dma_start3A_511, %dma_start3A_512, %dma_start3A_513] : memref<5x80x16xf32, #tpu.memory_space<vmem>> -> memref<1x80x16xf32, #tpu.memory_space<vmem>>
      %dma_start3A_515 = tpu.memref_squeeze %dma_start3A_514 : memref<1x80x16xf32, #tpu.memory_space<vmem>> -> memref<80x16xf32, #tpu.memory_space<vmem>>
      %dma_start3A_516 = arith.constant 0 : i32
      %dma_start3A_517 = tpu.memref_slice %arg6[%add3A_510, %dma_start3A_516] : memref<125x80xi32, #tpu.memory_space<vmem>> -> memref<1x80xi32, #tpu.memory_space<vmem>>
      %dma_start3A_518 = tpu.memref_squeeze %dma_start3A_517 : memref<1x80xi32, #tpu.memory_space<vmem>> -> memref<80xi32, #tpu.memory_space<vmem>>
      %dma_start3A_519 = arith.constant 0 : i32
      %dma_start3A_520 = arith.constant 0 : i32
      %dma_start3A_521 = tpu.memref_slice %arg3[%dma_start3A_519, %dma_start3A_520] : memref<10000x16xf32, #tpu.memory_space<hbm>> -> memref<10000x16xf32, #tpu.memory_space<hbm>>
      tpu.enqueue_indirect_dma source(%dma_start3A_521 : memref<10000x16xf32, #tpu.memory_space<hbm>>) target(%dma_start3A_515 : memref<80x16xf32, #tpu.memory_space<vmem>>) offsets(%dma_start3A_518 : memref<80xi32, #tpu.memory_space<vmem>>) semaphore(%arg14 : memref<!tpu.dma_semaphore, #tpu.memory_space<semaphore_mem>>)
    }
    %scan3A_66 = arith.constant 24 : i32
    %dma_wait3A = arith.constant 120 : i32
    %dma_wait3A_67 = arith.constant 0 : i32
    %dma_wait3A_68 = arith.constant 0 : i32
    %dma_wait3A_69 = arith.constant 0 : i32
    %dma_wait3A_70 = tpu.memref_slice %arg8[%dma_wait3A_67, %dma_wait3A_68, %dma_wait3A_69] : memref<5x80x16xf32, #tpu.memory_space<vmem>> -> memref<1x80x16xf32, #tpu.memory_space<vmem>>
    %dma_wait3A_71 = tpu.memref_squeeze %dma_wait3A_70 : memref<1x80x16xf32, #tpu.memory_space<vmem>> -> memref<80x16xf32, #tpu.memory_space<vmem>>
    %dma_wait3A_72 = arith.constant 0 : i32
    %dma_wait3A_73 = tpu.memref_slice %arg6[%dma_wait3A, %dma_wait3A_72] : memref<125x80xi32, #tpu.memory_space<vmem>> -> memref<1x80xi32, #tpu.memory_space<vmem>>
    %dma_wait3A_74 = tpu.memref_squeeze %dma_wait3A_73 : memref<1x80xi32, #tpu.memory_space<vmem>> -> memref<80xi32, #tpu.memory_space<vmem>>
    %dma_wait3A_75 = arith.constant 0 : i32
    %dma_wait3A_76 = arith.constant 0 : i32
    %dma_wait3A_77 = tpu.memref_slice %arg3[%dma_wait3A_75, %dma_wait3A_76] : memref<10000x16xf32, #tpu.memory_space<hbm>> -> memref<10000x16xf32, #tpu.memory_space<hbm>>
    tpu.wait_indirect_dma semaphore(%arg10 : memref<!tpu.dma_semaphore, #tpu.memory_space<semaphore_mem>>) src(%dma_wait3A_77 : memref<10000x16xf32, #tpu.memory_space<hbm>>) dst(%dma_wait3A_71 : memref<80x16xf32, #tpu.memory_space<vmem>>)
    %dma_start3A_78 = arith.constant 0 : i32
    %dma_start3A_79 = arith.constant 120 : i32
    %dma_start3A_80 = arith.constant 0 : i32
    %dma_start3A_81 = arith.constant 0 : i32
    %dma_start3A_82 = tpu.memref_slice %arg8[%dma_start3A_78, %dma_start3A_80, %dma_start3A_81] : memref<5x80x16xf32, #tpu.memory_space<vmem>> -> memref<1x80x16xf32, #tpu.memory_space<vmem>>
    %dma_start3A_83 = tpu.memref_squeeze %dma_start3A_82 : memref<1x80x16xf32, #tpu.memory_space<vmem>> -> memref<80x16xf32, #tpu.memory_space<vmem>>
    %dma_start3A_84 = arith.constant 0 : i32
    %dma_start3A_85 = tpu.memref_slice %arg7[%dma_start3A_79, %dma_start3A_84] : memref<125x80xi32, #tpu.memory_space<vmem>> -> memref<1x80xi32, #tpu.memory_space<vmem>>
    %dma_start3A_86 = tpu.memref_squeeze %dma_start3A_85 : memref<1x80xi32, #tpu.memory_space<vmem>> -> memref<80xi32, #tpu.memory_space<vmem>>
    %dma_start3A_87 = arith.constant 0 : i32
    %dma_start3A_88 = arith.constant 0 : i32
    %dma_start3A_89 = tpu.memref_slice %arg9[%dma_start3A_87, %dma_start3A_88] : memref<10240x16xf32, #tpu.memory_space<vmem_shared>> -> memref<10240x16xf32, #tpu.memory_space<vmem_shared>>
    tpu.enqueue_indirect_dma source(%dma_start3A_83 : memref<80x16xf32, #tpu.memory_space<vmem>>) target(%dma_start3A_89 : memref<10240x16xf32, #tpu.memory_space<vmem_shared>>) offsets(%dma_start3A_86 : memref<80xi32, #tpu.memory_space<vmem>>) semaphore(%arg15 : memref<!tpu.dma_semaphore, #tpu.memory_space<semaphore_mem>>) {add = true}
    %dma_wait3A_90 = arith.constant 121 : i32
    %dma_wait3A_91 = arith.constant 1 : i32
    %dma_wait3A_92 = arith.constant 0 : i32
    %dma_wait3A_93 = arith.constant 0 : i32
    %dma_wait3A_94 = tpu.memref_slice %arg8[%dma_wait3A_91, %dma_wait3A_92, %dma_wait3A_93] : memref<5x80x16xf32, #tpu.memory_space<vmem>> -> memref<1x80x16xf32, #tpu.memory_space<vmem>>
    %dma_wait3A_95 = tpu.memref_squeeze %dma_wait3A_94 : memref<1x80x16xf32, #tpu.memory_space<vmem>> -> memref<80x16xf32, #tpu.memory_space<vmem>>
    %dma_wait3A_96 = arith.constant 0 : i32
    %dma_wait3A_97 = tpu.memref_slice %arg6[%dma_wait3A_90, %dma_wait3A_96] : memref<125x80xi32, #tpu.memory_space<vmem>> -> memref<1x80xi32, #tpu.memory_space<vmem>>
    %dma_wait3A_98 = tpu.memref_squeeze %dma_wait3A_97 : memref<1x80xi32, #tpu.memory_space<vmem>> -> memref<80xi32, #tpu.memory_space<vmem>>
    %dma_wait3A_99 = arith.constant 0 : i32
    %dma_wait3A_100 = arith.constant 0 : i32
    %dma_wait3A_101 = tpu.memref_slice %arg3[%dma_wait3A_99, %dma_wait3A_100] : memref<10000x16xf32, #tpu.memory_space<hbm>> -> memref<10000x16xf32, #tpu.memory_space<hbm>>
    tpu.wait_indirect_dma semaphore(%arg11 : memref<!tpu.dma_semaphore, #tpu.memory_space<semaphore_mem>>) src(%dma_wait3A_101 : memref<10000x16xf32, #tpu.memory_space<hbm>>) dst(%dma_wait3A_95 : memref<80x16xf32, #tpu.memory_space<vmem>>)
    %dma_start3A_102 = arith.constant 1 : i32
    %dma_start3A_103 = arith.constant 121 : i32
    %dma_start3A_104 = arith.constant 0 : i32
    %dma_start3A_105 = arith.constant 0 : i32
    %dma_start3A_106 = tpu.memref_slice %arg8[%dma_start3A_102, %dma_start3A_104, %dma_start3A_105] : memref<5x80x16xf32, #tpu.memory_space<vmem>> -> memref<1x80x16xf32, #tpu.memory_space<vmem>>
    %dma_start3A_107 = tpu.memref_squeeze %dma_start3A_106 : memref<1x80x16xf32, #tpu.memory_space<vmem>> -> memref<80x16xf32, #tpu.memory_space<vmem>>
    %dma_start3A_108 = arith.constant 0 : i32
    %dma_start3A_109 = tpu.memref_slice %arg7[%dma_start3A_103, %dma_start3A_108] : memref<125x80xi32, #tpu.memory_space<vmem>> -> memref<1x80xi32, #tpu.memory_space<vmem>>
    %dma_start3A_110 = tpu.memref_squeeze %dma_start3A_109 : memref<1x80xi32, #tpu.memory_space<vmem>> -> memref<80xi32, #tpu.memory_space<vmem>>
    %dma_start3A_111 = arith.constant 0 : i32
    %dma_start3A_112 = arith.constant 0 : i32
    %dma_start3A_113 = tpu.memref_slice %arg9[%dma_start3A_111, %dma_start3A_112] : memref<10240x16xf32, #tpu.memory_space<vmem_shared>> -> memref<10240x16xf32, #tpu.memory_space<vmem_shared>>
    tpu.enqueue_indirect_dma source(%dma_start3A_107 : memref<80x16xf32, #tpu.memory_space<vmem>>) target(%dma_start3A_113 : memref<10240x16xf32, #tpu.memory_space<vmem_shared>>) offsets(%dma_start3A_110 : memref<80xi32, #tpu.memory_space<vmem>>) semaphore(%arg16 : memref<!tpu.dma_semaphore, #tpu.memory_space<semaphore_mem>>) {add = true}
    %dma_wait3A_114 = arith.constant 122 : i32
    %dma_wait3A_115 = arith.constant 2 : i32
    %dma_wait3A_116 = arith.constant 0 : i32
    %dma_wait3A_117 = arith.constant 0 : i32
    %dma_wait3A_118 = tpu.memref_slice %arg8[%dma_wait3A_115, %dma_wait3A_116, %dma_wait3A_117] : memref<5x80x16xf32, #tpu.memory_space<vmem>> -> memref<1x80x16xf32, #tpu.memory_space<vmem>>
    %dma_wait3A_119 = tpu.memref_squeeze %dma_wait3A_118 : memref<1x80x16xf32, #tpu.memory_space<vmem>> -> memref<80x16xf32, #tpu.memory_space<vmem>>
    %dma_wait3A_120 = arith.constant 0 : i32
    %dma_wait3A_121 = tpu.memref_slice %arg6[%dma_wait3A_114, %dma_wait3A_120] : memref<125x80xi32, #tpu.memory_space<vmem>> -> memref<1x80xi32, #tpu.memory_space<vmem>>
    %dma_wait3A_122 = tpu.memref_squeeze %dma_wait3A_121 : memref<1x80xi32, #tpu.memory_space<vmem>> -> memref<80xi32, #tpu.memory_space<vmem>>
    %dma_wait3A_123 = arith.constant 0 : i32
    %dma_wait3A_124 = arith.constant 0 : i32
    %dma_wait3A_125 = tpu.memref_slice %arg3[%dma_wait3A_123, %dma_wait3A_124] : memref<10000x16xf32, #tpu.memory_space<hbm>> -> memref<10000x16xf32, #tpu.memory_space<hbm>>
    tpu.wait_indirect_dma semaphore(%arg12 : memref<!tpu.dma_semaphore, #tpu.memory_space<semaphore_mem>>) src(%dma_wait3A_125 : memref<10000x16xf32, #tpu.memory_space<hbm>>) dst(%dma_wait3A_119 : memref<80x16xf32, #tpu.memory_space<vmem>>)
    %dma_start3A_126 = arith.constant 2 : i32
    %dma_start3A_127 = arith.constant 122 : i32
    %dma_start3A_128 = arith.constant 0 : i32
    %dma_start3A_129 = arith.constant 0 : i32
    %dma_start3A_130 = tpu.memref_slice %arg8[%dma_start3A_126, %dma_start3A_128, %dma_start3A_129] : memref<5x80x16xf32, #tpu.memory_space<vmem>> -> memref<1x80x16xf32, #tpu.memory_space<vmem>>
    %dma_start3A_131 = tpu.memref_squeeze %dma_start3A_130 : memref<1x80x16xf32, #tpu.memory_space<vmem>> -> memref<80x16xf32, #tpu.memory_space<vmem>>
    %dma_start3A_132 = arith.constant 0 : i32
    %dma_start3A_133 = tpu.memref_slice %arg7[%dma_start3A_127, %dma_start3A_132] : memref<125x80xi32, #tpu.memory_space<vmem>> -> memref<1x80xi32, #tpu.memory_space<vmem>>
    %dma_start3A_134 = tpu.memref_squeeze %dma_start3A_133 : memref<1x80xi32, #tpu.memory_space<vmem>> -> memref<80xi32, #tpu.memory_space<vmem>>
    %dma_start3A_135 = arith.constant 0 : i32
    %dma_start3A_136 = arith.constant 0 : i32
    %dma_start3A_137 = tpu.memref_slice %arg9[%dma_start3A_135, %dma_start3A_136] : memref<10240x16xf32, #tpu.memory_space<vmem_shared>> -> memref<10240x16xf32, #tpu.memory_space<vmem_shared>>
    tpu.enqueue_indirect_dma source(%dma_start3A_131 : memref<80x16xf32, #tpu.memory_space<vmem>>) target(%dma_start3A_137 : memref<10240x16xf32, #tpu.memory_space<vmem_shared>>) offsets(%dma_start3A_134 : memref<80xi32, #tpu.memory_space<vmem>>) semaphore(%arg17 : memref<!tpu.dma_semaphore, #tpu.memory_space<semaphore_mem>>) {add = true}
    %dma_wait3A_138 = arith.constant 123 : i32
    %dma_wait3A_139 = arith.constant 3 : i32
    %dma_wait3A_140 = arith.constant 0 : i32
    %dma_wait3A_141 = arith.constant 0 : i32
    %dma_wait3A_142 = tpu.memref_slice %arg8[%dma_wait3A_139, %dma_wait3A_140, %dma_wait3A_141] : memref<5x80x16xf32, #tpu.memory_space<vmem>> -> memref<1x80x16xf32, #tpu.memory_space<vmem>>
    %dma_wait3A_143 = tpu.memref_squeeze %dma_wait3A_142 : memref<1x80x16xf32, #tpu.memory_space<vmem>> -> memref<80x16xf32, #tpu.memory_space<vmem>>
    %dma_wait3A_144 = arith.constant 0 : i32
    %dma_wait3A_145 = tpu.memref_slice %arg6[%dma_wait3A_138, %dma_wait3A_144] : memref<125x80xi32, #tpu.memory_space<vmem>> -> memref<1x80xi32, #tpu.memory_space<vmem>>
    %dma_wait3A_146 = tpu.memref_squeeze %dma_wait3A_145 : memref<1x80xi32, #tpu.memory_space<vmem>> -> memref<80xi32, #tpu.memory_space<vmem>>
    %dma_wait3A_147 = arith.constant 0 : i32
    %dma_wait3A_148 = arith.constant 0 : i32
    %dma_wait3A_149 = tpu.memref_slice %arg3[%dma_wait3A_147, %dma_wait3A_148] : memref<10000x16xf32, #tpu.memory_space<hbm>> -> memref<10000x16xf32, #tpu.memory_space<hbm>>
    tpu.wait_indirect_dma semaphore(%arg13 : memref<!tpu.dma_semaphore, #tpu.memory_space<semaphore_mem>>) src(%dma_wait3A_149 : memref<10000x16xf32, #tpu.memory_space<hbm>>) dst(%dma_wait3A_143 : memref<80x16xf32, #tpu.memory_space<vmem>>)
    %dma_start3A_150 = arith.constant 3 : i32
    %dma_start3A_151 = arith.constant 123 : i32
    %dma_start3A_152 = arith.constant 0 : i32
    %dma_start3A_153 = arith.constant 0 : i32
    %dma_start3A_154 = tpu.memref_slice %arg8[%dma_start3A_150, %dma_start3A_152, %dma_start3A_153] : memref<5x80x16xf32, #tpu.memory_space<vmem>> -> memref<1x80x16xf32, #tpu.memory_space<vmem>>
    %dma_start3A_155 = tpu.memref_squeeze %dma_start3A_154 : memref<1x80x16xf32, #tpu.memory_space<vmem>> -> memref<80x16xf32, #tpu.memory_space<vmem>>
    %dma_start3A_156 = arith.constant 0 : i32
    %dma_start3A_157 = tpu.memref_slice %arg7[%dma_start3A_151, %dma_start3A_156] : memref<125x80xi32, #tpu.memory_space<vmem>> -> memref<1x80xi32, #tpu.memory_space<vmem>>
    %dma_start3A_158 = tpu.memref_squeeze %dma_start3A_157 : memref<1x80xi32, #tpu.memory_space<vmem>> -> memref<80xi32, #tpu.memory_space<vmem>>
    %dma_start3A_159 = arith.constant 0 : i32
    %dma_start3A_160 = arith.constant 0 : i32
    %dma_start3A_161 = tpu.memref_slice %arg9[%dma_start3A_159, %dma_start3A_160] : memref<10240x16xf32, #tpu.memory_space<vmem_shared>> -> memref<10240x16xf32, #tpu.memory_space<vmem_shared>>
    tpu.enqueue_indirect_dma source(%dma_start3A_155 : memref<80x16xf32, #tpu.memory_space<vmem>>) target(%dma_start3A_161 : memref<10240x16xf32, #tpu.memory_space<vmem_shared>>) offsets(%dma_start3A_158 : memref<80xi32, #tpu.memory_space<vmem>>) semaphore(%arg18 : memref<!tpu.dma_semaphore, #tpu.memory_space<semaphore_mem>>) {add = true}
    %dma_wait3A_162 = arith.constant 124 : i32
    %dma_wait3A_163 = arith.constant 4 : i32
    %dma_wait3A_164 = arith.constant 0 : i32
    %dma_wait3A_165 = arith.constant 0 : i32
    %dma_wait3A_166 = tpu.memref_slice %arg8[%dma_wait3A_163, %dma_wait3A_164, %dma_wait3A_165] : memref<5x80x16xf32, #tpu.memory_space<vmem>> -> memref<1x80x16xf32, #tpu.memory_space<vmem>>
    %dma_wait3A_167 = tpu.memref_squeeze %dma_wait3A_166 : memref<1x80x16xf32, #tpu.memory_space<vmem>> -> memref<80x16xf32, #tpu.memory_space<vmem>>
    %dma_wait3A_168 = arith.constant 0 : i32
    %dma_wait3A_169 = tpu.memref_slice %arg6[%dma_wait3A_162, %dma_wait3A_168] : memref<125x80xi32, #tpu.memory_space<vmem>> -> memref<1x80xi32, #tpu.memory_space<vmem>>
    %dma_wait3A_170 = tpu.memref_squeeze %dma_wait3A_169 : memref<1x80xi32, #tpu.memory_space<vmem>> -> memref<80xi32, #tpu.memory_space<vmem>>
    %dma_wait3A_171 = arith.constant 0 : i32
    %dma_wait3A_172 = arith.constant 0 : i32
    %dma_wait3A_173 = tpu.memref_slice %arg3[%dma_wait3A_171, %dma_wait3A_172] : memref<10000x16xf32, #tpu.memory_space<hbm>> -> memref<10000x16xf32, #tpu.memory_space<hbm>>
    tpu.wait_indirect_dma semaphore(%arg14 : memref<!tpu.dma_semaphore, #tpu.memory_space<semaphore_mem>>) src(%dma_wait3A_173 : memref<10000x16xf32, #tpu.memory_space<hbm>>) dst(%dma_wait3A_167 : memref<80x16xf32, #tpu.memory_space<vmem>>)
    %dma_start3A_174 = arith.constant 4 : i32
    %dma_start3A_175 = arith.constant 124 : i32
    %dma_start3A_176 = arith.constant 0 : i32
    %dma_start3A_177 = arith.constant 0 : i32
    %dma_start3A_178 = tpu.memref_slice %arg8[%dma_start3A_174, %dma_start3A_176, %dma_start3A_177] : memref<5x80x16xf32, #tpu.memory_space<vmem>> -> memref<1x80x16xf32, #tpu.memory_space<vmem>>
    %dma_start3A_179 = tpu.memref_squeeze %dma_start3A_178 : memref<1x80x16xf32, #tpu.memory_space<vmem>> -> memref<80x16xf32, #tpu.memory_space<vmem>>
    %dma_start3A_180 = arith.constant 0 : i32
    %dma_start3A_181 = tpu.memref_slice %arg7[%dma_start3A_175, %dma_start3A_180] : memref<125x80xi32, #tpu.memory_space<vmem>> -> memref<1x80xi32, #tpu.memory_space<vmem>>
    %dma_start3A_182 = tpu.memref_squeeze %dma_start3A_181 : memref<1x80xi32, #tpu.memory_space<vmem>> -> memref<80xi32, #tpu.memory_space<vmem>>
    %dma_start3A_183 = arith.constant 0 : i32
    %dma_start3A_184 = arith.constant 0 : i32
    %dma_start3A_185 = tpu.memref_slice %arg9[%dma_start3A_183, %dma_start3A_184] : memref<10240x16xf32, #tpu.memory_space<vmem_shared>> -> memref<10240x16xf32, #tpu.memory_space<vmem_shared>>
    tpu.enqueue_indirect_dma source(%dma_start3A_179 : memref<80x16xf32, #tpu.memory_space<vmem>>) target(%dma_start3A_185 : memref<10240x16xf32, #tpu.memory_space<vmem_shared>>) offsets(%dma_start3A_182 : memref<80xi32, #tpu.memory_space<vmem>>) semaphore(%arg19 : memref<!tpu.dma_semaphore, #tpu.memory_space<semaphore_mem>>) {add = true}
    %dma_wait3A_186 = arith.constant 0 : i32
    %dma_wait3A_187 = arith.constant 120 : i32
    %dma_wait3A_188 = arith.constant 0 : i32
    %dma_wait3A_189 = arith.constant 0 : i32
    %dma_wait3A_190 = tpu.memref_slice %arg8[%dma_wait3A_186, %dma_wait3A_188, %dma_wait3A_189] : memref<5x80x16xf32, #tpu.memory_space<vmem>> -> memref<1x80x16xf32, #tpu.memory_space<vmem>>
    %dma_wait3A_191 = tpu.memref_squeeze %dma_wait3A_190 : memref<1x80x16xf32, #tpu.memory_space<vmem>> -> memref<80x16xf32, #tpu.memory_space<vmem>>
    %dma_wait3A_192 = arith.constant 0 : i32
    %dma_wait3A_193 = tpu.memref_slice %arg7[%dma_wait3A_187, %dma_wait3A_192] : memref<125x80xi32, #tpu.memory_space<vmem>> -> memref<1x80xi32, #tpu.memory_space<vmem>>
    %dma_wait3A_194 = tpu.memref_squeeze %dma_wait3A_193 : memref<1x80xi32, #tpu.memory_space<vmem>> -> memref<80xi32, #tpu.memory_space<vmem>>
    %dma_wait3A_195 = arith.constant 0 : i32
    %dma_wait3A_196 = arith.constant 0 : i32
    %dma_wait3A_197 = tpu.memref_slice %arg9[%dma_wait3A_195, %dma_wait3A_196] : memref<10240x16xf32, #tpu.memory_space<vmem_shared>> -> memref<10240x16xf32, #tpu.memory_space<vmem_shared>>
    tpu.wait_indirect_dma semaphore(%arg15 : memref<!tpu.dma_semaphore, #tpu.memory_space<semaphore_mem>>) src(%dma_wait3A_191 : memref<80x16xf32, #tpu.memory_space<vmem>>) dst(%dma_wait3A_197 : memref<10240x16xf32, #tpu.memory_space<vmem_shared>>)
    %dma_wait3A_198 = arith.constant 1 : i32
    %dma_wait3A_199 = arith.constant 121 : i32
    %dma_wait3A_200 = arith.constant 0 : i32
    %dma_wait3A_201 = arith.constant 0 : i32
    %dma_wait3A_202 = tpu.memref_slice %arg8[%dma_wait3A_198, %dma_wait3A_200, %dma_wait3A_201] : memref<5x80x16xf32, #tpu.memory_space<vmem>> -> memref<1x80x16xf32, #tpu.memory_space<vmem>>
    %dma_wait3A_203 = tpu.memref_squeeze %dma_wait3A_202 : memref<1x80x16xf32, #tpu.memory_space<vmem>> -> memref<80x16xf32, #tpu.memory_space<vmem>>
    %dma_wait3A_204 = arith.constant 0 : i32
    %dma_wait3A_205 = tpu.memref_slice %arg7[%dma_wait3A_199, %dma_wait3A_204] : memref<125x80xi32, #tpu.memory_space<vmem>> -> memref<1x80xi32, #tpu.memory_space<vmem>>
    %dma_wait3A_206 = tpu.memref_squeeze %dma_wait3A_205 : memref<1x80xi32, #tpu.memory_space<vmem>> -> memref<80xi32, #tpu.memory_space<vmem>>
    %dma_wait3A_207 = arith.constant 0 : i32
    %dma_wait3A_208 = arith.constant 0 : i32
    %dma_wait3A_209 = tpu.memref_slice %arg9[%dma_wait3A_207, %dma_wait3A_208] : memref<10240x16xf32, #tpu.memory_space<vmem_shared>> -> memref<10240x16xf32, #tpu.memory_space<vmem_shared>>
    tpu.wait_indirect_dma semaphore(%arg16 : memref<!tpu.dma_semaphore, #tpu.memory_space<semaphore_mem>>) src(%dma_wait3A_203 : memref<80x16xf32, #tpu.memory_space<vmem>>) dst(%dma_wait3A_209 : memref<10240x16xf32, #tpu.memory_space<vmem_shared>>)
    %dma_wait3A_210 = arith.constant 2 : i32
    %dma_wait3A_211 = arith.constant 122 : i32
    %dma_wait3A_212 = arith.constant 0 : i32
    %dma_wait3A_213 = arith.constant 0 : i32
    %dma_wait3A_214 = tpu.memref_slice %arg8[%dma_wait3A_210, %dma_wait3A_212, %dma_wait3A_213] : memref<5x80x16xf32, #tpu.memory_space<vmem>> -> memref<1x80x16xf32, #tpu.memory_space<vmem>>
    %dma_wait3A_215 = tpu.memref_squeeze %dma_wait3A_214 : memref<1x80x16xf32, #tpu.memory_space<vmem>> -> memref<80x16xf32, #tpu.memory_space<vmem>>
    %dma_wait3A_216 = arith.constant 0 : i32
    %dma_wait3A_217 = tpu.memref_slice %arg7[%dma_wait3A_211, %dma_wait3A_216] : memref<125x80xi32, #tpu.memory_space<vmem>> -> memref<1x80xi32, #tpu.memory_space<vmem>>
    %dma_wait3A_218 = tpu.memref_squeeze %dma_wait3A_217 : memref<1x80xi32, #tpu.memory_space<vmem>> -> memref<80xi32, #tpu.memory_space<vmem>>
    %dma_wait3A_219 = arith.constant 0 : i32
    %dma_wait3A_220 = arith.constant 0 : i32
    %dma_wait3A_221 = tpu.memref_slice %arg9[%dma_wait3A_219, %dma_wait3A_220] : memref<10240x16xf32, #tpu.memory_space<vmem_shared>> -> memref<10240x16xf32, #tpu.memory_space<vmem_shared>>
    tpu.wait_indirect_dma semaphore(%arg17 : memref<!tpu.dma_semaphore, #tpu.memory_space<semaphore_mem>>) src(%dma_wait3A_215 : memref<80x16xf32, #tpu.memory_space<vmem>>) dst(%dma_wait3A_221 : memref<10240x16xf32, #tpu.memory_space<vmem_shared>>)
    %dma_wait3A_222 = arith.constant 3 : i32
    %dma_wait3A_223 = arith.constant 123 : i32
    %dma_wait3A_224 = arith.constant 0 : i32
    %dma_wait3A_225 = arith.constant 0 : i32
    %dma_wait3A_226 = tpu.memref_slice %arg8[%dma_wait3A_222, %dma_wait3A_224, %dma_wait3A_225] : memref<5x80x16xf32, #tpu.memory_space<vmem>> -> memref<1x80x16xf32, #tpu.memory_space<vmem>>
    %dma_wait3A_227 = tpu.memref_squeeze %dma_wait3A_226 : memref<1x80x16xf32, #tpu.memory_space<vmem>> -> memref<80x16xf32, #tpu.memory_space<vmem>>
    %dma_wait3A_228 = arith.constant 0 : i32
    %dma_wait3A_229 = tpu.memref_slice %arg7[%dma_wait3A_223, %dma_wait3A_228] : memref<125x80xi32, #tpu.memory_space<vmem>> -> memref<1x80xi32, #tpu.memory_space<vmem>>
    %dma_wait3A_230 = tpu.memref_squeeze %dma_wait3A_229 : memref<1x80xi32, #tpu.memory_space<vmem>> -> memref<80xi32, #tpu.memory_space<vmem>>
    %dma_wait3A_231 = arith.constant 0 : i32
    %dma_wait3A_232 = arith.constant 0 : i32
    %dma_wait3A_233 = tpu.memref_slice %arg9[%dma_wait3A_231, %dma_wait3A_232] : memref<10240x16xf32, #tpu.memory_space<vmem_shared>> -> memref<10240x16xf32, #tpu.memory_space<vmem_shared>>
    tpu.wait_indirect_dma semaphore(%arg18 : memref<!tpu.dma_semaphore, #tpu.memory_space<semaphore_mem>>) src(%dma_wait3A_227 : memref<80x16xf32, #tpu.memory_space<vmem>>) dst(%dma_wait3A_233 : memref<10240x16xf32, #tpu.memory_space<vmem_shared>>)
    %dma_wait3A_234 = arith.constant 4 : i32
    %dma_wait3A_235 = arith.constant 124 : i32
    %dma_wait3A_236 = arith.constant 0 : i32
    %dma_wait3A_237 = arith.constant 0 : i32
    %dma_wait3A_238 = tpu.memref_slice %arg8[%dma_wait3A_234, %dma_wait3A_236, %dma_wait3A_237] : memref<5x80x16xf32, #tpu.memory_space<vmem>> -> memref<1x80x16xf32, #tpu.memory_space<vmem>>
    %dma_wait3A_239 = tpu.memref_squeeze %dma_wait3A_238 : memref<1x80x16xf32, #tpu.memory_space<vmem>> -> memref<80x16xf32, #tpu.memory_space<vmem>>
    %dma_wait3A_240 = arith.constant 0 : i32
    %dma_wait3A_241 = tpu.memref_slice %arg7[%dma_wait3A_235, %dma_wait3A_240] : memref<125x80xi32, #tpu.memory_space<vmem>> -> memref<1x80xi32, #tpu.memory_space<vmem>>
    %dma_wait3A_242 = tpu.memref_squeeze %dma_wait3A_241 : memref<1x80xi32, #tpu.memory_space<vmem>> -> memref<80xi32, #tpu.memory_space<vmem>>
    %dma_wait3A_243 = arith.constant 0 : i32
    %dma_wait3A_244 = arith.constant 0 : i32
    %dma_wait3A_245 = tpu.memref_slice %arg9[%dma_wait3A_243, %dma_wait3A_244] : memref<10240x16xf32, #tpu.memory_space<vmem_shared>> -> memref<10240x16xf32, #tpu.memory_space<vmem_shared>>
    tpu.wait_indirect_dma semaphore(%arg19 : memref<!tpu.dma_semaphore, #tpu.memory_space<semaphore_mem>>) src(%dma_wait3A_239 : memref<80x16xf32, #tpu.memory_space<vmem>>) dst(%dma_wait3A_245 : memref<10240x16xf32, #tpu.memory_space<vmem_shared>>)
    %barrier3A_246 = arith.constant 0 : index
    tpu.barrier barrier_id(%barrier3A_246)
    %mul3A_247 = arith.constant 640 : i32
    %mul3A_248 = arith.muli %arg1, %mul3A_247 : i32
    %mul3A_249 = arith.constant 640 : i32
    %mul3A_250 = arith.muli %arg1, %mul3A_249 : i32
    "tpu.region"() ({
      %run_scoped3A_251 = tpu.sem_alloc : memref<!tpu.dma_semaphore, #tpu.memory_space<semaphore_mem>>
      %dma_start3A_252 = arith.constant 0 : i32
      %dma_start3A_253 = tpu.memref_slice %arg5[%arg0, %mul3A_250, %dma_start3A_252] : memref<2x10240x16xf32, #tpu.memory_space<hbm>> -> memref<1x640x16xf32, #tpu.memory_space<hbm>>
      %dma_start3A_254 = tpu.memref_squeeze %dma_start3A_253 : memref<1x640x16xf32, #tpu.memory_space<hbm>> -> memref<640x16xf32, #tpu.memory_space<hbm>>
      %dma_start3A_255 = arith.constant 0 : i32
      %dma_start3A_256 = tpu.memref_slice %arg9[%mul3A_248, %dma_start3A_255] : memref<10240x16xf32, #tpu.memory_space<vmem_shared>> -> memref<640x16xf32, #tpu.memory_space<vmem_shared>>
      tpu.enqueue_dma source(%dma_start3A_256 : memref<640x16xf32, #tpu.memory_space<vmem_shared>>) target(%dma_start3A_254 : memref<640x16xf32, #tpu.memory_space<hbm>>) target_semaphore(%run_scoped3A_251 : memref<!tpu.dma_semaphore, #tpu.memory_space<semaphore_mem>>)
      %dma_wait3A_257 = arith.constant 0 : i32
      %dma_wait3A_258 = tpu.memref_slice %arg5[%arg0, %mul3A_250, %dma_wait3A_257] : memref<2x10240x16xf32, #tpu.memory_space<hbm>> -> memref<1x640x16xf32, #tpu.memory_space<hbm>>
      %dma_wait3A_259 = tpu.memref_squeeze %dma_wait3A_258 : memref<1x640x16xf32, #tpu.memory_space<hbm>> -> memref<640x16xf32, #tpu.memory_space<hbm>>
      %dma_wait3A_260 = arith.constant 0 : i32
      %dma_wait3A_261 = tpu.memref_slice %arg9[%mul3A_248, %dma_wait3A_260] : memref<10240x16xf32, #tpu.memory_space<vmem_shared>> -> memref<640x16xf32, #tpu.memory_space<vmem_shared>>
      tpu.wait_dma2 semaphore(%run_scoped3A_251 : memref<!tpu.dma_semaphore, #tpu.memory_space<semaphore_mem>>) src(%dma_wait3A_261 : memref<640x16xf32, #tpu.memory_space<vmem_shared>>) dst(%dma_wait3A_259 : memref<640x16xf32, #tpu.memory_space<hbm>>)
      tpu.yield
    }) : () -> ()
    return
  }
}

#map = affine_map<(d0, d1) -> (0, 0, 0, 0)>
#map1 = affine_map<(d0, d1) -> (0, 0)>
#map2 = affine_map<(d0, d1) -> (0, 0, 0)>
module attributes {stable_mosaic.version = 14 : i64} {
  func.func @_agg(%arg0: i32, %arg1: i32, %arg2: memref<2x32x125x80xi32, #tpu.memory_space<hbm>>, %arg3: memref<10000x64xf32, #tpu.memory_space<hbm>>, %arg4: memref<640x64xf32, #tpu.memory_space<hbm>>, %arg5: memref<2x10240x64xf32, #tpu.memory_space<hbm>>, %arg6: memref<125x80xi32, #tpu.memory_space<vmem>>, %arg7: memref<125x80xi32, #tpu.memory_space<vmem>>, %arg8: memref<5x80x64xf32, #tpu.memory_space<vmem>>, %arg9: memref<10240x64xf32, #tpu.memory_space<vmem_shared>>, %arg10: memref<!tpu.dma_semaphore, #tpu.memory_space<semaphore_mem>>, %arg11: memref<!tpu.dma_semaphore, #tpu.memory_space<semaphore_mem>>, %arg12: memref<!tpu.dma_semaphore, #tpu.memory_space<semaphore_mem>>, %arg13: memref<!tpu.dma_semaphore, #tpu.memory_space<semaphore_mem>>, %arg14: memref<!tpu.dma_semaphore, #tpu.memory_space<semaphore_mem>>, %arg15: memref<!tpu.dma_semaphore, #tpu.memory_space<semaphore_mem>>, %arg16: memref<!tpu.dma_semaphore, #tpu.memory_space<semaphore_mem>>, %arg17: memref<!tpu.dma_semaphore, #tpu.memory_space<semaphore_mem>>, %arg18: memref<!tpu.dma_semaphore, #tpu.memory_space<semaphore_mem>>, %arg19: memref<!tpu.dma_semaphore, #tpu.memory_space<semaphore_mem>>) attributes {dimension_semantics = [#tpu.dimension_semantics<core_parallel>, #tpu.dimension_semantics<subcore_parallel>], iteration_bounds = array<i64: 2, 16>, scalar_prefetch = 0 : i64, scratch_operands = 14 : i64, tpu.core_type = #tpu.core_type<sc_vector_subcore>, window_params = [{transform_indices = #map}, {transform_indices = #map1}, {transform_indices = #map1}, {transform_indices = #map2}]} {
    %mul3A = arith.constant 16 : i32
    %mul3A_0 = arith.muli %arg0, %mul3A : i32
    %add3A = arith.addi %mul3A_0, %arg1 : i32
    %mul3A_1 = arith.constant 640 : i32
    %mul3A_2 = arith.muli %arg1, %mul3A_1 : i32
    "tpu.region"() ({
      %run_scoped3A_251 = tpu.sem_alloc : memref<!tpu.dma_semaphore, #tpu.memory_space<semaphore_mem>>
      %dma_start3A_252 = arith.constant 0 : i32
      %dma_start3A_253 = tpu.memref_slice %arg9[%mul3A_2, %dma_start3A_252] : memref<10240x64xf32, #tpu.memory_space<vmem_shared>> -> memref<640x64xf32, #tpu.memory_space<vmem_shared>>
      tpu.enqueue_dma source(%arg4 : memref<640x64xf32, #tpu.memory_space<hbm>>) target(%dma_start3A_253 : memref<640x64xf32, #tpu.memory_space<vmem_shared>>) target_semaphore(%run_scoped3A_251 : memref<!tpu.dma_semaphore, #tpu.memory_space<semaphore_mem>>)
      %dma_wait3A_254 = arith.constant 0 : i32
      %dma_wait3A_255 = tpu.memref_slice %arg9[%mul3A_2, %dma_wait3A_254] : memref<10240x64xf32, #tpu.memory_space<vmem_shared>> -> memref<640x64xf32, #tpu.memory_space<vmem_shared>>
      tpu.wait_dma2 semaphore(%run_scoped3A_251 : memref<!tpu.dma_semaphore, #tpu.memory_space<semaphore_mem>>) src(%arg4 : memref<640x64xf32, #tpu.memory_space<hbm>>) dst(%dma_wait3A_255 : memref<640x64xf32, #tpu.memory_space<vmem_shared>>)
      tpu.yield
    }) : () -> ()
    %barrier3A = arith.constant 0 : index
    tpu.barrier barrier_id(%barrier3A)
    %run_scoped3A = arith.constant 0 : i32
    "tpu.region"() ({
      %run_scoped3A_251 = tpu.sem_alloc : memref<!tpu.dma_semaphore, #tpu.memory_space<semaphore_mem>>
      %dma_start3A_252 = arith.constant 0 : i32
      %dma_start3A_253 = arith.constant 0 : i32
      %dma_start3A_254 = tpu.memref_slice %arg2[%run_scoped3A, %add3A, %dma_start3A_252, %dma_start3A_253] : memref<2x32x125x80xi32, #tpu.memory_space<hbm>> -> memref<1x1x125x80xi32, #tpu.memory_space<hbm>>
      %dma_start3A_255 = tpu.memref_squeeze %dma_start3A_254 : memref<1x1x125x80xi32, #tpu.memory_space<hbm>> -> memref<125x80xi32, #tpu.memory_space<hbm>>
      %dma_start3A_256 = arith.constant 0 : i32
      %dma_start3A_257 = arith.constant 0 : i32
      %dma_start3A_258 = tpu.memref_slice %arg2[%run_scoped3A, %add3A, %dma_start3A_256, %dma_start3A_257] : memref<2x32x125x80xi32, #tpu.memory_space<hbm>> -> memref<1x1x125x80xi32, #tpu.memory_space<hbm>>
      %dma_start3A_259 = tpu.memref_squeeze %dma_start3A_258 : memref<1x1x125x80xi32, #tpu.memory_space<hbm>> -> memref<125x80xi32, #tpu.memory_space<hbm>>
      tpu.enqueue_dma source(%dma_start3A_259 : memref<125x80xi32, #tpu.memory_space<hbm>>) target(%arg6 : memref<125x80xi32, #tpu.memory_space<vmem>>) target_semaphore(%run_scoped3A_251 : memref<!tpu.dma_semaphore, #tpu.memory_space<semaphore_mem>>)
      %dma_wait3A_260 = arith.constant 0 : i32
      %dma_wait3A_261 = arith.constant 0 : i32
      %dma_wait3A_262 = tpu.memref_slice %arg2[%run_scoped3A, %add3A, %dma_wait3A_260, %dma_wait3A_261] : memref<2x32x125x80xi32, #tpu.memory_space<hbm>> -> memref<1x1x125x80xi32, #tpu.memory_space<hbm>>
      %dma_wait3A_263 = tpu.memref_squeeze %dma_wait3A_262 : memref<1x1x125x80xi32, #tpu.memory_space<hbm>> -> memref<125x80xi32, #tpu.memory_space<hbm>>
      %dma_wait3A_264 = arith.constant 0 : i32
      %dma_wait3A_265 = arith.constant 0 : i32
      %dma_wait3A_266 = tpu.memref_slice %arg2[%run_scoped3A, %add3A, %dma_wait3A_264, %dma_wait3A_265] : memref<2x32x125x80xi32, #tpu.memory_space<hbm>> -> memref<1x1x125x80xi32, #tpu.memory_space<hbm>>
      %dma_wait3A_267 = tpu.memref_squeeze %dma_wait3A_266 : memref<1x1x125x80xi32, #tpu.memory_space<hbm>> -> memref<125x80xi32, #tpu.memory_space<hbm>>
      tpu.wait_dma2 semaphore(%run_scoped3A_251 : memref<!tpu.dma_semaphore, #tpu.memory_space<semaphore_mem>>) src(%dma_wait3A_267 : memref<125x80xi32, #tpu.memory_space<hbm>>) dst(%arg6 : memref<125x80xi32, #tpu.memory_space<vmem>>)
      tpu.yield
    }) : () -> ()
    %run_scoped3A_3 = arith.constant 1 : i32
    "tpu.region"() ({
      %run_scoped3A_251 = tpu.sem_alloc : memref<!tpu.dma_semaphore, #tpu.memory_space<semaphore_mem>>
      %dma_start3A_252 = arith.constant 0 : i32
      %dma_start3A_253 = arith.constant 0 : i32
      %dma_start3A_254 = tpu.memref_slice %arg2[%run_scoped3A_3, %add3A, %dma_start3A_252, %dma_start3A_253] : memref<2x32x125x80xi32, #tpu.memory_space<hbm>> -> memref<1x1x125x80xi32, #tpu.memory_space<hbm>>
      %dma_start3A_255 = tpu.memref_squeeze %dma_start3A_254 : memref<1x1x125x80xi32, #tpu.memory_space<hbm>> -> memref<125x80xi32, #tpu.memory_space<hbm>>
      %dma_start3A_256 = arith.constant 0 : i32
      %dma_start3A_257 = arith.constant 0 : i32
      %dma_start3A_258 = tpu.memref_slice %arg2[%run_scoped3A_3, %add3A, %dma_start3A_256, %dma_start3A_257] : memref<2x32x125x80xi32, #tpu.memory_space<hbm>> -> memref<1x1x125x80xi32, #tpu.memory_space<hbm>>
      %dma_start3A_259 = tpu.memref_squeeze %dma_start3A_258 : memref<1x1x125x80xi32, #tpu.memory_space<hbm>> -> memref<125x80xi32, #tpu.memory_space<hbm>>
      tpu.enqueue_dma source(%dma_start3A_259 : memref<125x80xi32, #tpu.memory_space<hbm>>) target(%arg7 : memref<125x80xi32, #tpu.memory_space<vmem>>) target_semaphore(%run_scoped3A_251 : memref<!tpu.dma_semaphore, #tpu.memory_space<semaphore_mem>>)
      %dma_wait3A_260 = arith.constant 0 : i32
      %dma_wait3A_261 = arith.constant 0 : i32
      %dma_wait3A_262 = tpu.memref_slice %arg2[%run_scoped3A_3, %add3A, %dma_wait3A_260, %dma_wait3A_261] : memref<2x32x125x80xi32, #tpu.memory_space<hbm>> -> memref<1x1x125x80xi32, #tpu.memory_space<hbm>>
      %dma_wait3A_263 = tpu.memref_squeeze %dma_wait3A_262 : memref<1x1x125x80xi32, #tpu.memory_space<hbm>> -> memref<125x80xi32, #tpu.memory_space<hbm>>
      %dma_wait3A_264 = arith.constant 0 : i32
      %dma_wait3A_265 = arith.constant 0 : i32
      %dma_wait3A_266 = tpu.memref_slice %arg2[%run_scoped3A_3, %add3A, %dma_wait3A_264, %dma_wait3A_265] : memref<2x32x125x80xi32, #tpu.memory_space<hbm>> -> memref<1x1x125x80xi32, #tpu.memory_space<hbm>>
      %dma_wait3A_267 = tpu.memref_squeeze %dma_wait3A_266 : memref<1x1x125x80xi32, #tpu.memory_space<hbm>> -> memref<125x80xi32, #tpu.memory_space<hbm>>
      tpu.wait_dma2 semaphore(%run_scoped3A_251 : memref<!tpu.dma_semaphore, #tpu.memory_space<semaphore_mem>>) src(%dma_wait3A_267 : memref<125x80xi32, #tpu.memory_space<hbm>>) dst(%arg7 : memref<125x80xi32, #tpu.memory_space<vmem>>)
      tpu.yield
    }) : () -> ()
    %dma_start3A = arith.constant 0 : i32
    %dma_start3A_4 = arith.constant 0 : i32
    %dma_start3A_5 = arith.constant 0 : i32
    %dma_start3A_6 = arith.constant 0 : i32
    %dma_start3A_7 = tpu.memref_slice %arg8[%dma_start3A_4, %dma_start3A_5, %dma_start3A_6] : memref<5x80x64xf32, #tpu.memory_space<vmem>> -> memref<1x80x64xf32, #tpu.memory_space<vmem>>
    %dma_start3A_8 = tpu.memref_squeeze %dma_start3A_7 : memref<1x80x64xf32, #tpu.memory_space<vmem>> -> memref<80x64xf32, #tpu.memory_space<vmem>>
    %dma_start3A_9 = arith.constant 0 : i32
    %dma_start3A_10 = tpu.memref_slice %arg6[%dma_start3A, %dma_start3A_9] : memref<125x80xi32, #tpu.memory_space<vmem>> -> memref<1x80xi32, #tpu.memory_space<vmem>>
    %dma_start3A_11 = tpu.memref_squeeze %dma_start3A_10 : memref<1x80xi32, #tpu.memory_space<vmem>> -> memref<80xi32, #tpu.memory_space<vmem>>
    %dma_start3A_12 = arith.constant 0 : i32
    %dma_start3A_13 = arith.constant 0 : i32
    %dma_start3A_14 = tpu.memref_slice %arg3[%dma_start3A_12, %dma_start3A_13] : memref<10000x64xf32, #tpu.memory_space<hbm>> -> memref<10000x64xf32, #tpu.memory_space<hbm>>
    tpu.enqueue_indirect_dma source(%dma_start3A_14 : memref<10000x64xf32, #tpu.memory_space<hbm>>) target(%dma_start3A_8 : memref<80x64xf32, #tpu.memory_space<vmem>>) offsets(%dma_start3A_11 : memref<80xi32, #tpu.memory_space<vmem>>) semaphore(%arg10 : memref<!tpu.dma_semaphore, #tpu.memory_space<semaphore_mem>>)
    %dma_start3A_15 = arith.constant 1 : i32
    %dma_start3A_16 = arith.constant 1 : i32
    %dma_start3A_17 = arith.constant 0 : i32
    %dma_start3A_18 = arith.constant 0 : i32
    %dma_start3A_19 = tpu.memref_slice %arg8[%dma_start3A_16, %dma_start3A_17, %dma_start3A_18] : memref<5x80x64xf32, #tpu.memory_space<vmem>> -> memref<1x80x64xf32, #tpu.memory_space<vmem>>
    %dma_start3A_20 = tpu.memref_squeeze %dma_start3A_19 : memref<1x80x64xf32, #tpu.memory_space<vmem>> -> memref<80x64xf32, #tpu.memory_space<vmem>>
    %dma_start3A_21 = arith.constant 0 : i32
    %dma_start3A_22 = tpu.memref_slice %arg6[%dma_start3A_15, %dma_start3A_21] : memref<125x80xi32, #tpu.memory_space<vmem>> -> memref<1x80xi32, #tpu.memory_space<vmem>>
    %dma_start3A_23 = tpu.memref_squeeze %dma_start3A_22 : memref<1x80xi32, #tpu.memory_space<vmem>> -> memref<80xi32, #tpu.memory_space<vmem>>
    %dma_start3A_24 = arith.constant 0 : i32
    %dma_start3A_25 = arith.constant 0 : i32
    %dma_start3A_26 = tpu.memref_slice %arg3[%dma_start3A_24, %dma_start3A_25] : memref<10000x64xf32, #tpu.memory_space<hbm>> -> memref<10000x64xf32, #tpu.memory_space<hbm>>
    tpu.enqueue_indirect_dma source(%dma_start3A_26 : memref<10000x64xf32, #tpu.memory_space<hbm>>) target(%dma_start3A_20 : memref<80x64xf32, #tpu.memory_space<vmem>>) offsets(%dma_start3A_23 : memref<80xi32, #tpu.memory_space<vmem>>) semaphore(%arg11 : memref<!tpu.dma_semaphore, #tpu.memory_space<semaphore_mem>>)
    %dma_start3A_27 = arith.constant 2 : i32
    %dma_start3A_28 = arith.constant 2 : i32
    %dma_start3A_29 = arith.constant 0 : i32
    %dma_start3A_30 = arith.constant 0 : i32
    %dma_start3A_31 = tpu.memref_slice %arg8[%dma_start3A_28, %dma_start3A_29, %dma_start3A_30] : memref<5x80x64xf32, #tpu.memory_space<vmem>> -> memref<1x80x64xf32, #tpu.memory_space<vmem>>
    %dma_start3A_32 = tpu.memref_squeeze %dma_start3A_31 : memref<1x80x64xf32, #tpu.memory_space<vmem>> -> memref<80x64xf32, #tpu.memory_space<vmem>>
    %dma_start3A_33 = arith.constant 0 : i32
    %dma_start3A_34 = tpu.memref_slice %arg6[%dma_start3A_27, %dma_start3A_33] : memref<125x80xi32, #tpu.memory_space<vmem>> -> memref<1x80xi32, #tpu.memory_space<vmem>>
    %dma_start3A_35 = tpu.memref_squeeze %dma_start3A_34 : memref<1x80xi32, #tpu.memory_space<vmem>> -> memref<80xi32, #tpu.memory_space<vmem>>
    %dma_start3A_36 = arith.constant 0 : i32
    %dma_start3A_37 = arith.constant 0 : i32
    %dma_start3A_38 = tpu.memref_slice %arg3[%dma_start3A_36, %dma_start3A_37] : memref<10000x64xf32, #tpu.memory_space<hbm>> -> memref<10000x64xf32, #tpu.memory_space<hbm>>
    tpu.enqueue_indirect_dma source(%dma_start3A_38 : memref<10000x64xf32, #tpu.memory_space<hbm>>) target(%dma_start3A_32 : memref<80x64xf32, #tpu.memory_space<vmem>>) offsets(%dma_start3A_35 : memref<80xi32, #tpu.memory_space<vmem>>) semaphore(%arg12 : memref<!tpu.dma_semaphore, #tpu.memory_space<semaphore_mem>>)
    %dma_start3A_39 = arith.constant 3 : i32
    %dma_start3A_40 = arith.constant 3 : i32
    %dma_start3A_41 = arith.constant 0 : i32
    %dma_start3A_42 = arith.constant 0 : i32
    %dma_start3A_43 = tpu.memref_slice %arg8[%dma_start3A_40, %dma_start3A_41, %dma_start3A_42] : memref<5x80x64xf32, #tpu.memory_space<vmem>> -> memref<1x80x64xf32, #tpu.memory_space<vmem>>
    %dma_start3A_44 = tpu.memref_squeeze %dma_start3A_43 : memref<1x80x64xf32, #tpu.memory_space<vmem>> -> memref<80x64xf32, #tpu.memory_space<vmem>>
    %dma_start3A_45 = arith.constant 0 : i32
    %dma_start3A_46 = tpu.memref_slice %arg6[%dma_start3A_39, %dma_start3A_45] : memref<125x80xi32, #tpu.memory_space<vmem>> -> memref<1x80xi32, #tpu.memory_space<vmem>>
    %dma_start3A_47 = tpu.memref_squeeze %dma_start3A_46 : memref<1x80xi32, #tpu.memory_space<vmem>> -> memref<80xi32, #tpu.memory_space<vmem>>
    %dma_start3A_48 = arith.constant 0 : i32
    %dma_start3A_49 = arith.constant 0 : i32
    %dma_start3A_50 = tpu.memref_slice %arg3[%dma_start3A_48, %dma_start3A_49] : memref<10000x64xf32, #tpu.memory_space<hbm>> -> memref<10000x64xf32, #tpu.memory_space<hbm>>
    tpu.enqueue_indirect_dma source(%dma_start3A_50 : memref<10000x64xf32, #tpu.memory_space<hbm>>) target(%dma_start3A_44 : memref<80x64xf32, #tpu.memory_space<vmem>>) offsets(%dma_start3A_47 : memref<80xi32, #tpu.memory_space<vmem>>) semaphore(%arg13 : memref<!tpu.dma_semaphore, #tpu.memory_space<semaphore_mem>>)
    %dma_start3A_51 = arith.constant 4 : i32
    %dma_start3A_52 = arith.constant 4 : i32
    %dma_start3A_53 = arith.constant 0 : i32
    %dma_start3A_54 = arith.constant 0 : i32
    %dma_start3A_55 = tpu.memref_slice %arg8[%dma_start3A_52, %dma_start3A_53, %dma_start3A_54] : memref<5x80x64xf32, #tpu.memory_space<vmem>> -> memref<1x80x64xf32, #tpu.memory_space<vmem>>
    %dma_start3A_56 = tpu.memref_squeeze %dma_start3A_55 : memref<1x80x64xf32, #tpu.memory_space<vmem>> -> memref<80x64xf32, #tpu.memory_space<vmem>>
    %dma_start3A_57 = arith.constant 0 : i32
    %dma_start3A_58 = tpu.memref_slice %arg6[%dma_start3A_51, %dma_start3A_57] : memref<125x80xi32, #tpu.memory_space<vmem>> -> memref<1x80xi32, #tpu.memory_space<vmem>>
    %dma_start3A_59 = tpu.memref_squeeze %dma_start3A_58 : memref<1x80xi32, #tpu.memory_space<vmem>> -> memref<80xi32, #tpu.memory_space<vmem>>
    %dma_start3A_60 = arith.constant 0 : i32
    %dma_start3A_61 = arith.constant 0 : i32
    %dma_start3A_62 = tpu.memref_slice %arg3[%dma_start3A_60, %dma_start3A_61] : memref<10000x64xf32, #tpu.memory_space<hbm>> -> memref<10000x64xf32, #tpu.memory_space<hbm>>
    tpu.enqueue_indirect_dma source(%dma_start3A_62 : memref<10000x64xf32, #tpu.memory_space<hbm>>) target(%dma_start3A_56 : memref<80x64xf32, #tpu.memory_space<vmem>>) offsets(%dma_start3A_59 : memref<80xi32, #tpu.memory_space<vmem>>) semaphore(%arg14 : memref<!tpu.dma_semaphore, #tpu.memory_space<semaphore_mem>>)
    %scan3A = arith.constant 0 : i32
    %scan3A_63 = arith.constant 24 : i32
    %scan3A_64 = arith.addi %scan3A, %scan3A_63 : i32
    %scan3A_65 = arith.constant 1 : i32
    scf.for %scan3A_251 = %scan3A to %scan3A_64 step %scan3A_65  : i32 {
      %mul3A_252 = arith.constant 5 : i32
      %mul3A_253 = arith.muli %mul3A_252, %scan3A_251 : i32
      %add3A_254 = arith.constant 0 : i32
      %add3A_255 = arith.addi %mul3A_253, %add3A_254 : i32
      %dma_wait3A_256 = arith.constant 0 : i32
      %dma_wait3A_257 = arith.constant 0 : i32
      %dma_wait3A_258 = arith.constant 0 : i32
      %dma_wait3A_259 = tpu.memref_slice %arg8[%dma_wait3A_256, %dma_wait3A_257, %dma_wait3A_258] : memref<5x80x64xf32, #tpu.memory_space<vmem>> -> memref<1x80x64xf32, #tpu.memory_space<vmem>>
      %dma_wait3A_260 = tpu.memref_squeeze %dma_wait3A_259 : memref<1x80x64xf32, #tpu.memory_space<vmem>> -> memref<80x64xf32, #tpu.memory_space<vmem>>
      %dma_wait3A_261 = arith.constant 0 : i32
      %dma_wait3A_262 = tpu.memref_slice %arg6[%add3A_255, %dma_wait3A_261] : memref<125x80xi32, #tpu.memory_space<vmem>> -> memref<1x80xi32, #tpu.memory_space<vmem>>
      %dma_wait3A_263 = tpu.memref_squeeze %dma_wait3A_262 : memref<1x80xi32, #tpu.memory_space<vmem>> -> memref<80xi32, #tpu.memory_space<vmem>>
      %dma_wait3A_264 = arith.constant 0 : i32
      %dma_wait3A_265 = arith.constant 0 : i32
      %dma_wait3A_266 = tpu.memref_slice %arg3[%dma_wait3A_264, %dma_wait3A_265] : memref<10000x64xf32, #tpu.memory_space<hbm>> -> memref<10000x64xf32, #tpu.memory_space<hbm>>
      tpu.wait_indirect_dma semaphore(%arg10 : memref<!tpu.dma_semaphore, #tpu.memory_space<semaphore_mem>>) src(%dma_wait3A_266 : memref<10000x64xf32, #tpu.memory_space<hbm>>) dst(%dma_wait3A_260 : memref<80x64xf32, #tpu.memory_space<vmem>>)
      %dma_start3A_267 = arith.constant 0 : i32
      %dma_start3A_268 = arith.constant 0 : i32
      %dma_start3A_269 = arith.constant 0 : i32
      %dma_start3A_270 = tpu.memref_slice %arg8[%dma_start3A_267, %dma_start3A_268, %dma_start3A_269] : memref<5x80x64xf32, #tpu.memory_space<vmem>> -> memref<1x80x64xf32, #tpu.memory_space<vmem>>
      %dma_start3A_271 = tpu.memref_squeeze %dma_start3A_270 : memref<1x80x64xf32, #tpu.memory_space<vmem>> -> memref<80x64xf32, #tpu.memory_space<vmem>>
      %dma_start3A_272 = arith.constant 0 : i32
      %dma_start3A_273 = tpu.memref_slice %arg7[%add3A_255, %dma_start3A_272] : memref<125x80xi32, #tpu.memory_space<vmem>> -> memref<1x80xi32, #tpu.memory_space<vmem>>
      %dma_start3A_274 = tpu.memref_squeeze %dma_start3A_273 : memref<1x80xi32, #tpu.memory_space<vmem>> -> memref<80xi32, #tpu.memory_space<vmem>>
      %dma_start3A_275 = arith.constant 0 : i32
      %dma_start3A_276 = arith.constant 0 : i32
      %dma_start3A_277 = tpu.memref_slice %arg9[%dma_start3A_275, %dma_start3A_276] : memref<10240x64xf32, #tpu.memory_space<vmem_shared>> -> memref<10240x64xf32, #tpu.memory_space<vmem_shared>>
      tpu.enqueue_indirect_dma source(%dma_start3A_271 : memref<80x64xf32, #tpu.memory_space<vmem>>) target(%dma_start3A_277 : memref<10240x64xf32, #tpu.memory_space<vmem_shared>>) offsets(%dma_start3A_274 : memref<80xi32, #tpu.memory_space<vmem>>) semaphore(%arg15 : memref<!tpu.dma_semaphore, #tpu.memory_space<semaphore_mem>>) {add = true}
      %mul3A_278 = arith.constant 5 : i32
      %mul3A_279 = arith.muli %mul3A_278, %scan3A_251 : i32
      %add3A_280 = arith.constant 1 : i32
      %add3A_281 = arith.addi %mul3A_279, %add3A_280 : i32
      %dma_wait3A_282 = arith.constant 1 : i32
      %dma_wait3A_283 = arith.constant 0 : i32
      %dma_wait3A_284 = arith.constant 0 : i32
      %dma_wait3A_285 = tpu.memref_slice %arg8[%dma_wait3A_282, %dma_wait3A_283, %dma_wait3A_284] : memref<5x80x64xf32, #tpu.memory_space<vmem>> -> memref<1x80x64xf32, #tpu.memory_space<vmem>>
      %dma_wait3A_286 = tpu.memref_squeeze %dma_wait3A_285 : memref<1x80x64xf32, #tpu.memory_space<vmem>> -> memref<80x64xf32, #tpu.memory_space<vmem>>
      %dma_wait3A_287 = arith.constant 0 : i32
      %dma_wait3A_288 = tpu.memref_slice %arg6[%add3A_281, %dma_wait3A_287] : memref<125x80xi32, #tpu.memory_space<vmem>> -> memref<1x80xi32, #tpu.memory_space<vmem>>
      %dma_wait3A_289 = tpu.memref_squeeze %dma_wait3A_288 : memref<1x80xi32, #tpu.memory_space<vmem>> -> memref<80xi32, #tpu.memory_space<vmem>>
      %dma_wait3A_290 = arith.constant 0 : i32
      %dma_wait3A_291 = arith.constant 0 : i32
      %dma_wait3A_292 = tpu.memref_slice %arg3[%dma_wait3A_290, %dma_wait3A_291] : memref<10000x64xf32, #tpu.memory_space<hbm>> -> memref<10000x64xf32, #tpu.memory_space<hbm>>
      tpu.wait_indirect_dma semaphore(%arg11 : memref<!tpu.dma_semaphore, #tpu.memory_space<semaphore_mem>>) src(%dma_wait3A_292 : memref<10000x64xf32, #tpu.memory_space<hbm>>) dst(%dma_wait3A_286 : memref<80x64xf32, #tpu.memory_space<vmem>>)
      %dma_start3A_293 = arith.constant 1 : i32
      %dma_start3A_294 = arith.constant 0 : i32
      %dma_start3A_295 = arith.constant 0 : i32
      %dma_start3A_296 = tpu.memref_slice %arg8[%dma_start3A_293, %dma_start3A_294, %dma_start3A_295] : memref<5x80x64xf32, #tpu.memory_space<vmem>> -> memref<1x80x64xf32, #tpu.memory_space<vmem>>
      %dma_start3A_297 = tpu.memref_squeeze %dma_start3A_296 : memref<1x80x64xf32, #tpu.memory_space<vmem>> -> memref<80x64xf32, #tpu.memory_space<vmem>>
      %dma_start3A_298 = arith.constant 0 : i32
      %dma_start3A_299 = tpu.memref_slice %arg7[%add3A_281, %dma_start3A_298] : memref<125x80xi32, #tpu.memory_space<vmem>> -> memref<1x80xi32, #tpu.memory_space<vmem>>
      %dma_start3A_300 = tpu.memref_squeeze %dma_start3A_299 : memref<1x80xi32, #tpu.memory_space<vmem>> -> memref<80xi32, #tpu.memory_space<vmem>>
      %dma_start3A_301 = arith.constant 0 : i32
      %dma_start3A_302 = arith.constant 0 : i32
      %dma_start3A_303 = tpu.memref_slice %arg9[%dma_start3A_301, %dma_start3A_302] : memref<10240x64xf32, #tpu.memory_space<vmem_shared>> -> memref<10240x64xf32, #tpu.memory_space<vmem_shared>>
      tpu.enqueue_indirect_dma source(%dma_start3A_297 : memref<80x64xf32, #tpu.memory_space<vmem>>) target(%dma_start3A_303 : memref<10240x64xf32, #tpu.memory_space<vmem_shared>>) offsets(%dma_start3A_300 : memref<80xi32, #tpu.memory_space<vmem>>) semaphore(%arg16 : memref<!tpu.dma_semaphore, #tpu.memory_space<semaphore_mem>>) {add = true}
      %mul3A_304 = arith.constant 5 : i32
      %mul3A_305 = arith.muli %mul3A_304, %scan3A_251 : i32
      %add3A_306 = arith.constant 2 : i32
      %add3A_307 = arith.addi %mul3A_305, %add3A_306 : i32
      %dma_wait3A_308 = arith.constant 2 : i32
      %dma_wait3A_309 = arith.constant 0 : i32
      %dma_wait3A_310 = arith.constant 0 : i32
      %dma_wait3A_311 = tpu.memref_slice %arg8[%dma_wait3A_308, %dma_wait3A_309, %dma_wait3A_310] : memref<5x80x64xf32, #tpu.memory_space<vmem>> -> memref<1x80x64xf32, #tpu.memory_space<vmem>>
      %dma_wait3A_312 = tpu.memref_squeeze %dma_wait3A_311 : memref<1x80x64xf32, #tpu.memory_space<vmem>> -> memref<80x64xf32, #tpu.memory_space<vmem>>
      %dma_wait3A_313 = arith.constant 0 : i32
      %dma_wait3A_314 = tpu.memref_slice %arg6[%add3A_307, %dma_wait3A_313] : memref<125x80xi32, #tpu.memory_space<vmem>> -> memref<1x80xi32, #tpu.memory_space<vmem>>
      %dma_wait3A_315 = tpu.memref_squeeze %dma_wait3A_314 : memref<1x80xi32, #tpu.memory_space<vmem>> -> memref<80xi32, #tpu.memory_space<vmem>>
      %dma_wait3A_316 = arith.constant 0 : i32
      %dma_wait3A_317 = arith.constant 0 : i32
      %dma_wait3A_318 = tpu.memref_slice %arg3[%dma_wait3A_316, %dma_wait3A_317] : memref<10000x64xf32, #tpu.memory_space<hbm>> -> memref<10000x64xf32, #tpu.memory_space<hbm>>
      tpu.wait_indirect_dma semaphore(%arg12 : memref<!tpu.dma_semaphore, #tpu.memory_space<semaphore_mem>>) src(%dma_wait3A_318 : memref<10000x64xf32, #tpu.memory_space<hbm>>) dst(%dma_wait3A_312 : memref<80x64xf32, #tpu.memory_space<vmem>>)
      %dma_start3A_319 = arith.constant 2 : i32
      %dma_start3A_320 = arith.constant 0 : i32
      %dma_start3A_321 = arith.constant 0 : i32
      %dma_start3A_322 = tpu.memref_slice %arg8[%dma_start3A_319, %dma_start3A_320, %dma_start3A_321] : memref<5x80x64xf32, #tpu.memory_space<vmem>> -> memref<1x80x64xf32, #tpu.memory_space<vmem>>
      %dma_start3A_323 = tpu.memref_squeeze %dma_start3A_322 : memref<1x80x64xf32, #tpu.memory_space<vmem>> -> memref<80x64xf32, #tpu.memory_space<vmem>>
      %dma_start3A_324 = arith.constant 0 : i32
      %dma_start3A_325 = tpu.memref_slice %arg7[%add3A_307, %dma_start3A_324] : memref<125x80xi32, #tpu.memory_space<vmem>> -> memref<1x80xi32, #tpu.memory_space<vmem>>
      %dma_start3A_326 = tpu.memref_squeeze %dma_start3A_325 : memref<1x80xi32, #tpu.memory_space<vmem>> -> memref<80xi32, #tpu.memory_space<vmem>>
      %dma_start3A_327 = arith.constant 0 : i32
      %dma_start3A_328 = arith.constant 0 : i32
      %dma_start3A_329 = tpu.memref_slice %arg9[%dma_start3A_327, %dma_start3A_328] : memref<10240x64xf32, #tpu.memory_space<vmem_shared>> -> memref<10240x64xf32, #tpu.memory_space<vmem_shared>>
      tpu.enqueue_indirect_dma source(%dma_start3A_323 : memref<80x64xf32, #tpu.memory_space<vmem>>) target(%dma_start3A_329 : memref<10240x64xf32, #tpu.memory_space<vmem_shared>>) offsets(%dma_start3A_326 : memref<80xi32, #tpu.memory_space<vmem>>) semaphore(%arg17 : memref<!tpu.dma_semaphore, #tpu.memory_space<semaphore_mem>>) {add = true}
      %mul3A_330 = arith.constant 5 : i32
      %mul3A_331 = arith.muli %mul3A_330, %scan3A_251 : i32
      %add3A_332 = arith.constant 3 : i32
      %add3A_333 = arith.addi %mul3A_331, %add3A_332 : i32
      %dma_wait3A_334 = arith.constant 3 : i32
      %dma_wait3A_335 = arith.constant 0 : i32
      %dma_wait3A_336 = arith.constant 0 : i32
      %dma_wait3A_337 = tpu.memref_slice %arg8[%dma_wait3A_334, %dma_wait3A_335, %dma_wait3A_336] : memref<5x80x64xf32, #tpu.memory_space<vmem>> -> memref<1x80x64xf32, #tpu.memory_space<vmem>>
      %dma_wait3A_338 = tpu.memref_squeeze %dma_wait3A_337 : memref<1x80x64xf32, #tpu.memory_space<vmem>> -> memref<80x64xf32, #tpu.memory_space<vmem>>
      %dma_wait3A_339 = arith.constant 0 : i32
      %dma_wait3A_340 = tpu.memref_slice %arg6[%add3A_333, %dma_wait3A_339] : memref<125x80xi32, #tpu.memory_space<vmem>> -> memref<1x80xi32, #tpu.memory_space<vmem>>
      %dma_wait3A_341 = tpu.memref_squeeze %dma_wait3A_340 : memref<1x80xi32, #tpu.memory_space<vmem>> -> memref<80xi32, #tpu.memory_space<vmem>>
      %dma_wait3A_342 = arith.constant 0 : i32
      %dma_wait3A_343 = arith.constant 0 : i32
      %dma_wait3A_344 = tpu.memref_slice %arg3[%dma_wait3A_342, %dma_wait3A_343] : memref<10000x64xf32, #tpu.memory_space<hbm>> -> memref<10000x64xf32, #tpu.memory_space<hbm>>
      tpu.wait_indirect_dma semaphore(%arg13 : memref<!tpu.dma_semaphore, #tpu.memory_space<semaphore_mem>>) src(%dma_wait3A_344 : memref<10000x64xf32, #tpu.memory_space<hbm>>) dst(%dma_wait3A_338 : memref<80x64xf32, #tpu.memory_space<vmem>>)
      %dma_start3A_345 = arith.constant 3 : i32
      %dma_start3A_346 = arith.constant 0 : i32
      %dma_start3A_347 = arith.constant 0 : i32
      %dma_start3A_348 = tpu.memref_slice %arg8[%dma_start3A_345, %dma_start3A_346, %dma_start3A_347] : memref<5x80x64xf32, #tpu.memory_space<vmem>> -> memref<1x80x64xf32, #tpu.memory_space<vmem>>
      %dma_start3A_349 = tpu.memref_squeeze %dma_start3A_348 : memref<1x80x64xf32, #tpu.memory_space<vmem>> -> memref<80x64xf32, #tpu.memory_space<vmem>>
      %dma_start3A_350 = arith.constant 0 : i32
      %dma_start3A_351 = tpu.memref_slice %arg7[%add3A_333, %dma_start3A_350] : memref<125x80xi32, #tpu.memory_space<vmem>> -> memref<1x80xi32, #tpu.memory_space<vmem>>
      %dma_start3A_352 = tpu.memref_squeeze %dma_start3A_351 : memref<1x80xi32, #tpu.memory_space<vmem>> -> memref<80xi32, #tpu.memory_space<vmem>>
      %dma_start3A_353 = arith.constant 0 : i32
      %dma_start3A_354 = arith.constant 0 : i32
      %dma_start3A_355 = tpu.memref_slice %arg9[%dma_start3A_353, %dma_start3A_354] : memref<10240x64xf32, #tpu.memory_space<vmem_shared>> -> memref<10240x64xf32, #tpu.memory_space<vmem_shared>>
      tpu.enqueue_indirect_dma source(%dma_start3A_349 : memref<80x64xf32, #tpu.memory_space<vmem>>) target(%dma_start3A_355 : memref<10240x64xf32, #tpu.memory_space<vmem_shared>>) offsets(%dma_start3A_352 : memref<80xi32, #tpu.memory_space<vmem>>) semaphore(%arg18 : memref<!tpu.dma_semaphore, #tpu.memory_space<semaphore_mem>>) {add = true}
      %mul3A_356 = arith.constant 5 : i32
      %mul3A_357 = arith.muli %mul3A_356, %scan3A_251 : i32
      %add3A_358 = arith.constant 4 : i32
      %add3A_359 = arith.addi %mul3A_357, %add3A_358 : i32
      %dma_wait3A_360 = arith.constant 4 : i32
      %dma_wait3A_361 = arith.constant 0 : i32
      %dma_wait3A_362 = arith.constant 0 : i32
      %dma_wait3A_363 = tpu.memref_slice %arg8[%dma_wait3A_360, %dma_wait3A_361, %dma_wait3A_362] : memref<5x80x64xf32, #tpu.memory_space<vmem>> -> memref<1x80x64xf32, #tpu.memory_space<vmem>>
      %dma_wait3A_364 = tpu.memref_squeeze %dma_wait3A_363 : memref<1x80x64xf32, #tpu.memory_space<vmem>> -> memref<80x64xf32, #tpu.memory_space<vmem>>
      %dma_wait3A_365 = arith.constant 0 : i32
      %dma_wait3A_366 = tpu.memref_slice %arg6[%add3A_359, %dma_wait3A_365] : memref<125x80xi32, #tpu.memory_space<vmem>> -> memref<1x80xi32, #tpu.memory_space<vmem>>
      %dma_wait3A_367 = tpu.memref_squeeze %dma_wait3A_366 : memref<1x80xi32, #tpu.memory_space<vmem>> -> memref<80xi32, #tpu.memory_space<vmem>>
      %dma_wait3A_368 = arith.constant 0 : i32
      %dma_wait3A_369 = arith.constant 0 : i32
      %dma_wait3A_370 = tpu.memref_slice %arg3[%dma_wait3A_368, %dma_wait3A_369] : memref<10000x64xf32, #tpu.memory_space<hbm>> -> memref<10000x64xf32, #tpu.memory_space<hbm>>
      tpu.wait_indirect_dma semaphore(%arg14 : memref<!tpu.dma_semaphore, #tpu.memory_space<semaphore_mem>>) src(%dma_wait3A_370 : memref<10000x64xf32, #tpu.memory_space<hbm>>) dst(%dma_wait3A_364 : memref<80x64xf32, #tpu.memory_space<vmem>>)
      %dma_start3A_371 = arith.constant 4 : i32
      %dma_start3A_372 = arith.constant 0 : i32
      %dma_start3A_373 = arith.constant 0 : i32
      %dma_start3A_374 = tpu.memref_slice %arg8[%dma_start3A_371, %dma_start3A_372, %dma_start3A_373] : memref<5x80x64xf32, #tpu.memory_space<vmem>> -> memref<1x80x64xf32, #tpu.memory_space<vmem>>
      %dma_start3A_375 = tpu.memref_squeeze %dma_start3A_374 : memref<1x80x64xf32, #tpu.memory_space<vmem>> -> memref<80x64xf32, #tpu.memory_space<vmem>>
      %dma_start3A_376 = arith.constant 0 : i32
      %dma_start3A_377 = tpu.memref_slice %arg7[%add3A_359, %dma_start3A_376] : memref<125x80xi32, #tpu.memory_space<vmem>> -> memref<1x80xi32, #tpu.memory_space<vmem>>
      %dma_start3A_378 = tpu.memref_squeeze %dma_start3A_377 : memref<1x80xi32, #tpu.memory_space<vmem>> -> memref<80xi32, #tpu.memory_space<vmem>>
      %dma_start3A_379 = arith.constant 0 : i32
      %dma_start3A_380 = arith.constant 0 : i32
      %dma_start3A_381 = tpu.memref_slice %arg9[%dma_start3A_379, %dma_start3A_380] : memref<10240x64xf32, #tpu.memory_space<vmem_shared>> -> memref<10240x64xf32, #tpu.memory_space<vmem_shared>>
      tpu.enqueue_indirect_dma source(%dma_start3A_375 : memref<80x64xf32, #tpu.memory_space<vmem>>) target(%dma_start3A_381 : memref<10240x64xf32, #tpu.memory_space<vmem_shared>>) offsets(%dma_start3A_378 : memref<80xi32, #tpu.memory_space<vmem>>) semaphore(%arg19 : memref<!tpu.dma_semaphore, #tpu.memory_space<semaphore_mem>>) {add = true}
      %mul3A_382 = arith.constant 5 : i32
      %mul3A_383 = arith.muli %mul3A_382, %scan3A_251 : i32
      %add3A_384 = arith.constant 0 : i32
      %add3A_385 = arith.addi %mul3A_383, %add3A_384 : i32
      %dma_wait3A_386 = arith.constant 0 : i32
      %dma_wait3A_387 = arith.constant 0 : i32
      %dma_wait3A_388 = arith.constant 0 : i32
      %dma_wait3A_389 = tpu.memref_slice %arg8[%dma_wait3A_386, %dma_wait3A_387, %dma_wait3A_388] : memref<5x80x64xf32, #tpu.memory_space<vmem>> -> memref<1x80x64xf32, #tpu.memory_space<vmem>>
      %dma_wait3A_390 = tpu.memref_squeeze %dma_wait3A_389 : memref<1x80x64xf32, #tpu.memory_space<vmem>> -> memref<80x64xf32, #tpu.memory_space<vmem>>
      %dma_wait3A_391 = arith.constant 0 : i32
      %dma_wait3A_392 = tpu.memref_slice %arg7[%add3A_385, %dma_wait3A_391] : memref<125x80xi32, #tpu.memory_space<vmem>> -> memref<1x80xi32, #tpu.memory_space<vmem>>
      %dma_wait3A_393 = tpu.memref_squeeze %dma_wait3A_392 : memref<1x80xi32, #tpu.memory_space<vmem>> -> memref<80xi32, #tpu.memory_space<vmem>>
      %dma_wait3A_394 = arith.constant 0 : i32
      %dma_wait3A_395 = arith.constant 0 : i32
      %dma_wait3A_396 = tpu.memref_slice %arg9[%dma_wait3A_394, %dma_wait3A_395] : memref<10240x64xf32, #tpu.memory_space<vmem_shared>> -> memref<10240x64xf32, #tpu.memory_space<vmem_shared>>
      tpu.wait_indirect_dma semaphore(%arg15 : memref<!tpu.dma_semaphore, #tpu.memory_space<semaphore_mem>>) src(%dma_wait3A_390 : memref<80x64xf32, #tpu.memory_space<vmem>>) dst(%dma_wait3A_396 : memref<10240x64xf32, #tpu.memory_space<vmem_shared>>)
      %add3A_397 = arith.constant 5 : i32
      %add3A_398 = arith.addi %add3A_385, %add3A_397 : i32
      %dma_start3A_399 = arith.constant 0 : i32
      %dma_start3A_400 = arith.constant 0 : i32
      %dma_start3A_401 = arith.constant 0 : i32
      %dma_start3A_402 = tpu.memref_slice %arg8[%dma_start3A_399, %dma_start3A_400, %dma_start3A_401] : memref<5x80x64xf32, #tpu.memory_space<vmem>> -> memref<1x80x64xf32, #tpu.memory_space<vmem>>
      %dma_start3A_403 = tpu.memref_squeeze %dma_start3A_402 : memref<1x80x64xf32, #tpu.memory_space<vmem>> -> memref<80x64xf32, #tpu.memory_space<vmem>>
      %dma_start3A_404 = arith.constant 0 : i32
      %dma_start3A_405 = tpu.memref_slice %arg6[%add3A_398, %dma_start3A_404] : memref<125x80xi32, #tpu.memory_space<vmem>> -> memref<1x80xi32, #tpu.memory_space<vmem>>
      %dma_start3A_406 = tpu.memref_squeeze %dma_start3A_405 : memref<1x80xi32, #tpu.memory_space<vmem>> -> memref<80xi32, #tpu.memory_space<vmem>>
      %dma_start3A_407 = arith.constant 0 : i32
      %dma_start3A_408 = arith.constant 0 : i32
      %dma_start3A_409 = tpu.memref_slice %arg3[%dma_start3A_407, %dma_start3A_408] : memref<10000x64xf32, #tpu.memory_space<hbm>> -> memref<10000x64xf32, #tpu.memory_space<hbm>>
      tpu.enqueue_indirect_dma source(%dma_start3A_409 : memref<10000x64xf32, #tpu.memory_space<hbm>>) target(%dma_start3A_403 : memref<80x64xf32, #tpu.memory_space<vmem>>) offsets(%dma_start3A_406 : memref<80xi32, #tpu.memory_space<vmem>>) semaphore(%arg10 : memref<!tpu.dma_semaphore, #tpu.memory_space<semaphore_mem>>)
      %mul3A_410 = arith.constant 5 : i32
      %mul3A_411 = arith.muli %mul3A_410, %scan3A_251 : i32
      %add3A_412 = arith.constant 1 : i32
      %add3A_413 = arith.addi %mul3A_411, %add3A_412 : i32
      %dma_wait3A_414 = arith.constant 1 : i32
      %dma_wait3A_415 = arith.constant 0 : i32
      %dma_wait3A_416 = arith.constant 0 : i32
      %dma_wait3A_417 = tpu.memref_slice %arg8[%dma_wait3A_414, %dma_wait3A_415, %dma_wait3A_416] : memref<5x80x64xf32, #tpu.memory_space<vmem>> -> memref<1x80x64xf32, #tpu.memory_space<vmem>>
      %dma_wait3A_418 = tpu.memref_squeeze %dma_wait3A_417 : memref<1x80x64xf32, #tpu.memory_space<vmem>> -> memref<80x64xf32, #tpu.memory_space<vmem>>
      %dma_wait3A_419 = arith.constant 0 : i32
      %dma_wait3A_420 = tpu.memref_slice %arg7[%add3A_413, %dma_wait3A_419] : memref<125x80xi32, #tpu.memory_space<vmem>> -> memref<1x80xi32, #tpu.memory_space<vmem>>
      %dma_wait3A_421 = tpu.memref_squeeze %dma_wait3A_420 : memref<1x80xi32, #tpu.memory_space<vmem>> -> memref<80xi32, #tpu.memory_space<vmem>>
      %dma_wait3A_422 = arith.constant 0 : i32
      %dma_wait3A_423 = arith.constant 0 : i32
      %dma_wait3A_424 = tpu.memref_slice %arg9[%dma_wait3A_422, %dma_wait3A_423] : memref<10240x64xf32, #tpu.memory_space<vmem_shared>> -> memref<10240x64xf32, #tpu.memory_space<vmem_shared>>
      tpu.wait_indirect_dma semaphore(%arg16 : memref<!tpu.dma_semaphore, #tpu.memory_space<semaphore_mem>>) src(%dma_wait3A_418 : memref<80x64xf32, #tpu.memory_space<vmem>>) dst(%dma_wait3A_424 : memref<10240x64xf32, #tpu.memory_space<vmem_shared>>)
      %add3A_425 = arith.constant 5 : i32
      %add3A_426 = arith.addi %add3A_413, %add3A_425 : i32
      %dma_start3A_427 = arith.constant 1 : i32
      %dma_start3A_428 = arith.constant 0 : i32
      %dma_start3A_429 = arith.constant 0 : i32
      %dma_start3A_430 = tpu.memref_slice %arg8[%dma_start3A_427, %dma_start3A_428, %dma_start3A_429] : memref<5x80x64xf32, #tpu.memory_space<vmem>> -> memref<1x80x64xf32, #tpu.memory_space<vmem>>
      %dma_start3A_431 = tpu.memref_squeeze %dma_start3A_430 : memref<1x80x64xf32, #tpu.memory_space<vmem>> -> memref<80x64xf32, #tpu.memory_space<vmem>>
      %dma_start3A_432 = arith.constant 0 : i32
      %dma_start3A_433 = tpu.memref_slice %arg6[%add3A_426, %dma_start3A_432] : memref<125x80xi32, #tpu.memory_space<vmem>> -> memref<1x80xi32, #tpu.memory_space<vmem>>
      %dma_start3A_434 = tpu.memref_squeeze %dma_start3A_433 : memref<1x80xi32, #tpu.memory_space<vmem>> -> memref<80xi32, #tpu.memory_space<vmem>>
      %dma_start3A_435 = arith.constant 0 : i32
      %dma_start3A_436 = arith.constant 0 : i32
      %dma_start3A_437 = tpu.memref_slice %arg3[%dma_start3A_435, %dma_start3A_436] : memref<10000x64xf32, #tpu.memory_space<hbm>> -> memref<10000x64xf32, #tpu.memory_space<hbm>>
      tpu.enqueue_indirect_dma source(%dma_start3A_437 : memref<10000x64xf32, #tpu.memory_space<hbm>>) target(%dma_start3A_431 : memref<80x64xf32, #tpu.memory_space<vmem>>) offsets(%dma_start3A_434 : memref<80xi32, #tpu.memory_space<vmem>>) semaphore(%arg11 : memref<!tpu.dma_semaphore, #tpu.memory_space<semaphore_mem>>)
      %mul3A_438 = arith.constant 5 : i32
      %mul3A_439 = arith.muli %mul3A_438, %scan3A_251 : i32
      %add3A_440 = arith.constant 2 : i32
      %add3A_441 = arith.addi %mul3A_439, %add3A_440 : i32
      %dma_wait3A_442 = arith.constant 2 : i32
      %dma_wait3A_443 = arith.constant 0 : i32
      %dma_wait3A_444 = arith.constant 0 : i32
      %dma_wait3A_445 = tpu.memref_slice %arg8[%dma_wait3A_442, %dma_wait3A_443, %dma_wait3A_444] : memref<5x80x64xf32, #tpu.memory_space<vmem>> -> memref<1x80x64xf32, #tpu.memory_space<vmem>>
      %dma_wait3A_446 = tpu.memref_squeeze %dma_wait3A_445 : memref<1x80x64xf32, #tpu.memory_space<vmem>> -> memref<80x64xf32, #tpu.memory_space<vmem>>
      %dma_wait3A_447 = arith.constant 0 : i32
      %dma_wait3A_448 = tpu.memref_slice %arg7[%add3A_441, %dma_wait3A_447] : memref<125x80xi32, #tpu.memory_space<vmem>> -> memref<1x80xi32, #tpu.memory_space<vmem>>
      %dma_wait3A_449 = tpu.memref_squeeze %dma_wait3A_448 : memref<1x80xi32, #tpu.memory_space<vmem>> -> memref<80xi32, #tpu.memory_space<vmem>>
      %dma_wait3A_450 = arith.constant 0 : i32
      %dma_wait3A_451 = arith.constant 0 : i32
      %dma_wait3A_452 = tpu.memref_slice %arg9[%dma_wait3A_450, %dma_wait3A_451] : memref<10240x64xf32, #tpu.memory_space<vmem_shared>> -> memref<10240x64xf32, #tpu.memory_space<vmem_shared>>
      tpu.wait_indirect_dma semaphore(%arg17 : memref<!tpu.dma_semaphore, #tpu.memory_space<semaphore_mem>>) src(%dma_wait3A_446 : memref<80x64xf32, #tpu.memory_space<vmem>>) dst(%dma_wait3A_452 : memref<10240x64xf32, #tpu.memory_space<vmem_shared>>)
      %add3A_453 = arith.constant 5 : i32
      %add3A_454 = arith.addi %add3A_441, %add3A_453 : i32
      %dma_start3A_455 = arith.constant 2 : i32
      %dma_start3A_456 = arith.constant 0 : i32
      %dma_start3A_457 = arith.constant 0 : i32
      %dma_start3A_458 = tpu.memref_slice %arg8[%dma_start3A_455, %dma_start3A_456, %dma_start3A_457] : memref<5x80x64xf32, #tpu.memory_space<vmem>> -> memref<1x80x64xf32, #tpu.memory_space<vmem>>
      %dma_start3A_459 = tpu.memref_squeeze %dma_start3A_458 : memref<1x80x64xf32, #tpu.memory_space<vmem>> -> memref<80x64xf32, #tpu.memory_space<vmem>>
      %dma_start3A_460 = arith.constant 0 : i32
      %dma_start3A_461 = tpu.memref_slice %arg6[%add3A_454, %dma_start3A_460] : memref<125x80xi32, #tpu.memory_space<vmem>> -> memref<1x80xi32, #tpu.memory_space<vmem>>
      %dma_start3A_462 = tpu.memref_squeeze %dma_start3A_461 : memref<1x80xi32, #tpu.memory_space<vmem>> -> memref<80xi32, #tpu.memory_space<vmem>>
      %dma_start3A_463 = arith.constant 0 : i32
      %dma_start3A_464 = arith.constant 0 : i32
      %dma_start3A_465 = tpu.memref_slice %arg3[%dma_start3A_463, %dma_start3A_464] : memref<10000x64xf32, #tpu.memory_space<hbm>> -> memref<10000x64xf32, #tpu.memory_space<hbm>>
      tpu.enqueue_indirect_dma source(%dma_start3A_465 : memref<10000x64xf32, #tpu.memory_space<hbm>>) target(%dma_start3A_459 : memref<80x64xf32, #tpu.memory_space<vmem>>) offsets(%dma_start3A_462 : memref<80xi32, #tpu.memory_space<vmem>>) semaphore(%arg12 : memref<!tpu.dma_semaphore, #tpu.memory_space<semaphore_mem>>)
      %mul3A_466 = arith.constant 5 : i32
      %mul3A_467 = arith.muli %mul3A_466, %scan3A_251 : i32
      %add3A_468 = arith.constant 3 : i32
      %add3A_469 = arith.addi %mul3A_467, %add3A_468 : i32
      %dma_wait3A_470 = arith.constant 3 : i32
      %dma_wait3A_471 = arith.constant 0 : i32
      %dma_wait3A_472 = arith.constant 0 : i32
      %dma_wait3A_473 = tpu.memref_slice %arg8[%dma_wait3A_470, %dma_wait3A_471, %dma_wait3A_472] : memref<5x80x64xf32, #tpu.memory_space<vmem>> -> memref<1x80x64xf32, #tpu.memory_space<vmem>>
      %dma_wait3A_474 = tpu.memref_squeeze %dma_wait3A_473 : memref<1x80x64xf32, #tpu.memory_space<vmem>> -> memref<80x64xf32, #tpu.memory_space<vmem>>
      %dma_wait3A_475 = arith.constant 0 : i32
      %dma_wait3A_476 = tpu.memref_slice %arg7[%add3A_469, %dma_wait3A_475] : memref<125x80xi32, #tpu.memory_space<vmem>> -> memref<1x80xi32, #tpu.memory_space<vmem>>
      %dma_wait3A_477 = tpu.memref_squeeze %dma_wait3A_476 : memref<1x80xi32, #tpu.memory_space<vmem>> -> memref<80xi32, #tpu.memory_space<vmem>>
      %dma_wait3A_478 = arith.constant 0 : i32
      %dma_wait3A_479 = arith.constant 0 : i32
      %dma_wait3A_480 = tpu.memref_slice %arg9[%dma_wait3A_478, %dma_wait3A_479] : memref<10240x64xf32, #tpu.memory_space<vmem_shared>> -> memref<10240x64xf32, #tpu.memory_space<vmem_shared>>
      tpu.wait_indirect_dma semaphore(%arg18 : memref<!tpu.dma_semaphore, #tpu.memory_space<semaphore_mem>>) src(%dma_wait3A_474 : memref<80x64xf32, #tpu.memory_space<vmem>>) dst(%dma_wait3A_480 : memref<10240x64xf32, #tpu.memory_space<vmem_shared>>)
      %add3A_481 = arith.constant 5 : i32
      %add3A_482 = arith.addi %add3A_469, %add3A_481 : i32
      %dma_start3A_483 = arith.constant 3 : i32
      %dma_start3A_484 = arith.constant 0 : i32
      %dma_start3A_485 = arith.constant 0 : i32
      %dma_start3A_486 = tpu.memref_slice %arg8[%dma_start3A_483, %dma_start3A_484, %dma_start3A_485] : memref<5x80x64xf32, #tpu.memory_space<vmem>> -> memref<1x80x64xf32, #tpu.memory_space<vmem>>
      %dma_start3A_487 = tpu.memref_squeeze %dma_start3A_486 : memref<1x80x64xf32, #tpu.memory_space<vmem>> -> memref<80x64xf32, #tpu.memory_space<vmem>>
      %dma_start3A_488 = arith.constant 0 : i32
      %dma_start3A_489 = tpu.memref_slice %arg6[%add3A_482, %dma_start3A_488] : memref<125x80xi32, #tpu.memory_space<vmem>> -> memref<1x80xi32, #tpu.memory_space<vmem>>
      %dma_start3A_490 = tpu.memref_squeeze %dma_start3A_489 : memref<1x80xi32, #tpu.memory_space<vmem>> -> memref<80xi32, #tpu.memory_space<vmem>>
      %dma_start3A_491 = arith.constant 0 : i32
      %dma_start3A_492 = arith.constant 0 : i32
      %dma_start3A_493 = tpu.memref_slice %arg3[%dma_start3A_491, %dma_start3A_492] : memref<10000x64xf32, #tpu.memory_space<hbm>> -> memref<10000x64xf32, #tpu.memory_space<hbm>>
      tpu.enqueue_indirect_dma source(%dma_start3A_493 : memref<10000x64xf32, #tpu.memory_space<hbm>>) target(%dma_start3A_487 : memref<80x64xf32, #tpu.memory_space<vmem>>) offsets(%dma_start3A_490 : memref<80xi32, #tpu.memory_space<vmem>>) semaphore(%arg13 : memref<!tpu.dma_semaphore, #tpu.memory_space<semaphore_mem>>)
      %mul3A_494 = arith.constant 5 : i32
      %mul3A_495 = arith.muli %mul3A_494, %scan3A_251 : i32
      %add3A_496 = arith.constant 4 : i32
      %add3A_497 = arith.addi %mul3A_495, %add3A_496 : i32
      %dma_wait3A_498 = arith.constant 4 : i32
      %dma_wait3A_499 = arith.constant 0 : i32
      %dma_wait3A_500 = arith.constant 0 : i32
      %dma_wait3A_501 = tpu.memref_slice %arg8[%dma_wait3A_498, %dma_wait3A_499, %dma_wait3A_500] : memref<5x80x64xf32, #tpu.memory_space<vmem>> -> memref<1x80x64xf32, #tpu.memory_space<vmem>>
      %dma_wait3A_502 = tpu.memref_squeeze %dma_wait3A_501 : memref<1x80x64xf32, #tpu.memory_space<vmem>> -> memref<80x64xf32, #tpu.memory_space<vmem>>
      %dma_wait3A_503 = arith.constant 0 : i32
      %dma_wait3A_504 = tpu.memref_slice %arg7[%add3A_497, %dma_wait3A_503] : memref<125x80xi32, #tpu.memory_space<vmem>> -> memref<1x80xi32, #tpu.memory_space<vmem>>
      %dma_wait3A_505 = tpu.memref_squeeze %dma_wait3A_504 : memref<1x80xi32, #tpu.memory_space<vmem>> -> memref<80xi32, #tpu.memory_space<vmem>>
      %dma_wait3A_506 = arith.constant 0 : i32
      %dma_wait3A_507 = arith.constant 0 : i32
      %dma_wait3A_508 = tpu.memref_slice %arg9[%dma_wait3A_506, %dma_wait3A_507] : memref<10240x64xf32, #tpu.memory_space<vmem_shared>> -> memref<10240x64xf32, #tpu.memory_space<vmem_shared>>
      tpu.wait_indirect_dma semaphore(%arg19 : memref<!tpu.dma_semaphore, #tpu.memory_space<semaphore_mem>>) src(%dma_wait3A_502 : memref<80x64xf32, #tpu.memory_space<vmem>>) dst(%dma_wait3A_508 : memref<10240x64xf32, #tpu.memory_space<vmem_shared>>)
      %add3A_509 = arith.constant 5 : i32
      %add3A_510 = arith.addi %add3A_497, %add3A_509 : i32
      %dma_start3A_511 = arith.constant 4 : i32
      %dma_start3A_512 = arith.constant 0 : i32
      %dma_start3A_513 = arith.constant 0 : i32
      %dma_start3A_514 = tpu.memref_slice %arg8[%dma_start3A_511, %dma_start3A_512, %dma_start3A_513] : memref<5x80x64xf32, #tpu.memory_space<vmem>> -> memref<1x80x64xf32, #tpu.memory_space<vmem>>
      %dma_start3A_515 = tpu.memref_squeeze %dma_start3A_514 : memref<1x80x64xf32, #tpu.memory_space<vmem>> -> memref<80x64xf32, #tpu.memory_space<vmem>>
      %dma_start3A_516 = arith.constant 0 : i32
      %dma_start3A_517 = tpu.memref_slice %arg6[%add3A_510, %dma_start3A_516] : memref<125x80xi32, #tpu.memory_space<vmem>> -> memref<1x80xi32, #tpu.memory_space<vmem>>
      %dma_start3A_518 = tpu.memref_squeeze %dma_start3A_517 : memref<1x80xi32, #tpu.memory_space<vmem>> -> memref<80xi32, #tpu.memory_space<vmem>>
      %dma_start3A_519 = arith.constant 0 : i32
      %dma_start3A_520 = arith.constant 0 : i32
      %dma_start3A_521 = tpu.memref_slice %arg3[%dma_start3A_519, %dma_start3A_520] : memref<10000x64xf32, #tpu.memory_space<hbm>> -> memref<10000x64xf32, #tpu.memory_space<hbm>>
      tpu.enqueue_indirect_dma source(%dma_start3A_521 : memref<10000x64xf32, #tpu.memory_space<hbm>>) target(%dma_start3A_515 : memref<80x64xf32, #tpu.memory_space<vmem>>) offsets(%dma_start3A_518 : memref<80xi32, #tpu.memory_space<vmem>>) semaphore(%arg14 : memref<!tpu.dma_semaphore, #tpu.memory_space<semaphore_mem>>)
    }
    %scan3A_66 = arith.constant 24 : i32
    %dma_wait3A = arith.constant 120 : i32
    %dma_wait3A_67 = arith.constant 0 : i32
    %dma_wait3A_68 = arith.constant 0 : i32
    %dma_wait3A_69 = arith.constant 0 : i32
    %dma_wait3A_70 = tpu.memref_slice %arg8[%dma_wait3A_67, %dma_wait3A_68, %dma_wait3A_69] : memref<5x80x64xf32, #tpu.memory_space<vmem>> -> memref<1x80x64xf32, #tpu.memory_space<vmem>>
    %dma_wait3A_71 = tpu.memref_squeeze %dma_wait3A_70 : memref<1x80x64xf32, #tpu.memory_space<vmem>> -> memref<80x64xf32, #tpu.memory_space<vmem>>
    %dma_wait3A_72 = arith.constant 0 : i32
    %dma_wait3A_73 = tpu.memref_slice %arg6[%dma_wait3A, %dma_wait3A_72] : memref<125x80xi32, #tpu.memory_space<vmem>> -> memref<1x80xi32, #tpu.memory_space<vmem>>
    %dma_wait3A_74 = tpu.memref_squeeze %dma_wait3A_73 : memref<1x80xi32, #tpu.memory_space<vmem>> -> memref<80xi32, #tpu.memory_space<vmem>>
    %dma_wait3A_75 = arith.constant 0 : i32
    %dma_wait3A_76 = arith.constant 0 : i32
    %dma_wait3A_77 = tpu.memref_slice %arg3[%dma_wait3A_75, %dma_wait3A_76] : memref<10000x64xf32, #tpu.memory_space<hbm>> -> memref<10000x64xf32, #tpu.memory_space<hbm>>
    tpu.wait_indirect_dma semaphore(%arg10 : memref<!tpu.dma_semaphore, #tpu.memory_space<semaphore_mem>>) src(%dma_wait3A_77 : memref<10000x64xf32, #tpu.memory_space<hbm>>) dst(%dma_wait3A_71 : memref<80x64xf32, #tpu.memory_space<vmem>>)
    %dma_start3A_78 = arith.constant 0 : i32
    %dma_start3A_79 = arith.constant 120 : i32
    %dma_start3A_80 = arith.constant 0 : i32
    %dma_start3A_81 = arith.constant 0 : i32
    %dma_start3A_82 = tpu.memref_slice %arg8[%dma_start3A_78, %dma_start3A_80, %dma_start3A_81] : memref<5x80x64xf32, #tpu.memory_space<vmem>> -> memref<1x80x64xf32, #tpu.memory_space<vmem>>
    %dma_start3A_83 = tpu.memref_squeeze %dma_start3A_82 : memref<1x80x64xf32, #tpu.memory_space<vmem>> -> memref<80x64xf32, #tpu.memory_space<vmem>>
    %dma_start3A_84 = arith.constant 0 : i32
    %dma_start3A_85 = tpu.memref_slice %arg7[%dma_start3A_79, %dma_start3A_84] : memref<125x80xi32, #tpu.memory_space<vmem>> -> memref<1x80xi32, #tpu.memory_space<vmem>>
    %dma_start3A_86 = tpu.memref_squeeze %dma_start3A_85 : memref<1x80xi32, #tpu.memory_space<vmem>> -> memref<80xi32, #tpu.memory_space<vmem>>
    %dma_start3A_87 = arith.constant 0 : i32
    %dma_start3A_88 = arith.constant 0 : i32
    %dma_start3A_89 = tpu.memref_slice %arg9[%dma_start3A_87, %dma_start3A_88] : memref<10240x64xf32, #tpu.memory_space<vmem_shared>> -> memref<10240x64xf32, #tpu.memory_space<vmem_shared>>
    tpu.enqueue_indirect_dma source(%dma_start3A_83 : memref<80x64xf32, #tpu.memory_space<vmem>>) target(%dma_start3A_89 : memref<10240x64xf32, #tpu.memory_space<vmem_shared>>) offsets(%dma_start3A_86 : memref<80xi32, #tpu.memory_space<vmem>>) semaphore(%arg15 : memref<!tpu.dma_semaphore, #tpu.memory_space<semaphore_mem>>) {add = true}
    %dma_wait3A_90 = arith.constant 121 : i32
    %dma_wait3A_91 = arith.constant 1 : i32
    %dma_wait3A_92 = arith.constant 0 : i32
    %dma_wait3A_93 = arith.constant 0 : i32
    %dma_wait3A_94 = tpu.memref_slice %arg8[%dma_wait3A_91, %dma_wait3A_92, %dma_wait3A_93] : memref<5x80x64xf32, #tpu.memory_space<vmem>> -> memref<1x80x64xf32, #tpu.memory_space<vmem>>
    %dma_wait3A_95 = tpu.memref_squeeze %dma_wait3A_94 : memref<1x80x64xf32, #tpu.memory_space<vmem>> -> memref<80x64xf32, #tpu.memory_space<vmem>>
    %dma_wait3A_96 = arith.constant 0 : i32
    %dma_wait3A_97 = tpu.memref_slice %arg6[%dma_wait3A_90, %dma_wait3A_96] : memref<125x80xi32, #tpu.memory_space<vmem>> -> memref<1x80xi32, #tpu.memory_space<vmem>>
    %dma_wait3A_98 = tpu.memref_squeeze %dma_wait3A_97 : memref<1x80xi32, #tpu.memory_space<vmem>> -> memref<80xi32, #tpu.memory_space<vmem>>
    %dma_wait3A_99 = arith.constant 0 : i32
    %dma_wait3A_100 = arith.constant 0 : i32
    %dma_wait3A_101 = tpu.memref_slice %arg3[%dma_wait3A_99, %dma_wait3A_100] : memref<10000x64xf32, #tpu.memory_space<hbm>> -> memref<10000x64xf32, #tpu.memory_space<hbm>>
    tpu.wait_indirect_dma semaphore(%arg11 : memref<!tpu.dma_semaphore, #tpu.memory_space<semaphore_mem>>) src(%dma_wait3A_101 : memref<10000x64xf32, #tpu.memory_space<hbm>>) dst(%dma_wait3A_95 : memref<80x64xf32, #tpu.memory_space<vmem>>)
    %dma_start3A_102 = arith.constant 1 : i32
    %dma_start3A_103 = arith.constant 121 : i32
    %dma_start3A_104 = arith.constant 0 : i32
    %dma_start3A_105 = arith.constant 0 : i32
    %dma_start3A_106 = tpu.memref_slice %arg8[%dma_start3A_102, %dma_start3A_104, %dma_start3A_105] : memref<5x80x64xf32, #tpu.memory_space<vmem>> -> memref<1x80x64xf32, #tpu.memory_space<vmem>>
    %dma_start3A_107 = tpu.memref_squeeze %dma_start3A_106 : memref<1x80x64xf32, #tpu.memory_space<vmem>> -> memref<80x64xf32, #tpu.memory_space<vmem>>
    %dma_start3A_108 = arith.constant 0 : i32
    %dma_start3A_109 = tpu.memref_slice %arg7[%dma_start3A_103, %dma_start3A_108] : memref<125x80xi32, #tpu.memory_space<vmem>> -> memref<1x80xi32, #tpu.memory_space<vmem>>
    %dma_start3A_110 = tpu.memref_squeeze %dma_start3A_109 : memref<1x80xi32, #tpu.memory_space<vmem>> -> memref<80xi32, #tpu.memory_space<vmem>>
    %dma_start3A_111 = arith.constant 0 : i32
    %dma_start3A_112 = arith.constant 0 : i32
    %dma_start3A_113 = tpu.memref_slice %arg9[%dma_start3A_111, %dma_start3A_112] : memref<10240x64xf32, #tpu.memory_space<vmem_shared>> -> memref<10240x64xf32, #tpu.memory_space<vmem_shared>>
    tpu.enqueue_indirect_dma source(%dma_start3A_107 : memref<80x64xf32, #tpu.memory_space<vmem>>) target(%dma_start3A_113 : memref<10240x64xf32, #tpu.memory_space<vmem_shared>>) offsets(%dma_start3A_110 : memref<80xi32, #tpu.memory_space<vmem>>) semaphore(%arg16 : memref<!tpu.dma_semaphore, #tpu.memory_space<semaphore_mem>>) {add = true}
    %dma_wait3A_114 = arith.constant 122 : i32
    %dma_wait3A_115 = arith.constant 2 : i32
    %dma_wait3A_116 = arith.constant 0 : i32
    %dma_wait3A_117 = arith.constant 0 : i32
    %dma_wait3A_118 = tpu.memref_slice %arg8[%dma_wait3A_115, %dma_wait3A_116, %dma_wait3A_117] : memref<5x80x64xf32, #tpu.memory_space<vmem>> -> memref<1x80x64xf32, #tpu.memory_space<vmem>>
    %dma_wait3A_119 = tpu.memref_squeeze %dma_wait3A_118 : memref<1x80x64xf32, #tpu.memory_space<vmem>> -> memref<80x64xf32, #tpu.memory_space<vmem>>
    %dma_wait3A_120 = arith.constant 0 : i32
    %dma_wait3A_121 = tpu.memref_slice %arg6[%dma_wait3A_114, %dma_wait3A_120] : memref<125x80xi32, #tpu.memory_space<vmem>> -> memref<1x80xi32, #tpu.memory_space<vmem>>
    %dma_wait3A_122 = tpu.memref_squeeze %dma_wait3A_121 : memref<1x80xi32, #tpu.memory_space<vmem>> -> memref<80xi32, #tpu.memory_space<vmem>>
    %dma_wait3A_123 = arith.constant 0 : i32
    %dma_wait3A_124 = arith.constant 0 : i32
    %dma_wait3A_125 = tpu.memref_slice %arg3[%dma_wait3A_123, %dma_wait3A_124] : memref<10000x64xf32, #tpu.memory_space<hbm>> -> memref<10000x64xf32, #tpu.memory_space<hbm>>
    tpu.wait_indirect_dma semaphore(%arg12 : memref<!tpu.dma_semaphore, #tpu.memory_space<semaphore_mem>>) src(%dma_wait3A_125 : memref<10000x64xf32, #tpu.memory_space<hbm>>) dst(%dma_wait3A_119 : memref<80x64xf32, #tpu.memory_space<vmem>>)
    %dma_start3A_126 = arith.constant 2 : i32
    %dma_start3A_127 = arith.constant 122 : i32
    %dma_start3A_128 = arith.constant 0 : i32
    %dma_start3A_129 = arith.constant 0 : i32
    %dma_start3A_130 = tpu.memref_slice %arg8[%dma_start3A_126, %dma_start3A_128, %dma_start3A_129] : memref<5x80x64xf32, #tpu.memory_space<vmem>> -> memref<1x80x64xf32, #tpu.memory_space<vmem>>
    %dma_start3A_131 = tpu.memref_squeeze %dma_start3A_130 : memref<1x80x64xf32, #tpu.memory_space<vmem>> -> memref<80x64xf32, #tpu.memory_space<vmem>>
    %dma_start3A_132 = arith.constant 0 : i32
    %dma_start3A_133 = tpu.memref_slice %arg7[%dma_start3A_127, %dma_start3A_132] : memref<125x80xi32, #tpu.memory_space<vmem>> -> memref<1x80xi32, #tpu.memory_space<vmem>>
    %dma_start3A_134 = tpu.memref_squeeze %dma_start3A_133 : memref<1x80xi32, #tpu.memory_space<vmem>> -> memref<80xi32, #tpu.memory_space<vmem>>
    %dma_start3A_135 = arith.constant 0 : i32
    %dma_start3A_136 = arith.constant 0 : i32
    %dma_start3A_137 = tpu.memref_slice %arg9[%dma_start3A_135, %dma_start3A_136] : memref<10240x64xf32, #tpu.memory_space<vmem_shared>> -> memref<10240x64xf32, #tpu.memory_space<vmem_shared>>
    tpu.enqueue_indirect_dma source(%dma_start3A_131 : memref<80x64xf32, #tpu.memory_space<vmem>>) target(%dma_start3A_137 : memref<10240x64xf32, #tpu.memory_space<vmem_shared>>) offsets(%dma_start3A_134 : memref<80xi32, #tpu.memory_space<vmem>>) semaphore(%arg17 : memref<!tpu.dma_semaphore, #tpu.memory_space<semaphore_mem>>) {add = true}
    %dma_wait3A_138 = arith.constant 123 : i32
    %dma_wait3A_139 = arith.constant 3 : i32
    %dma_wait3A_140 = arith.constant 0 : i32
    %dma_wait3A_141 = arith.constant 0 : i32
    %dma_wait3A_142 = tpu.memref_slice %arg8[%dma_wait3A_139, %dma_wait3A_140, %dma_wait3A_141] : memref<5x80x64xf32, #tpu.memory_space<vmem>> -> memref<1x80x64xf32, #tpu.memory_space<vmem>>
    %dma_wait3A_143 = tpu.memref_squeeze %dma_wait3A_142 : memref<1x80x64xf32, #tpu.memory_space<vmem>> -> memref<80x64xf32, #tpu.memory_space<vmem>>
    %dma_wait3A_144 = arith.constant 0 : i32
    %dma_wait3A_145 = tpu.memref_slice %arg6[%dma_wait3A_138, %dma_wait3A_144] : memref<125x80xi32, #tpu.memory_space<vmem>> -> memref<1x80xi32, #tpu.memory_space<vmem>>
    %dma_wait3A_146 = tpu.memref_squeeze %dma_wait3A_145 : memref<1x80xi32, #tpu.memory_space<vmem>> -> memref<80xi32, #tpu.memory_space<vmem>>
    %dma_wait3A_147 = arith.constant 0 : i32
    %dma_wait3A_148 = arith.constant 0 : i32
    %dma_wait3A_149 = tpu.memref_slice %arg3[%dma_wait3A_147, %dma_wait3A_148] : memref<10000x64xf32, #tpu.memory_space<hbm>> -> memref<10000x64xf32, #tpu.memory_space<hbm>>
    tpu.wait_indirect_dma semaphore(%arg13 : memref<!tpu.dma_semaphore, #tpu.memory_space<semaphore_mem>>) src(%dma_wait3A_149 : memref<10000x64xf32, #tpu.memory_space<hbm>>) dst(%dma_wait3A_143 : memref<80x64xf32, #tpu.memory_space<vmem>>)
    %dma_start3A_150 = arith.constant 3 : i32
    %dma_start3A_151 = arith.constant 123 : i32
    %dma_start3A_152 = arith.constant 0 : i32
    %dma_start3A_153 = arith.constant 0 : i32
    %dma_start3A_154 = tpu.memref_slice %arg8[%dma_start3A_150, %dma_start3A_152, %dma_start3A_153] : memref<5x80x64xf32, #tpu.memory_space<vmem>> -> memref<1x80x64xf32, #tpu.memory_space<vmem>>
    %dma_start3A_155 = tpu.memref_squeeze %dma_start3A_154 : memref<1x80x64xf32, #tpu.memory_space<vmem>> -> memref<80x64xf32, #tpu.memory_space<vmem>>
    %dma_start3A_156 = arith.constant 0 : i32
    %dma_start3A_157 = tpu.memref_slice %arg7[%dma_start3A_151, %dma_start3A_156] : memref<125x80xi32, #tpu.memory_space<vmem>> -> memref<1x80xi32, #tpu.memory_space<vmem>>
    %dma_start3A_158 = tpu.memref_squeeze %dma_start3A_157 : memref<1x80xi32, #tpu.memory_space<vmem>> -> memref<80xi32, #tpu.memory_space<vmem>>
    %dma_start3A_159 = arith.constant 0 : i32
    %dma_start3A_160 = arith.constant 0 : i32
    %dma_start3A_161 = tpu.memref_slice %arg9[%dma_start3A_159, %dma_start3A_160] : memref<10240x64xf32, #tpu.memory_space<vmem_shared>> -> memref<10240x64xf32, #tpu.memory_space<vmem_shared>>
    tpu.enqueue_indirect_dma source(%dma_start3A_155 : memref<80x64xf32, #tpu.memory_space<vmem>>) target(%dma_start3A_161 : memref<10240x64xf32, #tpu.memory_space<vmem_shared>>) offsets(%dma_start3A_158 : memref<80xi32, #tpu.memory_space<vmem>>) semaphore(%arg18 : memref<!tpu.dma_semaphore, #tpu.memory_space<semaphore_mem>>) {add = true}
    %dma_wait3A_162 = arith.constant 124 : i32
    %dma_wait3A_163 = arith.constant 4 : i32
    %dma_wait3A_164 = arith.constant 0 : i32
    %dma_wait3A_165 = arith.constant 0 : i32
    %dma_wait3A_166 = tpu.memref_slice %arg8[%dma_wait3A_163, %dma_wait3A_164, %dma_wait3A_165] : memref<5x80x64xf32, #tpu.memory_space<vmem>> -> memref<1x80x64xf32, #tpu.memory_space<vmem>>
    %dma_wait3A_167 = tpu.memref_squeeze %dma_wait3A_166 : memref<1x80x64xf32, #tpu.memory_space<vmem>> -> memref<80x64xf32, #tpu.memory_space<vmem>>
    %dma_wait3A_168 = arith.constant 0 : i32
    %dma_wait3A_169 = tpu.memref_slice %arg6[%dma_wait3A_162, %dma_wait3A_168] : memref<125x80xi32, #tpu.memory_space<vmem>> -> memref<1x80xi32, #tpu.memory_space<vmem>>
    %dma_wait3A_170 = tpu.memref_squeeze %dma_wait3A_169 : memref<1x80xi32, #tpu.memory_space<vmem>> -> memref<80xi32, #tpu.memory_space<vmem>>
    %dma_wait3A_171 = arith.constant 0 : i32
    %dma_wait3A_172 = arith.constant 0 : i32
    %dma_wait3A_173 = tpu.memref_slice %arg3[%dma_wait3A_171, %dma_wait3A_172] : memref<10000x64xf32, #tpu.memory_space<hbm>> -> memref<10000x64xf32, #tpu.memory_space<hbm>>
    tpu.wait_indirect_dma semaphore(%arg14 : memref<!tpu.dma_semaphore, #tpu.memory_space<semaphore_mem>>) src(%dma_wait3A_173 : memref<10000x64xf32, #tpu.memory_space<hbm>>) dst(%dma_wait3A_167 : memref<80x64xf32, #tpu.memory_space<vmem>>)
    %dma_start3A_174 = arith.constant 4 : i32
    %dma_start3A_175 = arith.constant 124 : i32
    %dma_start3A_176 = arith.constant 0 : i32
    %dma_start3A_177 = arith.constant 0 : i32
    %dma_start3A_178 = tpu.memref_slice %arg8[%dma_start3A_174, %dma_start3A_176, %dma_start3A_177] : memref<5x80x64xf32, #tpu.memory_space<vmem>> -> memref<1x80x64xf32, #tpu.memory_space<vmem>>
    %dma_start3A_179 = tpu.memref_squeeze %dma_start3A_178 : memref<1x80x64xf32, #tpu.memory_space<vmem>> -> memref<80x64xf32, #tpu.memory_space<vmem>>
    %dma_start3A_180 = arith.constant 0 : i32
    %dma_start3A_181 = tpu.memref_slice %arg7[%dma_start3A_175, %dma_start3A_180] : memref<125x80xi32, #tpu.memory_space<vmem>> -> memref<1x80xi32, #tpu.memory_space<vmem>>
    %dma_start3A_182 = tpu.memref_squeeze %dma_start3A_181 : memref<1x80xi32, #tpu.memory_space<vmem>> -> memref<80xi32, #tpu.memory_space<vmem>>
    %dma_start3A_183 = arith.constant 0 : i32
    %dma_start3A_184 = arith.constant 0 : i32
    %dma_start3A_185 = tpu.memref_slice %arg9[%dma_start3A_183, %dma_start3A_184] : memref<10240x64xf32, #tpu.memory_space<vmem_shared>> -> memref<10240x64xf32, #tpu.memory_space<vmem_shared>>
    tpu.enqueue_indirect_dma source(%dma_start3A_179 : memref<80x64xf32, #tpu.memory_space<vmem>>) target(%dma_start3A_185 : memref<10240x64xf32, #tpu.memory_space<vmem_shared>>) offsets(%dma_start3A_182 : memref<80xi32, #tpu.memory_space<vmem>>) semaphore(%arg19 : memref<!tpu.dma_semaphore, #tpu.memory_space<semaphore_mem>>) {add = true}
    %dma_wait3A_186 = arith.constant 0 : i32
    %dma_wait3A_187 = arith.constant 120 : i32
    %dma_wait3A_188 = arith.constant 0 : i32
    %dma_wait3A_189 = arith.constant 0 : i32
    %dma_wait3A_190 = tpu.memref_slice %arg8[%dma_wait3A_186, %dma_wait3A_188, %dma_wait3A_189] : memref<5x80x64xf32, #tpu.memory_space<vmem>> -> memref<1x80x64xf32, #tpu.memory_space<vmem>>
    %dma_wait3A_191 = tpu.memref_squeeze %dma_wait3A_190 : memref<1x80x64xf32, #tpu.memory_space<vmem>> -> memref<80x64xf32, #tpu.memory_space<vmem>>
    %dma_wait3A_192 = arith.constant 0 : i32
    %dma_wait3A_193 = tpu.memref_slice %arg7[%dma_wait3A_187, %dma_wait3A_192] : memref<125x80xi32, #tpu.memory_space<vmem>> -> memref<1x80xi32, #tpu.memory_space<vmem>>
    %dma_wait3A_194 = tpu.memref_squeeze %dma_wait3A_193 : memref<1x80xi32, #tpu.memory_space<vmem>> -> memref<80xi32, #tpu.memory_space<vmem>>
    %dma_wait3A_195 = arith.constant 0 : i32
    %dma_wait3A_196 = arith.constant 0 : i32
    %dma_wait3A_197 = tpu.memref_slice %arg9[%dma_wait3A_195, %dma_wait3A_196] : memref<10240x64xf32, #tpu.memory_space<vmem_shared>> -> memref<10240x64xf32, #tpu.memory_space<vmem_shared>>
    tpu.wait_indirect_dma semaphore(%arg15 : memref<!tpu.dma_semaphore, #tpu.memory_space<semaphore_mem>>) src(%dma_wait3A_191 : memref<80x64xf32, #tpu.memory_space<vmem>>) dst(%dma_wait3A_197 : memref<10240x64xf32, #tpu.memory_space<vmem_shared>>)
    %dma_wait3A_198 = arith.constant 1 : i32
    %dma_wait3A_199 = arith.constant 121 : i32
    %dma_wait3A_200 = arith.constant 0 : i32
    %dma_wait3A_201 = arith.constant 0 : i32
    %dma_wait3A_202 = tpu.memref_slice %arg8[%dma_wait3A_198, %dma_wait3A_200, %dma_wait3A_201] : memref<5x80x64xf32, #tpu.memory_space<vmem>> -> memref<1x80x64xf32, #tpu.memory_space<vmem>>
    %dma_wait3A_203 = tpu.memref_squeeze %dma_wait3A_202 : memref<1x80x64xf32, #tpu.memory_space<vmem>> -> memref<80x64xf32, #tpu.memory_space<vmem>>
    %dma_wait3A_204 = arith.constant 0 : i32
    %dma_wait3A_205 = tpu.memref_slice %arg7[%dma_wait3A_199, %dma_wait3A_204] : memref<125x80xi32, #tpu.memory_space<vmem>> -> memref<1x80xi32, #tpu.memory_space<vmem>>
    %dma_wait3A_206 = tpu.memref_squeeze %dma_wait3A_205 : memref<1x80xi32, #tpu.memory_space<vmem>> -> memref<80xi32, #tpu.memory_space<vmem>>
    %dma_wait3A_207 = arith.constant 0 : i32
    %dma_wait3A_208 = arith.constant 0 : i32
    %dma_wait3A_209 = tpu.memref_slice %arg9[%dma_wait3A_207, %dma_wait3A_208] : memref<10240x64xf32, #tpu.memory_space<vmem_shared>> -> memref<10240x64xf32, #tpu.memory_space<vmem_shared>>
    tpu.wait_indirect_dma semaphore(%arg16 : memref<!tpu.dma_semaphore, #tpu.memory_space<semaphore_mem>>) src(%dma_wait3A_203 : memref<80x64xf32, #tpu.memory_space<vmem>>) dst(%dma_wait3A_209 : memref<10240x64xf32, #tpu.memory_space<vmem_shared>>)
    %dma_wait3A_210 = arith.constant 2 : i32
    %dma_wait3A_211 = arith.constant 122 : i32
    %dma_wait3A_212 = arith.constant 0 : i32
    %dma_wait3A_213 = arith.constant 0 : i32
    %dma_wait3A_214 = tpu.memref_slice %arg8[%dma_wait3A_210, %dma_wait3A_212, %dma_wait3A_213] : memref<5x80x64xf32, #tpu.memory_space<vmem>> -> memref<1x80x64xf32, #tpu.memory_space<vmem>>
    %dma_wait3A_215 = tpu.memref_squeeze %dma_wait3A_214 : memref<1x80x64xf32, #tpu.memory_space<vmem>> -> memref<80x64xf32, #tpu.memory_space<vmem>>
    %dma_wait3A_216 = arith.constant 0 : i32
    %dma_wait3A_217 = tpu.memref_slice %arg7[%dma_wait3A_211, %dma_wait3A_216] : memref<125x80xi32, #tpu.memory_space<vmem>> -> memref<1x80xi32, #tpu.memory_space<vmem>>
    %dma_wait3A_218 = tpu.memref_squeeze %dma_wait3A_217 : memref<1x80xi32, #tpu.memory_space<vmem>> -> memref<80xi32, #tpu.memory_space<vmem>>
    %dma_wait3A_219 = arith.constant 0 : i32
    %dma_wait3A_220 = arith.constant 0 : i32
    %dma_wait3A_221 = tpu.memref_slice %arg9[%dma_wait3A_219, %dma_wait3A_220] : memref<10240x64xf32, #tpu.memory_space<vmem_shared>> -> memref<10240x64xf32, #tpu.memory_space<vmem_shared>>
    tpu.wait_indirect_dma semaphore(%arg17 : memref<!tpu.dma_semaphore, #tpu.memory_space<semaphore_mem>>) src(%dma_wait3A_215 : memref<80x64xf32, #tpu.memory_space<vmem>>) dst(%dma_wait3A_221 : memref<10240x64xf32, #tpu.memory_space<vmem_shared>>)
    %dma_wait3A_222 = arith.constant 3 : i32
    %dma_wait3A_223 = arith.constant 123 : i32
    %dma_wait3A_224 = arith.constant 0 : i32
    %dma_wait3A_225 = arith.constant 0 : i32
    %dma_wait3A_226 = tpu.memref_slice %arg8[%dma_wait3A_222, %dma_wait3A_224, %dma_wait3A_225] : memref<5x80x64xf32, #tpu.memory_space<vmem>> -> memref<1x80x64xf32, #tpu.memory_space<vmem>>
    %dma_wait3A_227 = tpu.memref_squeeze %dma_wait3A_226 : memref<1x80x64xf32, #tpu.memory_space<vmem>> -> memref<80x64xf32, #tpu.memory_space<vmem>>
    %dma_wait3A_228 = arith.constant 0 : i32
    %dma_wait3A_229 = tpu.memref_slice %arg7[%dma_wait3A_223, %dma_wait3A_228] : memref<125x80xi32, #tpu.memory_space<vmem>> -> memref<1x80xi32, #tpu.memory_space<vmem>>
    %dma_wait3A_230 = tpu.memref_squeeze %dma_wait3A_229 : memref<1x80xi32, #tpu.memory_space<vmem>> -> memref<80xi32, #tpu.memory_space<vmem>>
    %dma_wait3A_231 = arith.constant 0 : i32
    %dma_wait3A_232 = arith.constant 0 : i32
    %dma_wait3A_233 = tpu.memref_slice %arg9[%dma_wait3A_231, %dma_wait3A_232] : memref<10240x64xf32, #tpu.memory_space<vmem_shared>> -> memref<10240x64xf32, #tpu.memory_space<vmem_shared>>
    tpu.wait_indirect_dma semaphore(%arg18 : memref<!tpu.dma_semaphore, #tpu.memory_space<semaphore_mem>>) src(%dma_wait3A_227 : memref<80x64xf32, #tpu.memory_space<vmem>>) dst(%dma_wait3A_233 : memref<10240x64xf32, #tpu.memory_space<vmem_shared>>)
    %dma_wait3A_234 = arith.constant 4 : i32
    %dma_wait3A_235 = arith.constant 124 : i32
    %dma_wait3A_236 = arith.constant 0 : i32
    %dma_wait3A_237 = arith.constant 0 : i32
    %dma_wait3A_238 = tpu.memref_slice %arg8[%dma_wait3A_234, %dma_wait3A_236, %dma_wait3A_237] : memref<5x80x64xf32, #tpu.memory_space<vmem>> -> memref<1x80x64xf32, #tpu.memory_space<vmem>>
    %dma_wait3A_239 = tpu.memref_squeeze %dma_wait3A_238 : memref<1x80x64xf32, #tpu.memory_space<vmem>> -> memref<80x64xf32, #tpu.memory_space<vmem>>
    %dma_wait3A_240 = arith.constant 0 : i32
    %dma_wait3A_241 = tpu.memref_slice %arg7[%dma_wait3A_235, %dma_wait3A_240] : memref<125x80xi32, #tpu.memory_space<vmem>> -> memref<1x80xi32, #tpu.memory_space<vmem>>
    %dma_wait3A_242 = tpu.memref_squeeze %dma_wait3A_241 : memref<1x80xi32, #tpu.memory_space<vmem>> -> memref<80xi32, #tpu.memory_space<vmem>>
    %dma_wait3A_243 = arith.constant 0 : i32
    %dma_wait3A_244 = arith.constant 0 : i32
    %dma_wait3A_245 = tpu.memref_slice %arg9[%dma_wait3A_243, %dma_wait3A_244] : memref<10240x64xf32, #tpu.memory_space<vmem_shared>> -> memref<10240x64xf32, #tpu.memory_space<vmem_shared>>
    tpu.wait_indirect_dma semaphore(%arg19 : memref<!tpu.dma_semaphore, #tpu.memory_space<semaphore_mem>>) src(%dma_wait3A_239 : memref<80x64xf32, #tpu.memory_space<vmem>>) dst(%dma_wait3A_245 : memref<10240x64xf32, #tpu.memory_space<vmem_shared>>)
    %barrier3A_246 = arith.constant 0 : index
    tpu.barrier barrier_id(%barrier3A_246)
    %mul3A_247 = arith.constant 640 : i32
    %mul3A_248 = arith.muli %arg1, %mul3A_247 : i32
    %mul3A_249 = arith.constant 640 : i32
    %mul3A_250 = arith.muli %arg1, %mul3A_249 : i32
    "tpu.region"() ({
      %run_scoped3A_251 = tpu.sem_alloc : memref<!tpu.dma_semaphore, #tpu.memory_space<semaphore_mem>>
      %dma_start3A_252 = arith.constant 0 : i32
      %dma_start3A_253 = tpu.memref_slice %arg5[%arg0, %mul3A_250, %dma_start3A_252] : memref<2x10240x64xf32, #tpu.memory_space<hbm>> -> memref<1x640x64xf32, #tpu.memory_space<hbm>>
      %dma_start3A_254 = tpu.memref_squeeze %dma_start3A_253 : memref<1x640x64xf32, #tpu.memory_space<hbm>> -> memref<640x64xf32, #tpu.memory_space<hbm>>
      %dma_start3A_255 = arith.constant 0 : i32
      %dma_start3A_256 = tpu.memref_slice %arg9[%mul3A_248, %dma_start3A_255] : memref<10240x64xf32, #tpu.memory_space<vmem_shared>> -> memref<640x64xf32, #tpu.memory_space<vmem_shared>>
      tpu.enqueue_dma source(%dma_start3A_256 : memref<640x64xf32, #tpu.memory_space<vmem_shared>>) target(%dma_start3A_254 : memref<640x64xf32, #tpu.memory_space<hbm>>) target_semaphore(%run_scoped3A_251 : memref<!tpu.dma_semaphore, #tpu.memory_space<semaphore_mem>>)
      %dma_wait3A_257 = arith.constant 0 : i32
      %dma_wait3A_258 = tpu.memref_slice %arg5[%arg0, %mul3A_250, %dma_wait3A_257] : memref<2x10240x64xf32, #tpu.memory_space<hbm>> -> memref<1x640x64xf32, #tpu.memory_space<hbm>>
      %dma_wait3A_259 = tpu.memref_squeeze %dma_wait3A_258 : memref<1x640x64xf32, #tpu.memory_space<hbm>> -> memref<640x64xf32, #tpu.memory_space<hbm>>
      %dma_wait3A_260 = arith.constant 0 : i32
      %dma_wait3A_261 = tpu.memref_slice %arg9[%mul3A_248, %dma_wait3A_260] : memref<10240x64xf32, #tpu.memory_space<vmem_shared>> -> memref<640x64xf32, #tpu.memory_space<vmem_shared>>
      tpu.wait_dma2 semaphore(%run_scoped3A_251 : memref<!tpu.dma_semaphore, #tpu.memory_space<semaphore_mem>>) src(%dma_wait3A_261 : memref<640x64xf32, #tpu.memory_space<vmem_shared>>) dst(%dma_wait3A_259 : memref<640x64xf32, #tpu.memory_space<hbm>>)
      tpu.yield
    }) : () -> ()
    return
  }
}

module attributes {stable_mosaic.version = 14 : i64} {
  func.func @_stage1_body(%arg0: i32, %arg1: memref<1024x256xf32, #tpu.memory_space<vmem>>, %arg2: memref<256x128xf32, #tpu.memory_space<vmem>>, %arg3: memref<2x10240xf32, #tpu.memory_space<vmem>>, %arg4: memref<1024x128xf32, #tpu.memory_space<vmem>>, %arg5: memref<1024x128xf32, #tpu.memory_space<vmem>>, %arg6: memref<256x128xf32, #tpu.memory_space<vmem>>) attributes {dimension_semantics = [#tpu.dimension_semantics<arbitrary>], iteration_bounds = array<i64: 5>, scalar_prefetch = 0 : i64, scratch_operands = 0 : i64, tpu.core_type = #tpu.core_type<tc>, window_params = [{transform_indices = @transform_0, window_bounds = array<i64: 1024, 256>}, {pipeline_mode = #tpu.pipeline_mode<synchronous>, transform_indices = @transform_1, window_bounds = array<i64: 256, 128>}, {pipeline_mode = #tpu.pipeline_mode<synchronous>, transform_indices = @transform_2, window_bounds = array<i64: 2, 10240>}, {transform_indices = @transform_3, window_bounds = array<i64: 1024, 128>}, {transform_indices = @transform_4, window_bounds = array<i64: 1024, 128>}, {transform_indices = @transform_5, window_bounds = array<i64: 256, 128>}]} {
    %get3A = arith.constant 0 : index
    %get3A_0 = arith.constant 0 : index
    %get3A_1 = vector.load %arg1[%get3A, %get3A_0] : memref<1024x256xf32, #tpu.memory_space<vmem>>, vector<1024x256xf32>
    %get3A_2 = arith.constant 0 : index
    %get3A_3 = arith.constant 0 : index
    %get3A_4 = vector.load %arg2[%get3A_2, %get3A_3] : memref<256x128xf32, #tpu.memory_space<vmem>>, vector<256x128xf32>
    %dot_general3A = arith.constant dense<0.000000e+00> : vector<1024x128xf32>
    %dot_general3A_5 = tpu.matmul %get3A_1, %get3A_4, %dot_general3A {dimension_numbers = #tpu.dot_dimension_numbers<[1], [0], [0], [1], [0, 0, 1, 1], [], []>, transpose_lhs_hint = false} : vector<1024x256xf32>, vector<256x128xf32>, vector<1024x128xf32> -> vector<1024x128xf32>
    %mul3A = arith.constant 2048 : i32
    %mul3A_6 = arith.muli %arg0, %mul3A : i32
    %get3A_7 = arith.constant 0 : index
    %get3A_8 = arith.index_cast %mul3A_6 : i32 to index
    %get3A_9 = vector.load %arg3[%get3A_7, %get3A_8] : memref<2x10240xf32, #tpu.memory_space<vmem>>, vector<2x2048xf32>
    %slice3A = vector.extract_strided_slice %get3A_9 {offsets = [0, 0], sizes = [1, 2048], strides = [1, 1]} : vector<2x2048xf32> to vector<1x2048xf32>
    %add3A = arith.constant 1.000000e+00 : f32
    %add3A_10 = vector.broadcast %add3A : f32 to vector<1x2048xf32>
    %add3A_11 = arith.addf %add3A_10, %slice3A : vector<1x2048xf32>
    %slice3A_12 = vector.extract_strided_slice %get3A_9 {offsets = [1, 0], sizes = [1, 2048], strides = [1, 1]} : vector<2x2048xf32> to vector<1x2048xf32>
    %add3A_13 = arith.addf %add3A_11, %slice3A_12 : vector<1x2048xf32>
    %rsqrt3A = math.rsqrt %add3A_13 : vector<1x2048xf32>
    %transpose3A = tpu.transpose %rsqrt3A, [1, 0] : vector<1x2048xf32> -> vector<2048x1xf32>
    %reshape3A = vector.shape_cast %transpose3A : vector<2048x1xf32> to vector<1024x2x1xf32>
    %broadcast_in_dim3A = vector.shape_cast %reshape3A : vector<1024x2x1xf32> to vector<1024x2x1xf32>
    %broadcast_in_dim3A_14 = vector.broadcast %broadcast_in_dim3A : vector<1024x2x1xf32> to vector<1024x2x64xf32>
    %reshape3A_15 = vector.shape_cast %broadcast_in_dim3A_14 : vector<1024x2x64xf32> to vector<1024x128xf32>
    %mul3A_16 = arith.mulf %reshape3A_15, %dot_general3A_5 : vector<1024x128xf32>
    %swap3A = arith.constant 0 : index
    %swap3A_17 = arith.constant 0 : index
    %swap3A_18 = vector.load %arg4[%swap3A, %swap3A_17] : memref<1024x128xf32, #tpu.memory_space<vmem>>, vector<1024x128xf32>
    tpu.vector_store %arg4[%swap3A, %swap3A_17], %mul3A_16 {strides = array<i32>} : memref<1024x128xf32, #tpu.memory_space<vmem>>, vector<1024x128xf32>,
    %swap3A_19 = arith.constant 0 : index
    %swap3A_20 = arith.constant 0 : index
    %swap3A_21 = vector.load %arg5[%swap3A_19, %swap3A_20] : memref<1024x128xf32, #tpu.memory_space<vmem>>, vector<1024x128xf32>
    tpu.vector_store %arg5[%swap3A_19, %swap3A_20], %reshape3A_15 {strides = array<i32>} : memref<1024x128xf32, #tpu.memory_space<vmem>>, vector<1024x128xf32>,
    %mul3A_22 = arith.constant 2048 : i32
    %mul3A_23 = arith.muli %arg0, %mul3A_22 : i32
    %get3A_24 = arith.constant 0 : index
    %get3A_25 = arith.index_cast %mul3A_23 : i32 to index
    %get3A_26 = vector.load %arg3[%get3A_24, %get3A_25] : memref<2x10240xf32, #tpu.memory_space<vmem>>, vector<2x2048xf32>
    %slice3A_27 = vector.extract_strided_slice %get3A_26 {offsets = [0, 0], sizes = [1, 2048], strides = [1, 1]} : vector<2x2048xf32> to vector<1x2048xf32>
    %add3A_28 = arith.constant 1.000000e+00 : f32
    %add3A_29 = vector.broadcast %add3A_28 : f32 to vector<1x2048xf32>
    %add3A_30 = arith.addf %add3A_29, %slice3A_27 : vector<1x2048xf32>
    %slice3A_31 = vector.extract_strided_slice %get3A_26 {offsets = [1, 0], sizes = [1, 2048], strides = [1, 1]} : vector<2x2048xf32> to vector<1x2048xf32>
    %add3A_32 = arith.addf %add3A_30, %slice3A_31 : vector<1x2048xf32>
    %rsqrt3A_33 = math.rsqrt %add3A_32 : vector<1x2048xf32>
    %transpose3A_34 = tpu.transpose %rsqrt3A_33, [1, 0] : vector<1x2048xf32> -> vector<2048x1xf32>
    %reshape3A_35 = vector.shape_cast %transpose3A_34 : vector<2048x1xf32> to vector<256x8x1xf32>
    %broadcast_in_dim3A_36 = vector.shape_cast %reshape3A_35 : vector<256x8x1xf32> to vector<256x8x1xf32>
    %broadcast_in_dim3A_37 = vector.broadcast %broadcast_in_dim3A_36 : vector<256x8x1xf32> to vector<256x8x16xf32>
    %reshape3A_38 = vector.shape_cast %broadcast_in_dim3A_37 : vector<256x8x16xf32> to vector<256x128xf32>
    %swap3A_39 = arith.constant 0 : index
    %swap3A_40 = arith.constant 0 : index
    %swap3A_41 = vector.load %arg6[%swap3A_39, %swap3A_40] : memref<256x128xf32, #tpu.memory_space<vmem>>, vector<256x128xf32>
    tpu.vector_store %arg6[%swap3A_39, %swap3A_40], %reshape3A_38 {strides = array<i32>} : memref<256x128xf32, #tpu.memory_space<vmem>>, vector<256x128xf32>,
    return
  }
  func.func @transform_0(%arg0: i32) -> (i32, i32) {
    %c0_i32 = arith.constant 0 : i32
    %c0_i32_0 = arith.constant 0 : i32
    return %arg0, %c0_i32 : i32, i32
  }
  func.func @transform_1(%arg0: i32) -> (i32, i32) {
    %c0_i32 = arith.constant 0 : i32
    %c0_i32_0 = arith.constant 0 : i32
    %c0_i32_1 = arith.constant 0 : i32
    return %c0_i32, %c0_i32_0 : i32, i32
  }
  func.func @transform_2(%arg0: i32) -> (i32, i32) {
    %c0_i32 = arith.constant 0 : i32
    %c0_i32_0 = arith.constant 0 : i32
    %c0_i32_1 = arith.constant 0 : i32
    return %c0_i32, %c0_i32_0 : i32, i32
  }
  func.func @transform_3(%arg0: i32) -> (i32, i32) {
    %c0_i32 = arith.constant 0 : i32
    %c0_i32_0 = arith.constant 0 : i32
    return %arg0, %c0_i32 : i32, i32
  }
  func.func @transform_4(%arg0: i32) -> (i32, i32) {
    %c0_i32 = arith.constant 0 : i32
    %c0_i32_0 = arith.constant 0 : i32
    return %arg0, %c0_i32 : i32, i32
  }
  func.func @transform_5(%arg0: i32) -> (i32, i32) {
    %c0_i32 = arith.constant 0 : i32
    %c0_i32_0 = arith.constant 0 : i32
    return %arg0, %c0_i32 : i32, i32
  }
}

module attributes {stable_mosaic.version = 14 : i64} {
  func.func @_stage2_body(%arg0: i32, %arg1: memref<2x1024x128xf32, #tpu.memory_space<vmem>>, %arg2: memref<1024x128xf32, #tpu.memory_space<vmem>>, %arg3: memref<1024x128xf32, #tpu.memory_space<vmem>>, %arg4: memref<1x128xf32, #tpu.memory_space<vmem>>, %arg5: memref<128x32xf32, #tpu.memory_space<vmem>>, %arg6: memref<1024x32xf32, #tpu.memory_space<vmem>>) attributes {dimension_semantics = [#tpu.dimension_semantics<arbitrary>], iteration_bounds = array<i64: 5>, scalar_prefetch = 0 : i64, scratch_operands = 0 : i64, tpu.core_type = #tpu.core_type<tc>, window_params = [{transform_indices = @transform_0, window_bounds = array<i64: 2, 1024, 128>}, {transform_indices = @transform_1, window_bounds = array<i64: 1024, 128>}, {transform_indices = @transform_2, window_bounds = array<i64: 1024, 128>}, {pipeline_mode = #tpu.pipeline_mode<synchronous>, transform_indices = @transform_3, window_bounds = array<i64: 1, 128>}, {pipeline_mode = #tpu.pipeline_mode<synchronous>, transform_indices = @transform_4, window_bounds = array<i64: 128, 32>}, {transform_indices = @transform_5, window_bounds = array<i64: 1024, 32>}]} {
    %get3A = arith.constant 0 : index
    %get3A_0 = arith.constant 0 : index
    %get3A_1 = vector.load %arg3[%get3A, %get3A_0] : memref<1024x128xf32, #tpu.memory_space<vmem>>, vector<1024x128xf32>
    %get3A_2 = arith.constant 0 : index
    %get3A_3 = arith.constant 0 : index
    %get3A_4 = arith.constant 0 : index
    %get3A_5 = vector.load %arg1[%get3A_2, %get3A_3, %get3A_4] : memref<2x1024x128xf32, #tpu.memory_space<vmem>>, vector<1x1024x128xf32>
    %get3A_6 = vector.shape_cast %get3A_5 : vector<1x1024x128xf32> to vector<1024x128xf32>
    %get3A_7 = arith.constant 1 : index
    %get3A_8 = arith.constant 0 : index
    %get3A_9 = arith.constant 0 : index
    %get3A_10 = vector.load %arg1[%get3A_7, %get3A_8, %get3A_9] : memref<2x1024x128xf32, #tpu.memory_space<vmem>>, vector<1x1024x128xf32>
    %get3A_11 = vector.shape_cast %get3A_10 : vector<1x1024x128xf32> to vector<1024x128xf32>
    %add3A = arith.addf %get3A_6, %get3A_11 : vector<1024x128xf32>
    %get3A_12 = arith.constant 0 : index
    %get3A_13 = arith.constant 0 : index
    %get3A_14 = vector.load %arg2[%get3A_12, %get3A_13] : memref<1024x128xf32, #tpu.memory_space<vmem>>, vector<1024x128xf32>
    %add3A_15 = arith.addf %add3A, %get3A_14 : vector<1024x128xf32>
    %mul3A = arith.mulf %get3A_1, %add3A_15 : vector<1024x128xf32>
    %get3A_16 = arith.constant 0 : index
    %get3A_17 = arith.constant 0 : index
    %get3A_18 = vector.load %arg4[%get3A_16, %get3A_17] : memref<1x128xf32, #tpu.memory_space<vmem>>, vector<1x128xf32>
    %add3A_19 = vector.broadcast %get3A_18 : vector<1x128xf32> to vector<1024x128xf32>
    %add3A_20 = arith.addf %mul3A, %add3A_19 : vector<1024x128xf32>
    %max3A = arith.constant 0.000000e+00 : f32
    %max3A_21 = vector.broadcast %max3A : f32 to vector<1024x128xf32>
    %max3A_22 = arith.maximumf %add3A_20, %max3A_21 : vector<1024x128xf32>
    %mul3A_23 = arith.mulf %get3A_1, %max3A_22 : vector<1024x128xf32>
    %get3A_24 = arith.constant 0 : index
    %get3A_25 = arith.constant 0 : index
    %get3A_26 = vector.load %arg5[%get3A_24, %get3A_25] : memref<128x32xf32, #tpu.memory_space<vmem>>, vector<128x32xf32>
    %dot_general3A = arith.constant dense<0.000000e+00> : vector<1024x32xf32>
    %dot_general3A_27 = tpu.matmul %mul3A_23, %get3A_26, %dot_general3A {dimension_numbers = #tpu.dot_dimension_numbers<[1], [0], [0], [1], [0, 0, 1, 1], [], []>, transpose_lhs_hint = false} : vector<1024x128xf32>, vector<128x32xf32>, vector<1024x32xf32> -> vector<1024x32xf32>
    %swap3A = arith.constant 0 : index
    %swap3A_28 = arith.constant 0 : index
    %swap3A_29 = vector.load %arg6[%swap3A, %swap3A_28] : memref<1024x32xf32, #tpu.memory_space<vmem>>, vector<1024x32xf32>
    tpu.vector_store %arg6[%swap3A, %swap3A_28], %dot_general3A_27 {strides = array<i32>} : memref<1024x32xf32, #tpu.memory_space<vmem>>, vector<1024x32xf32>,
    return
  }
  func.func @transform_0(%arg0: i32) -> (i32, i32, i32) {
    %c0_i32 = arith.constant 0 : i32
    %c0_i32_0 = arith.constant 0 : i32
    %c0_i32_1 = arith.constant 0 : i32
    return %c0_i32, %arg0, %c0_i32_0 : i32, i32, i32
  }
  func.func @transform_1(%arg0: i32) -> (i32, i32) {
    %c0_i32 = arith.constant 0 : i32
    %c0_i32_0 = arith.constant 0 : i32
    return %arg0, %c0_i32 : i32, i32
  }
  func.func @transform_2(%arg0: i32) -> (i32, i32) {
    %c0_i32 = arith.constant 0 : i32
    %c0_i32_0 = arith.constant 0 : i32
    return %arg0, %c0_i32 : i32, i32
  }
  func.func @transform_3(%arg0: i32) -> (i32, i32) {
    %c0_i32 = arith.constant 0 : i32
    %c0_i32_0 = arith.constant 0 : i32
    %c0_i32_1 = arith.constant 0 : i32
    return %c0_i32, %c0_i32_0 : i32, i32
  }
  func.func @transform_4(%arg0: i32) -> (i32, i32) {
    %c0_i32 = arith.constant 0 : i32
    %c0_i32_0 = arith.constant 0 : i32
    %c0_i32_1 = arith.constant 0 : i32
    return %c0_i32, %c0_i32_0 : i32, i32
  }
  func.func @transform_5(%arg0: i32) -> (i32, i32) {
    %c0_i32 = arith.constant 0 : i32
    %c0_i32_0 = arith.constant 0 : i32
    return %arg0, %c0_i32 : i32, i32
  }
}

module attributes {stable_mosaic.version = 14 : i64} {
  func.func @_stage3_body(%arg0: i32, %arg1: memref<2x256x128xf32, #tpu.memory_space<vmem>>, %arg2: memref<256x128xf32, #tpu.memory_space<vmem>>, %arg3: memref<256x128xf32, #tpu.memory_space<vmem>>, %arg4: memref<1x128xf32, #tpu.memory_space<vmem>>, %arg5: memref<256x128xf32, #tpu.memory_space<vmem>>) attributes {dimension_semantics = [#tpu.dimension_semantics<arbitrary>], iteration_bounds = array<i64: 5>, scalar_prefetch = 0 : i64, scratch_operands = 0 : i64, tpu.core_type = #tpu.core_type<tc>, window_params = [{transform_indices = @transform_0, window_bounds = array<i64: 2, 256, 128>}, {transform_indices = @transform_1, window_bounds = array<i64: 256, 128>}, {transform_indices = @transform_2, window_bounds = array<i64: 256, 128>}, {pipeline_mode = #tpu.pipeline_mode<synchronous>, transform_indices = @transform_3, window_bounds = array<i64: 1, 128>}, {transform_indices = @transform_4, window_bounds = array<i64: 256, 128>}]} {
    %get3A = arith.constant 0 : index
    %get3A_0 = arith.constant 0 : index
    %get3A_1 = arith.constant 0 : index
    %get3A_2 = vector.load %arg1[%get3A, %get3A_0, %get3A_1] : memref<2x256x128xf32, #tpu.memory_space<vmem>>, vector<1x256x128xf32>
    %get3A_3 = vector.shape_cast %get3A_2 : vector<1x256x128xf32> to vector<256x128xf32>
    %get3A_4 = arith.constant 1 : index
    %get3A_5 = arith.constant 0 : index
    %get3A_6 = arith.constant 0 : index
    %get3A_7 = vector.load %arg1[%get3A_4, %get3A_5, %get3A_6] : memref<2x256x128xf32, #tpu.memory_space<vmem>>, vector<1x256x128xf32>
    %get3A_8 = vector.shape_cast %get3A_7 : vector<1x256x128xf32> to vector<256x128xf32>
    %add3A = arith.addf %get3A_3, %get3A_8 : vector<256x128xf32>
    %get3A_9 = arith.constant 0 : index
    %get3A_10 = arith.constant 0 : index
    %get3A_11 = vector.load %arg2[%get3A_9, %get3A_10] : memref<256x128xf32, #tpu.memory_space<vmem>>, vector<256x128xf32>
    %add3A_12 = arith.addf %add3A, %get3A_11 : vector<256x128xf32>
    %get3A_13 = arith.constant 0 : index
    %get3A_14 = arith.constant 0 : index
    %get3A_15 = vector.load %arg3[%get3A_13, %get3A_14] : memref<256x128xf32, #tpu.memory_space<vmem>>, vector<256x128xf32>
    %mul3A = arith.mulf %get3A_15, %add3A_12 : vector<256x128xf32>
    %get3A_16 = arith.constant 0 : index
    %get3A_17 = arith.constant 0 : index
    %get3A_18 = vector.load %arg4[%get3A_16, %get3A_17] : memref<1x128xf32, #tpu.memory_space<vmem>>, vector<1x128xf32>
    %add3A_19 = vector.broadcast %get3A_18 : vector<1x128xf32> to vector<256x128xf32>
    %add3A_20 = arith.addf %mul3A, %add3A_19 : vector<256x128xf32>
    %swap3A = arith.constant 0 : index
    %swap3A_21 = arith.constant 0 : index
    %swap3A_22 = vector.load %arg5[%swap3A, %swap3A_21] : memref<256x128xf32, #tpu.memory_space<vmem>>, vector<256x128xf32>
    tpu.vector_store %arg5[%swap3A, %swap3A_21], %add3A_20 {strides = array<i32>} : memref<256x128xf32, #tpu.memory_space<vmem>>, vector<256x128xf32>,
    return
  }
  func.func @transform_0(%arg0: i32) -> (i32, i32, i32) {
    %c0_i32 = arith.constant 0 : i32
    %c0_i32_0 = arith.constant 0 : i32
    %c0_i32_1 = arith.constant 0 : i32
    return %c0_i32, %arg0, %c0_i32_0 : i32, i32, i32
  }
  func.func @transform_1(%arg0: i32) -> (i32, i32) {
    %c0_i32 = arith.constant 0 : i32
    %c0_i32_0 = arith.constant 0 : i32
    return %arg0, %c0_i32 : i32, i32
  }
  func.func @transform_2(%arg0: i32) -> (i32, i32) {
    %c0_i32 = arith.constant 0 : i32
    %c0_i32_0 = arith.constant 0 : i32
    return %arg0, %c0_i32 : i32, i32
  }
  func.func @transform_3(%arg0: i32) -> (i32, i32) {
    %c0_i32 = arith.constant 0 : i32
    %c0_i32_0 = arith.constant 0 : i32
    %c0_i32_1 = arith.constant 0 : i32
    return %c0_i32, %c0_i32_0 : i32, i32
  }
  func.func @transform_4(%arg0: i32) -> (i32, i32) {
    %c0_i32 = arith.constant 0 : i32
    %c0_i32_0 = arith.constant 0 : i32
    return %arg0, %c0_i32 : i32, i32
  }
}

</mosaic_0001>

<sc_bundles>
// kernel: kernel.11.cloned.1.call-start
scs
__scs_entry_jumppad:
0x0: {  	(pc) =	sbr.rel $0x88, $3  }
0x1: {  	(tag) =	ssettag $0x0;
	lr =	simm.s32 $0x1  }
0x2: {  	[smem:$0x3F9B] =	sst lr;
	_ =	strace $0xD0000000  }
0x3: {  	_ = 	snop  }
0x4: {  	_ = 	snop  }
0x5: {  	_ = 	snop  }
0x6: {  	_ = 	snop  }
0x7: {  	_ = 	snop  }
__scs_overlays_trampoline_lowered:
0x8: {  	[smem:$0x3FAA] =	sst s0  }
0x9: {  	[smem:$0x3FAB] =	sst s1  }
0xa: {  	[smem:$0x3FAC] =	sst s2  }
0xb: {  	[smem:$0x3FAD] =	sst s3  }
0xc: {  	[smem:$0x3FAE] =	sst s4  }
0xd: {  	[smem:$0x3FAF] =	sst s5  }
0xe: {  	[smem:$0x3FB0] =	sst s6  }
0xf: {  	[smem:$0x3FB1] =	sst s7  }
0x10: {  	[smem:$0x3FB2] =	sst s8  }
0x11: {  	[smem:$0x3FB3] =	sst s9;
	s0 =	simm.s32 @!p0 $0x0  }
0x12: {  	s1 =	sld [smem:$0x3F99];
	s0 =	simm.s32 @p0 $0x1  }
0x13: {  	[smem:$0x3FB4] =	sst s0;
	s0 =	simm.s32 @!p1 $0x0  }
0x14: {  	s2 =	sld [smem:$0x3F98];
	s0 =	simm.s32 @p1 $0x1  }
0x15: {  	[smem:$0x3FB5] =	sst s0;
	s0 =	simm.s32 @!p2 $0x0  }
0x16: {  	s3 =	sld [smem:$0x3FDB];
	s0 =	simm.s32 @p2 $0x1  }
0x17: {  	s4 =	simm.s32 $0x1BF5;
	[smem:$0x3FB7] =	sst s0  }
0x18: {  	s0 =	sld [smem:$0x3F9A];
	_ =	swait.ge [sflag:s4], $0x0  }
0x19: {  	s7 =	sld [smem:$0x3F9B]  }
0x1a: {  	s8 =	sadd.s32 $0xFFFFE003, lr  }
0x1b: {  	s9 =	sadd.s32 $0xFFFFFEF7, lr;
	s5 =	simm.s32 $0xFFFFFFFF;
	p2 =	slt.u32 s8, $0xFFFFF086  }
0x1c: {  	p1 =	slt.u32 s9, $0xF7A;
	s5 =	simm.s32 @!p2 $0x0  }
0x1d: {  	s5 =	simm.s32 @p1 $0x1;
	p0 =	seq.s32 s7, s2  }
0x1e: {  	s7 =	smul.u32 @!p0 $0xF7A, s2;
	p2 =	seq.s32 @!p0 s5, $0x0  }
0x1f: {  	s9 =	smul.u32 $0xF7A, s1;
	s8 =	simm.s32 @!p0 $0x1BF5;
	p2 =	por !p2, p0  }
0x20: {  	[sflag:s8] =	ssyncset.s32 @!p0 $0xFFFFF086;
	s6 =	sadd.s32 @!p0 s3, s7;
	s7 =	simm.s32 @!p0 $0x108  }
0x21: {  	s3 =	sadd.s32 s3, s9;
	s6 =	sadd.s32 @!p0 $0x88, s6;
	s7 =	simm.s32 @p2 $0x1082  }
0x22: {  	[simem:s7], [sflag:s8] =	dma.local @!p0 [hbm:s6], $0xF7A  }
0x23: {  	s9 =	sor.u32 $0xD0000000, s2;
	s6 =	simm.s32 $0x108;
	_ =	swait.ge @!p0 [sflag:s8], $0x0  }
0x24: {  	s3 =	sadd.s32 $0x88, s3;
	s6 =	simm.s32 @!p1 $0x1082;
	[sflag:s4] =	ssyncset.s32 $0xFFFFF086  }
0x25: {  	[simem:s6], [sflag:s4] =	dma.local [hbm:s3], $0xF7A  }
0x26: {  	[smem:$0x3F9B] =	sst s1;
	(tag) =	ssettag s2;
	_ =	strace s9  }
0x27: {  	s1 =	sld [smem:$0x3FAB]  }
0x28: {  	s2 =	sld [smem:$0x3FAC]  }
0x29: {  	s4 =	sld [smem:$0x3FAE]  }
0x2a: {  	p0 =	seq.s32 s5, $0x0;
	s5 =	sld [smem:$0x3FAF]  }
0x2b: {  	s6 =	sld [smem:$0x3FB0]  }
0x2c: {  	s7 =	sld [smem:$0x3FB1]  }
0x2d: {  	s3 =	simm.s32 $0x108;
	s8 =	sld [smem:$0x3FB2]  }
0x2e: {  	s3 =	simm.s32 @!p0 $0x1082;
	s9 =	sld [smem:$0x3FB3]  }
0x2f: {  	lr =	sadd.s32 s0, s3;
	s0 =	sld [smem:$0x3FAA]  }
0x30: {  	s3 =	sld [smem:$0x3FAD]  }
0x31: {  	[smem:$0x3FB6] =	sst s10  }
0x32: {  	s10 =	sld [smem:$0x3FB4];
	_ =	sdelay $0x3  }
0x33: {  	p0 =	seq.s32 s10, $0x1;
	s10 =	sld [smem:$0x3FB6];
	_ =	sdelay $0x3  }
0x34: {  	[smem:$0x3FB6] =	sst s10  }
0x35: {  	s10 =	sld [smem:$0x3FB5];
	_ =	sdelay $0x3  }
0x36: {  	p1 =	seq.s32 s10, $0x1;
	s10 =	sld [smem:$0x3FB6];
	_ =	sdelay $0x3  }
0x37: {  	[smem:$0x3FB6] =	sst s10  }
0x38: {  	s10 =	sld [smem:$0x3FB7]  }
0x39: {  	_ = 	snop;
	(pc) =	sbr.ind lr, $3  }
0x3a: {  	_ = 	snop  }
0x3b: {  	_ = 	snop  }
0x3c: {  	p2 =	seq.s32 s10, $0x1;
	s10 =	sld [smem:$0x3FB6]  }
0x3d: {  	_ =	shalt  }
0x3e: {  	_ =	shalt  }
0x3f: {  	_ =	shalt  }
0x40: {  	_ =	shalt  }
0x41: {  	_ =	shalt  }
0x42: {  	_ =	shalt  }
0x43: {  	_ =	shalt  }
0x44: {  	_ =	shalt  }
0x45: {  	_ =	shalt  }
0x46: {  	_ =	shalt  }
0x47: {  	_ =	shalt  }
0x48: {  	_ =	shalt  }
0x49: {  	_ =	shalt  }
0x4a: {  	_ =	shalt  }
0x4b: {  	_ =	shalt  }
0x4c: {  	_ =	shalt  }
0x4d: {  	_ =	shalt  }
0x4e: {  	_ =	shalt  }
0x4f: {  	_ =	shalt  }
0x50: {  	_ =	shalt  }
0x51: {  	_ =	shalt  }
0x52: {  	_ =	shalt  }
0x53: {  	_ =	shalt  }
0x54: {  	_ =	shalt  }
0x55: {  	_ =	shalt  }
0x56: {  	_ =	shalt  }
0x57: {  	_ =	shalt  }
0x58: {  	_ =	shalt  }
0x59: {  	_ =	shalt  }
0x5a: {  	_ =	shalt  }
0x5b: {  	_ =	shalt  }
0x5c: {  	_ =	shalt  }
0x5d: {  	_ =	shalt  }
0x5e: {  	_ =	shalt  }
0x5f: {  	_ =	shalt  }
0x60: {  	_ =	shalt  }
0x61: {  	_ =	shalt  }
0x62: {  	_ =	shalt  }
0x63: {  	_ =	shalt  }
0x64: {  	_ =	shalt  }
0x65: {  	_ =	shalt  }
0x66: {  	_ =	shalt  }
0x67: {  	_ =	shalt  }
0x68: {  	_ =	shalt  }
0x69: {  	_ =	shalt  }
0x6a: {  	_ =	shalt  }
0x6b: {  	_ =	shalt  }
0x6c: {  	_ =	shalt  }
0x6d: {  	_ =	shalt  }
0x6e: {  	_ =	shalt  }
0x6f: {  	_ =	shalt  }
0x70: {  	_ =	shalt  }
0x71: {  	_ =	shalt  }
0x72: {  	_ =	shalt  }
0x73: {  	_ =	shalt  }
0x74: {  	_ =	shalt  }
0x75: {  	_ =	shalt  }
0x76: {  	_ =	shalt  }
0x77: {  	_ =	shalt  }
0x78: {  	_ =	shalt  }
0x79: {  	_ =	shalt  }
0x7a: {  	_ =	shalt  }
0x7b: {  	_ =	shalt  }
0x7c: {  	_ =	shalt  }
0x7d: {  	_ =	shalt  }
0x7e: {  	_ =	shalt  }
0x7f: {  	_ =	shalt  }
0x80: {  	_ =	shalt  }
0x81: {  	_ =	shalt  }
0x82: {  	_ =	shalt  }
0x83: {  	_ =	shalt  }
0x84: {  	_ =	shalt  }
0x85: {  	_ =	shalt  }
0x86: {  	_ =	shalt  }
0x87: {  	_ =	shalt  }
.Lfunc_end0:
.L_simem_size_0:
called_computation.1_lowered:
.L_overlay_start_0:
0x88: {  	s2 =	sld [smem:$0x3FD9]  }
0x89: {  	s3 =	sld [smem:$0x3FFE];
	_ =	sdelay $0x1  }
0x8a: {  	s1 =	srdreg.scid  }
0x8b: {  	s0 =	sand.u32 $0x1, s1  }
0x8c: {  	s17 =	sshll.u32 s0, $0xA;
	s2 =	sadd.s32 s3, s2  }
0x8d: {  	s2 =	sadd.s32 s2, s17  }
0x8e: {  	[smem:$0x3FC2] =	sst s2  }
0x8f: {  	_ = 	snop  }
0x90: {  	s2 =	sld [smem:$0x3FD0];
	(tm) =	ssettm $0x1  }
0x91: {  	s18 =	sld [smem:$0x3FFB];
	_ =	sdelay $0x3  }
0x92: {  	_ =	strace s18  }
0x93: {  	s3 =	sld [smem:$0x3FFC];
	_ =	sdelay $0x3  }
0x94: {  	_ =	strace s3  }
0x95: {  	s3 =	sld [smem:$0x3FFD];
	_ =	sdelay $0x3  }
0x96: {  	_ =	strace s3  }
0x97: {  	_ =	strace $0x8FFFFFFF  }
0x98: {  	s19 =	sld [smem:$0x3FDB];
	_ =	sdelay $0x1  }
0x99: {  	s4 =	simm.s32 $_scs_section_size  }
0x9a: {  	s5 =	simm.s32 $_size__tile_overlayer_lowered;
	s6 =	simm.s32 $_tile_overlayer_lowered  }
0x9b: {  	s22 =	simm.s32 $0x1BFF;
	s21 =	sshll.u32 s6, $0x1;
	s3 =	sadd.s32 s4, s19  }
0x9c: {  	s7 =	simm.s32 $0x0;
	s20 =	sshll.u32 s5, $0x1;
	s5 =	sadd.s32 s21, s3  }
0x9d: {  	[timem:s7], [sflag:s22] =	dma.local [hbm:s5], s20  }
0x9e: {  	_ =	swait.ge [sflag:s22], s20  }
0x9f: {  	s4 =	ssub.s32 $0x0, s20;
	[sflag:s22] =	ssyncset.done $0x0  }
0xa0: {  	[sflag:s22] =	ssyncadd.s32 s4;
	_ =	sdelay $0x1  }
0xa1: {  	s23 =	simm.s32 $0x1B8B  }
0xa2: {  	_ =	swait.ge [sflag:s23], $0x1  }
0xa3: {  	[sflag:s23] =	ssyncset.done $0x0  }
0xa4: {  	s25 =	simm.s32 $0x1B8E;
	s24 =	sld [smem:$0x3FFE];
	[sflag:s23] =	ssyncadd.s32 $0xFFFFFFFF  }
0xa5: {  	s26 =	simm.s32 $execute0_lowered;
	[smem:$0x3FD2] =	sst s25  }
0xa6: {  	s5 =	sshll.u32 s26, $0x1;
	_ =	strace $0x80000049;
	[dreg:$0x1] =	wrdreg $0xFFFFFFFF  }
0xa7: {  	s28 =	simm.s32 $_size_execute0_lowered;
	s3 =	sadd.s32 s3, s5;
	[dreg:$0x0] =	wrdreg $0x0  }
0xa8: {  	s5 =	sshll.u32 s28, $0x1;
	[dreg:$0x2] =	wrdreg s3  }
0xa9: {  	[dreg:$0x3] =	wrdreg s5  }
0xaa: {  	[dreg:$0x4] =	wrdreg $0xC0  }
0xab: {  	_ =	task [dreg:s7], $0x5FFFF  }
0xac: {  	[dreg:$0x1] =	wrdreg $0xFFFFFFFF  }
0xad: {  	[dreg:$0x0] =	wrdreg $0x60  }
0xae: {  	[dreg:$0x2] =	wrdreg s24  }
0xaf: {  	[dreg:$0x3] =	wrdreg s2  }
0xb0: {  	[dreg:$0x4] =	wrdreg $0xB2200  }
0xb1: {  	[dreg:$0x5] =	wrdreg $0x9  }
0xb2: {  	_ =	task.clear_ibuf [dreg:s7], $0x6FFFF;
	_ =	strace $0x90000049  }
0xb3: {  	s29 =	simm.s32 $0x9;
	_ =	strace $0x8000004B  }
0xb4: {  	_ =	swait.ge [sflag:s29], $0x1  }
0xb5: {  	[sflag:s29] =	ssyncadd.s32 $0xFFFFFFFF  }
0xb6: {  	_ =	strace $0x9000004B  }
0xb7: {  	_ =	sfence  }
0xb8: {  	s30 =	sld [smem:$0x0];
	_ =	sdelay $0x2  }
0xb9: {  	s31 =	sshll.u32 s1, $0xD;
	s1 =	sshrl.u32 s1, $0x2  }
0xba: {  	s3 =	sand.u32 $0x4000, s31;
	s1 =	sadd.s32 s1, s30  }
0xbb: {  	s0 =	sor.u32 s3, s0;
	s1 =	sshll.u32 s1, $0x11  }
0xbc: {  	s0 =	sor.u32 s1, s0  }
0xbd: {  	s0 =	sadd.s32 $0x8F2B, s0  }
0xbe: {  	[sflag:s0] =	ssyncadd.remote.s32 $0x1  }
0xbf: {  	_ =	sfence.sel $0xFFFF  }
0xc0: {  	[dreg:$0x0] =	wrdreg $0xFFFFFFFF;
	(pc) =	sbr.abs _section_cstart, $3  }
0xc1: {  	[dreg:$0x1] =	wrdreg $0xFFFFFFFF  }
0xc2: {  	_ =	task.clear_ibuf [dreg:s7], $0x2FFFF;
	_ =	strace $0x9FFFFFFF  }
0xc3: {  	(tm) =	ssettm $0x7FFFFFFF  }
tec
execute0_lowered:
.L_overlay_start_1:
0x0: {  	(tag) =	ssettag $0x1  }
0x1: {  	s0 =	srdreg.scid;
	s2 =	rddreg [dreg:$0x0]  }
0x2: {  	s8 =	stileid.u32;
	s3 =	rddreg [dreg:$0x2]  }
0x3: {  	s4 =	simm.s32 $0x0;
	s12 =	simm.s32 $0xB;
	s14 =	simm.s32 $0x50  }
0x4: {  	s15 =	simm.s32 $0x4E20;
	s16 =	simm.s32 $0x6220;
	s18 =	simm.s32 $0x7620  }
0x5: {  	s20 =	simm.s32 $0x8A20;
	s22 =	simm.s32 $0x9E20;
	s23 =	simm.s32 $0x1  }
0x6: {  	s24 =	simm.s32 $0x2;
	s28 =	simm.s32 $0x5;
	s29 =	simm.s32 $0x6  }
0x7: {  	s30 =	simm.s32 $0x7;
	s31 =	simm.s32 $0x8;
	s21 =	simm.s32 $0x4DD0  }
0x8: {  	s0 =	sand.u32 $0x1, s0;
	s6 =	smul.u32 $0xA000, s8;
	[smem:$0x7FF] =	sst s4  }
0x9: {  	s26 =	sshll.u32 s8, $0x6;
	s1 =	sshll.u32 s0, $0x4;
	s5 =	smul.u32 $0xA0000, s0  }
0xa: {  	_ =	strace $0x8000004A;
	s0 =	ssub.s32 $0x2, s0;
	s1 =	sor.u32 s8, s1  }
0xb: {  	s25 =	sshrl.u32 s0, $0x1;
	s11 =	sadd.s32 s6, s3;
	s1 =	smul.u32 $0x2710, s1  }
0xc: {  	s5 =	sadd.s32 s6, s5;
	s0 =	ssub.s32 s0, s25;
	s6 =	sor.u32 $0x1C0B, s26  }
0xd: {  	s11 =	sshrl.u32 s11, $0x3;
	s25 =	simm.s32 $0x3;
	s26 =	simm.s32 $0x4  }
0xe: {  	s7 =	sshrl.u32 s5, $0x3;
	s5 =	sadd.s32 $0x16000, s2;
	s1 =	sshrl.u32 s1, $0x3  }
0xf: {  	s10 =	smax.u32 s0, $0x1;
	s0 =	simm.s32 $0xA;
	s1 =	sadd.s32 s1, s2  }
0x10: {  	s2 =	sadd.s32 s7, s2;
	s7 =	sadd.s32 $0x2600, s1;
	s8 =	sadd.s32 $0xC240, s1  }
0x11: {  	s9 =	sadd.s32 $0x29A00, s2;
	s1 =	simm.s32 $0x9;
	s2 =	simm.s32 $0x0  }
.LBB2_1:
0x12: {  	s13 =	rddreg [dreg:$0x1]  }
0x13: {  	[spmem:s11], [sflag:s6] =	dma.local [hbm:s13], $0x1400  }
0x14: {  	_ =	swait.ge [sflag:s12], $0x1400  }
0x15: {  	[sflag:s12] =	ssyncset.done $0x0  }
0x16: {  	[sflag:s12] =	ssyncadd.s32 $0xFFFFEC00  }
0x17: {  	[bflag:$0x0] =	sbarrier.arrive $0xFFFF  }
0x18: {  	[tilespmem:s4], [sflag:$0xB] =	stream.linear.gather [hbm4b:s7+s4], $0x2710, $0x38;
	[tilespmem:$0x15220] =	vst v63  }
0x19: {  	_ =	swait.ge [sflag:s12], $0x2710  }
0x1a: {  	[sflag:s12] =	ssyncset.done $0x0  }
0x1b: {  	s19 =	simm.s32 $0x2710;
	[sflag:s12] =	ssyncadd.s32 $0xFFFFD8F0  }
0x1c: {  	[tilespmem:s19], [sflag:$0xB] =	stream.linear.gather [hbm4b:s8+s4], $0x2710, $0x38;
	[tilespmem:$0x15220] =	vst v63  }
0x1d: {  	_ =	swait.ge [sflag:s12], $0x2710  }
0x1e: {  	[sflag:s12] =	ssyncset.done $0x0  }
0x1f: {  	[sflag:s12] =	ssyncadd.s32 $0xFFFFD8F0  }
0x20: {  	[tilespmem:s15], [sflag:$0x1] =	stream.indirect.gather [hbm4b:s5+s14], $0x40, s4, s14, $0xb8;
	[tilespmem:$0x15220] =	vst v63  }
0x21: {  	_ = 	snop  }
0x22: {  	[tilespmem:s16], [sflag:$0x2] =	stream.indirect.gather [hbm4b:s5+s14], $0x40, s14, s14, $0xb8;
	[tilespmem:$0x15220] =	vst v63  }
0x23: {  	s17 =	simm.s32 $0xA0  }
0x24: {  	[tilespmem:s18], [sflag:$0x3] =	stream.indirect.gather [hbm4b:s5+s14], $0x40, s17, s14, $0xb8;
	[tilespmem:$0x15220] =	vst v63  }
0x25: {  	s19 =	simm.s32 $0xF0  }
0x26: {  	[tilespmem:s20], [sflag:$0x4] =	stream.indirect.gather [hbm4b:s5+s14], $0x40, s19, s14, $0xb8;
	[tilespmem:$0x15220] =	vst v63  }
0x27: {  	s17 =	simm.s32 $0x140  }
0x28: {  	[tilespmem:s22], [sflag:$0x5] =	stream.indirect.gather [hbm4b:s5+s14], $0x40, s17, s14, $0xb8;
	[tilespmem:$0x15220] =	vst v63  }
0x29: {  	_ =	swait.ge [sflag:s23], $0x1400  }
0x2a: {  	[sflag:s23] =	ssyncset.done $0x0  }
0x2b: {  	s19 =	simm.s32 $0x2710;
	[sflag:s23] =	ssyncadd.s32 $0xFFFFEC00  }
0x2c: {  	[spmem:s3] =	stream.indirect.scatter.add.f32 [tilespmem:s15], [sflag:$0x6], $0x40, s19, s14, $0xb8;
	[tilespmem:$0x15220] =	vst v63  }
0x2d: {  	_ =	swait.ge [sflag:s24], $0x1400  }
0x2e: {  	[sflag:s24] =	ssyncset.done $0x0  }
0x2f: {  	s17 =	simm.s32 $0x2760;
	[sflag:s24] =	ssyncadd.s32 $0xFFFFEC00  }
0x30: {  	[spmem:s3] =	stream.indirect.scatter.add.f32 [tilespmem:s16], [sflag:$0x7], $0x40, s17, s14, $0xb8;
	[tilespmem:$0x15220] =	vst v63  }
0x31: {  	_ =	swait.ge [sflag:s25], $0x1400  }
0x32: {  	[sflag:s25] =	ssyncset.done $0x0  }
0x33: {  	s19 =	simm.s32 $0x27B0;
	[sflag:s25] =	ssyncadd.s32 $0xFFFFEC00  }
0x34: {  	[spmem:s3] =	stream.indirect.scatter.add.f32 [tilespmem:s18], [sflag:$0x8], $0x40, s19, s14, $0xb8;
	[tilespmem:$0x15220] =	vst v63  }
0x35: {  	_ =	swait.ge [sflag:s26], $0x1400  }
0x36: {  	[sflag:s26] =	ssyncset.done $0x0  }
0x37: {  	s17 =	simm.s32 $0x2800;
	[sflag:s26] =	ssyncadd.s32 $0xFFFFEC00  }
0x38: {  	[spmem:s3] =	stream.indirect.scatter.add.f32 [tilespmem:s20], [sflag:$0x9], $0x40, s17, s14, $0xb8;
	[tilespmem:$0x15220] =	vst v63  }
0x39: {  	_ =	swait.ge [sflag:s28], $0x1400  }
0x3a: {  	[sflag:s28] =	ssyncset.done $0x0  }
0x3b: {  	s19 =	simm.s32 $0x2850;
	[sflag:s28] =	ssyncadd.s32 $0xFFFFEC00  }
0x3c: {  	[spmem:s3] =	stream.indirect.scatter.add.f32 [tilespmem:s22], [sflag:$0xA], $0x40, s19, s14, $0xb8;
	[tilespmem:$0x15220] =	vst v63  }
0x3d: {  	_ =	swait.ge [sflag:s29], $0x1400  }
0x3e: {  	[sflag:s29] =	ssyncset.done $0x0  }
0x3f: {  	s17 =	simm.s32 $0x190;
	[sflag:s29] =	ssyncadd.s32 $0xFFFFEC00  }
0x40: {  	[tilespmem:s15], [sflag:$0x1] =	stream.indirect.gather [hbm4b:s5+s14], $0x40, s17, s14, $0xb8;
	[tilespmem:$0x15220] =	vst v63  }
0x41: {  	_ =	swait.ge [sflag:s30], $0x1400  }
0x42: {  	[sflag:s30] =	ssyncset.done $0x0  }
0x43: {  	s19 =	simm.s32 $0x1E0;
	[sflag:s30] =	ssyncadd.s32 $0xFFFFEC00  }
0x44: {  	[tilespmem:s16], [sflag:$0x2] =	stream.indirect.gather [hbm4b:s5+s14], $0x40, s19, s14, $0xb8;
	[tilespmem:$0x15220] =	vst v63  }
0x45: {  	_ =	swait.ge [sflag:s31], $0x1400  }
0x46: {  	[sflag:s31] =	ssyncset.done $0x0  }
0x47: {  	s17 =	simm.s32 $0x230;
	[sflag:s31] =	ssyncadd.s32 $0xFFFFEC00  }
0x48: {  	[tilespmem:s18], [sflag:$0x3] =	stream.indirect.gather [hbm4b:s5+s14], $0x40, s17, s14, $0xb8;
	[tilespmem:$0x15220] =	vst v63  }
0x49: {  	_ =	swait.ge [sflag:s1], $0x1400  }
0x4a: {  	[sflag:s1] =	ssyncset.done $0x0  }
0x4b: {  	s19 =	simm.s32 $0x280;
	[sflag:s1] =	ssyncadd.s32 $0xFFFFEC00  }
0x4c: {  	[tilespmem:s20], [sflag:$0x4] =	stream.indirect.gather [hbm4b:s5+s14], $0x40, s19, s14, $0xb8;
	[tilespmem:$0x15220] =	vst v63  }
0x4d: {  	_ =	swait.ge [sflag:s0], $0x1400  }
0x4e: {  	[sflag:s0] =	ssyncset.done $0x0  }
0x4f: {  	s13 =	simm.s32 $0x640;
	s17 =	simm.s32 $0x2D0;
	[sflag:s0] =	ssyncadd.s32 $0xFFFFEC00  }
.LBB2_2:
0x50: {  	[tilespmem:s22], [sflag:$0x5] =	stream.indirect.gather [hbm4b:s5+s14], $0x40, s17, s14, $0xb8;
	[tilespmem:$0x15220] =	vst v63  }
0x51: {  	s17 =	smov.u32 s13  }
0x52: {  	p0 =	sne.s32 s13, $0x8FC0;
	s13 =	sadd.s32 $0x640, s13;
	_ =	swait.ge [sflag:s23], $0x1400  }
0x53: {  	s17 =	sshra.s32 s17, $0x2;
	[sflag:s23] =	ssyncset.done $0x0  }
0x54: {  	s19 =	sadd.s32 $0x2710, s17;
	[sflag:s23] =	ssyncadd.s32 $0xFFFFEC00  }
0x55: {  	[spmem:s3] =	stream.indirect.scatter.add.f32 [tilespmem:s15], [sflag:$0x6], $0x40, s19, s14, $0xb8;
	[tilespmem:$0x15220] =	vst v63  }
0x56: {  	_ =	swait.ge [sflag:s24], $0x1400  }
0x57: {  	[sflag:s24] =	ssyncset.done $0x0  }
0x58: {  	s19 =	sadd.s32 $0x2760, s17;
	[sflag:s24] =	ssyncadd.s32 $0xFFFFEC00  }
0x59: {  	[spmem:s3] =	stream.indirect.scatter.add.f32 [tilespmem:s16], [sflag:$0x7], $0x40, s19, s14, $0xb8;
	[tilespmem:$0x15220] =	vst v63  }
0x5a: {  	_ =	swait.ge [sflag:s25], $0x1400  }
0x5b: {  	[sflag:s25] =	ssyncset.done $0x0  }
0x5c: {  	s19 =	sadd.s32 $0x27B0, s17;
	[sflag:s25] =	ssyncadd.s32 $0xFFFFEC00  }
0x5d: {  	[spmem:s3] =	stream.indirect.scatter.add.f32 [tilespmem:s18], [sflag:$0x8], $0x40, s19, s14, $0xb8;
	[tilespmem:$0x15220] =	vst v63  }
0x5e: {  	_ =	swait.ge [sflag:s26], $0x1400  }
0x5f: {  	[sflag:s26] =	ssyncset.done $0x0  }
0x60: {  	s19 =	sadd.s32 $0x2800, s17;
	[sflag:s26] =	ssyncadd.s32 $0xFFFFEC00  }
0x61: {  	[spmem:s3] =	stream.indirect.scatter.add.f32 [tilespmem:s20], [sflag:$0x9], $0x40, s19, s14, $0xb8;
	[tilespmem:$0x15220] =	vst v63  }
0x62: {  	_ =	swait.ge [sflag:s28], $0x1400  }
0x63: {  	[sflag:s28] =	ssyncset.done $0x0  }
0x64: {  	s19 =	sadd.s32 $0x2850, s17;
	[sflag:s28] =	ssyncadd.s32 $0xFFFFEC00  }
0x65: {  	[spmem:s3] =	stream.indirect.scatter.add.f32 [tilespmem:s22], [sflag:$0xA], $0x40, s19, s14, $0xb8;
	[tilespmem:$0x15220] =	vst v63  }
0x66: {  	_ =	swait.ge [sflag:s29], $0x1400  }
0x67: {  	[sflag:s29] =	ssyncset.done $0x0  }
0x68: {  	s19 =	sadd.s32 $0x190, s17;
	[sflag:s29] =	ssyncadd.s32 $0xFFFFEC00  }
0x69: {  	[tilespmem:s15], [sflag:$0x1] =	stream.indirect.gather [hbm4b:s5+s14], $0x40, s19, s14, $0xb8;
	[tilespmem:$0x15220] =	vst v63  }
0x6a: {  	_ =	swait.ge [sflag:s30], $0x1400  }
0x6b: {  	[sflag:s30] =	ssyncset.done $0x0  }
0x6c: {  	s19 =	sadd.s32 $0x1E0, s17;
	[sflag:s30] =	ssyncadd.s32 $0xFFFFEC00  }
0x6d: {  	[tilespmem:s16], [sflag:$0x2] =	stream.indirect.gather [hbm4b:s5+s14], $0x40, s19, s14, $0xb8;
	[tilespmem:$0x15220] =	vst v63  }
0x6e: {  	_ =	swait.ge [sflag:s31], $0x1400  }
0x6f: {  	[sflag:s31] =	ssyncset.done $0x0  }
0x70: {  	s19 =	sadd.s32 $0x230, s17;
	[sflag:s31] =	ssyncadd.s32 $0xFFFFEC00  }
0x71: {  	[tilespmem:s18], [sflag:$0x3] =	stream.indirect.gather [hbm4b:s5+s14], $0x40, s19, s14, $0xb8;
	[tilespmem:$0x15220] =	vst v63  }
0x72: {  	_ =	swait.ge [sflag:s1], $0x1400  }
0x73: {  	[sflag:s1] =	ssyncset.done $0x0  }
.Ltmp0:
0x74: {  	s19 =	sadd.s32 $0x280, s17;
	[sflag:s1] =	ssyncadd.s32 $0xFFFFEC00;
	(pc) =	sbr.rel @p0 .LBB2_2-.Ltmp0, $4  }
0x75: {  	[tilespmem:s20], [sflag:$0x4] =	stream.indirect.gather [hbm4b:s5+s14], $0x40, s19, s14, $0xb8;
	[tilespmem:$0x15220] =	vst v63  }
0x76: {  	_ =	swait.ge [sflag:s0], $0x1400  }
0x77: {  	[sflag:s0] =	ssyncset.done $0x0  }
0x78: {  	s17 =	sadd.s32 $0x2D0, s17;
	[sflag:s0] =	ssyncadd.s32 $0xFFFFEC00  }
0x79: {  	[tilespmem:s22], [sflag:$0x5] =	stream.indirect.gather [hbm4b:s5+s14], $0x40, s17, s14, $0xb8;
	[tilespmem:$0x15220] =	vst v63  }
0x7a: {  	_ =	swait.ge [sflag:s23], $0x1400  }
0x7b: {  	[sflag:s23] =	ssyncset.done $0x0  }
0x7c: {  	s13 =	simm.s32 $0x4C90;
	[sflag:s23] =	ssyncadd.s32 $0xFFFFEC00  }
0x7d: {  	[spmem:s3] =	stream.indirect.scatter.add.f32 [tilespmem:s15], [sflag:$0x6], $0x40, s13, s14, $0xb8;
	[tilespmem:$0x15220] =	vst v63  }
0x7e: {  	_ =	swait.ge [sflag:s24], $0x1400  }
0x7f: {  	[sflag:s24] =	ssyncset.done $0x0  }
0x80: {  	s19 =	simm.s32 $0x4CE0;
	[sflag:s24] =	ssyncadd.s32 $0xFFFFEC00  }
0x81: {  	[spmem:s3] =	stream.indirect.scatter.add.f32 [tilespmem:s16], [sflag:$0x7], $0x40, s19, s14, $0xb8;
	[tilespmem:$0x15220] =	vst v63  }
0x82: {  	_ =	swait.ge [sflag:s25], $0x1400  }
0x83: {  	[sflag:s25] =	ssyncset.done $0x0  }
0x84: {  	s17 =	simm.s32 $0x4D30;
	[sflag:s25] =	ssyncadd.s32 $0xFFFFEC00  }
0x85: {  	[spmem:s3] =	stream.indirect.scatter.add.f32 [tilespmem:s18], [sflag:$0x8], $0x40, s17, s14, $0xb8;
	[tilespmem:$0x15220] =	vst v63  }
0x86: {  	_ =	swait.ge [sflag:s26], $0x1400  }
0x87: {  	[sflag:s26] =	ssyncset.done $0x0  }
0x88: {  	s19 =	simm.s32 $0x4D80;
	[sflag:s26] =	ssyncadd.s32 $0xFFFFEC00  }
0x89: {  	[spmem:s3] =	stream.indirect.scatter.add.f32 [tilespmem:s20], [sflag:$0x9], $0x40, s19, s14, $0xb8;
	[tilespmem:$0x15220] =	vst v63  }
0x8a: {  	_ =	swait.ge [sflag:s28], $0x1400  }
0x8b: {  	[sflag:s28] =	ssyncset.done $0x0  }
0x8c: {  	[sflag:s28] =	ssyncadd.s32 $0xFFFFEC00  }
0x8d: {  	[spmem:s3] =	stream.indirect.scatter.add.f32 [tilespmem:s22], [sflag:$0xA], $0x40, s21, s14, $0xb8;
	[tilespmem:$0x15220] =	vst v63  }
0x8e: {  	_ =	swait.ge [sflag:s29], $0x1400  }
0x8f: {  	[sflag:s29] =	ssyncset.done $0x0  }
0x90: {  	[sflag:s29] =	ssyncadd.s32 $0xFFFFEC00  }
0x91: {  	_ =	swait.ge [sflag:s30], $0x1400  }
0x92: {  	[sflag:s30] =	ssyncset.done $0x0  }
0x93: {  	[sflag:s30] =	ssyncadd.s32 $0xFFFFEC00  }
0x94: {  	_ =	swait.ge [sflag:s31], $0x1400  }
0x95: {  	[sflag:s31] =	ssyncset.done $0x0  }
0x96: {  	[sflag:s31] =	ssyncadd.s32 $0xFFFFEC00  }
0x97: {  	_ =	swait.ge [sflag:s1], $0x1400  }
0x98: {  	[sflag:s1] =	ssyncset.done $0x0  }
0x99: {  	[sflag:s1] =	ssyncadd.s32 $0xFFFFEC00  }
0x9a: {  	_ =	swait.ge [sflag:s0], $0x1400  }
0x9b: {  	s2 =	sadd.s32 $0x1, s2;
	[sflag:s0] =	ssyncset.done $0x0  }
0x9c: {  	p0 =	sne.s32 s2, s10;
	[sflag:s0] =	ssyncadd.s32 $0xFFFFEC00  }
.Ltmp1:
0x9d: {  	[bflag:$0x0] =	sbarrier.arrive $0xFFFF;
	(pc) =	sbr.rel @p0 .LBB2_1-.Ltmp1, $4  }
0x9e: {  	[hbm:s9], [sflag:s6] =	dma.local [spmem:s11], $0x1400  }
0x9f: {  	_ =	swait.ge [sflag:s12], $0x1400  }
0xa0: {  	[sflag:s12] =	ssyncset.done $0x0  }
0xa1: {  	[sflag:s12] =	ssyncadd.s32 $0xFFFFEC00  }
0xa2: {  	_ =	sfence.sel $0x180000  }
0xa3: {  	[bflag:$0x0] =	sbarrier.arrive $0xFFFF  }
0xa4: {  	_ =	strace $0x9000004A  }
0xa5: {  	s0 =	stileid.u32;
	[bflag:$0x2] =	sbarrier.arrive $0xFFFF  }
0xa6: {  	p0 =	sne.s32 s0, $0x0;
	s0 =	rddreg [dreg:$0x3]  }
0xa7: {  	s0 =	sadd.s32 @!p0 $0x100000, s0  }
0xa8: {  	[sflag:s0] =	ssyncadd.tile.s32 @!p0 $0x1;
	_ =	shalt  }
.Lfunc_end2:
_tile_overlayer_lowered:
.L_overlay_start_2:
0xa9: {  	(tag) =	ssettag $0x2  }
0xaa: {  	s0 =	rddreg [dreg:$0x0];
	s2 =	stileid.u32  }
0xab: {  	s1 =	rddreg [dreg:$0x1];
	p0 =	sne.s32 s2, $0x0  }
0xac: {  	s3 =	rddreg [dreg:$0x2];
	[bflag:$0x3] =	sbarrier.arrive $0xFFFF;
	s2 =	simm.s32 @!p0 $0x1C0B  }
0xad: {  	[timem:s3], [sflag:s2] =	dma.local @!p0 [hbm:s0], s1  }
0xae: {  	s0 =	simm.s32 @!p0 $0xB  }
0xaf: {  	_ =	swait.ge @!p0 [sflag:s0], s1  }
0xb0: {  	s1 =	ssub.s32 @!p0 $0x0, s1;
	[sflag:s0] =	ssyncset.done @!p0 $0x0  }
0xb1: {  	[sflag:s0] =	ssyncadd.s32 @!p0 s1  }
0xb2: {  	[bflag:$0x3] =	sbarrier.arrive $0xFFFF  }
0xb3: {  	_ =	shalt  }

// kernel: kernel.14.cloned.1.call-start
scs
__scs_entry_jumppad:
0x0: {  	(pc) =	sbr.rel $0x88, $3  }
0x1: {  	(tag) =	ssettag $0x0;
	lr =	simm.s32 $0x1  }
0x2: {  	[smem:$0x3F9B] =	sst lr;
	_ =	strace $0xD0000000  }
0x3: {  	_ = 	snop  }
0x4: {  	_ = 	snop  }
0x5: {  	_ = 	snop  }
0x6: {  	_ = 	snop  }
0x7: {  	_ = 	snop  }
__scs_overlays_trampoline_lowered:
0x8: {  	[smem:$0x3FAA] =	sst s0  }
0x9: {  	[smem:$0x3FAB] =	sst s1  }
0xa: {  	[smem:$0x3FAC] =	sst s2  }
0xb: {  	[smem:$0x3FAD] =	sst s3  }
0xc: {  	[smem:$0x3FAE] =	sst s4  }
0xd: {  	[smem:$0x3FAF] =	sst s5  }
0xe: {  	[smem:$0x3FB0] =	sst s6  }
0xf: {  	[smem:$0x3FB1] =	sst s7  }
0x10: {  	[smem:$0x3FB2] =	sst s8  }
0x11: {  	[smem:$0x3FB3] =	sst s9;
	s0 =	simm.s32 @!p0 $0x0  }
0x12: {  	s1 =	sld [smem:$0x3F99];
	s0 =	simm.s32 @p0 $0x1  }
0x13: {  	[smem:$0x3FB4] =	sst s0;
	s0 =	simm.s32 @!p1 $0x0  }
0x14: {  	s2 =	sld [smem:$0x3F98];
	s0 =	simm.s32 @p1 $0x1  }
0x15: {  	[smem:$0x3FB5] =	sst s0;
	s0 =	simm.s32 @!p2 $0x0  }
0x16: {  	s3 =	sld [smem:$0x3FDB];
	s0 =	simm.s32 @p2 $0x1  }
0x17: {  	s4 =	simm.s32 $0x1BF5;
	[smem:$0x3FB7] =	sst s0  }
0x18: {  	s0 =	sld [smem:$0x3F9A];
	_ =	swait.ge [sflag:s4], $0x0  }
0x19: {  	s7 =	sld [smem:$0x3F9B]  }
0x1a: {  	s8 =	sadd.s32 $0xFFFFE003, lr  }
0x1b: {  	s9 =	sadd.s32 $0xFFFFFEF7, lr;
	s5 =	simm.s32 $0xFFFFFFFF;
	p2 =	slt.u32 s8, $0xFFFFF086  }
0x1c: {  	p1 =	slt.u32 s9, $0xF7A;
	s5 =	simm.s32 @!p2 $0x0  }
0x1d: {  	s5 =	simm.s32 @p1 $0x1;
	p0 =	seq.s32 s7, s2  }
0x1e: {  	s7 =	smul.u32 @!p0 $0xF7A, s2;
	p2 =	seq.s32 @!p0 s5, $0x0  }
0x1f: {  	s9 =	smul.u32 $0xF7A, s1;
	s8 =	simm.s32 @!p0 $0x1BF5;
	p2 =	por !p2, p0  }
0x20: {  	[sflag:s8] =	ssyncset.s32 @!p0 $0xFFFFF086;
	s6 =	sadd.s32 @!p0 s3, s7;
	s7 =	simm.s32 @!p0 $0x108  }
0x21: {  	s3 =	sadd.s32 s3, s9;
	s6 =	sadd.s32 @!p0 $0x88, s6;
	s7 =	simm.s32 @p2 $0x1082  }
0x22: {  	[simem:s7], [sflag:s8] =	dma.local @!p0 [hbm:s6], $0xF7A  }
0x23: {  	s9 =	sor.u32 $0xD0000000, s2;
	s6 =	simm.s32 $0x108;
	_ =	swait.ge @!p0 [sflag:s8], $0x0  }
0x24: {  	s3 =	sadd.s32 $0x88, s3;
	s6 =	simm.s32 @!p1 $0x1082;
	[sflag:s4] =	ssyncset.s32 $0xFFFFF086  }
0x25: {  	[simem:s6], [sflag:s4] =	dma.local [hbm:s3], $0xF7A  }
0x26: {  	[smem:$0x3F9B] =	sst s1;
	(tag) =	ssettag s2;
	_ =	strace s9  }
0x27: {  	s1 =	sld [smem:$0x3FAB]  }
0x28: {  	s2 =	sld [smem:$0x3FAC]  }
0x29: {  	s4 =	sld [smem:$0x3FAE]  }
0x2a: {  	p0 =	seq.s32 s5, $0x0;
	s5 =	sld [smem:$0x3FAF]  }
0x2b: {  	s6 =	sld [smem:$0x3FB0]  }
0x2c: {  	s7 =	sld [smem:$0x3FB1]  }
0x2d: {  	s3 =	simm.s32 $0x108;
	s8 =	sld [smem:$0x3FB2]  }
0x2e: {  	s3 =	simm.s32 @!p0 $0x1082;
	s9 =	sld [smem:$0x3FB3]  }
0x2f: {  	lr =	sadd.s32 s0, s3;
	s0 =	sld [smem:$0x3FAA]  }
0x30: {  	s3 =	sld [smem:$0x3FAD]  }
0x31: {  	[smem:$0x3FB6] =	sst s10  }
0x32: {  	s10 =	sld [smem:$0x3FB4];
	_ =	sdelay $0x3  }
0x33: {  	p0 =	seq.s32 s10, $0x1;
	s10 =	sld [smem:$0x3FB6];
	_ =	sdelay $0x3  }
0x34: {  	[smem:$0x3FB6] =	sst s10  }
0x35: {  	s10 =	sld [smem:$0x3FB5];
	_ =	sdelay $0x3  }
0x36: {  	p1 =	seq.s32 s10, $0x1;
	s10 =	sld [smem:$0x3FB6];
	_ =	sdelay $0x3  }
0x37: {  	[smem:$0x3FB6] =	sst s10  }
0x38: {  	s10 =	sld [smem:$0x3FB7]  }
0x39: {  	_ = 	snop;
	(pc) =	sbr.ind lr, $3  }
0x3a: {  	_ = 	snop  }
0x3b: {  	_ = 	snop  }
0x3c: {  	p2 =	seq.s32 s10, $0x1;
	s10 =	sld [smem:$0x3FB6]  }
0x3d: {  	_ =	shalt  }
0x3e: {  	_ =	shalt  }
0x3f: {  	_ =	shalt  }
0x40: {  	_ =	shalt  }
0x41: {  	_ =	shalt  }
0x42: {  	_ =	shalt  }
0x43: {  	_ =	shalt  }
0x44: {  	_ =	shalt  }
0x45: {  	_ =	shalt  }
0x46: {  	_ =	shalt  }
0x47: {  	_ =	shalt  }
0x48: {  	_ =	shalt  }
0x49: {  	_ =	shalt  }
0x4a: {  	_ =	shalt  }
0x4b: {  	_ =	shalt  }
0x4c: {  	_ =	shalt  }
0x4d: {  	_ =	shalt  }
0x4e: {  	_ =	shalt  }
0x4f: {  	_ =	shalt  }
0x50: {  	_ =	shalt  }
0x51: {  	_ =	shalt  }
0x52: {  	_ =	shalt  }
0x53: {  	_ =	shalt  }
0x54: {  	_ =	shalt  }
0x55: {  	_ =	shalt  }
0x56: {  	_ =	shalt  }
0x57: {  	_ =	shalt  }
0x58: {  	_ =	shalt  }
0x59: {  	_ =	shalt  }
0x5a: {  	_ =	shalt  }
0x5b: {  	_ =	shalt  }
0x5c: {  	_ =	shalt  }
0x5d: {  	_ =	shalt  }
0x5e: {  	_ =	shalt  }
0x5f: {  	_ =	shalt  }
0x60: {  	_ =	shalt  }
0x61: {  	_ =	shalt  }
0x62: {  	_ =	shalt  }
0x63: {  	_ =	shalt  }
0x64: {  	_ =	shalt  }
0x65: {  	_ =	shalt  }
0x66: {  	_ =	shalt  }
0x67: {  	_ =	shalt  }
0x68: {  	_ =	shalt  }
0x69: {  	_ =	shalt  }
0x6a: {  	_ =	shalt  }
0x6b: {  	_ =	shalt  }
0x6c: {  	_ =	shalt  }
0x6d: {  	_ =	shalt  }
0x6e: {  	_ =	shalt  }
0x6f: {  	_ =	shalt  }
0x70: {  	_ =	shalt  }
0x71: {  	_ =	shalt  }
0x72: {  	_ =	shalt  }
0x73: {  	_ =	shalt  }
0x74: {  	_ =	shalt  }
0x75: {  	_ =	shalt  }
0x76: {  	_ =	shalt  }
0x77: {  	_ =	shalt  }
0x78: {  	_ =	shalt  }
0x79: {  	_ =	shalt  }
0x7a: {  	_ =	shalt  }
0x7b: {  	_ =	shalt  }
0x7c: {  	_ =	shalt  }
0x7d: {  	_ =	shalt  }
0x7e: {  	_ =	shalt  }
0x7f: {  	_ =	shalt  }
0x80: {  	_ =	shalt  }
0x81: {  	_ =	shalt  }
0x82: {  	_ =	shalt  }
0x83: {  	_ =	shalt  }
0x84: {  	_ =	shalt  }
0x85: {  	_ =	shalt  }
0x86: {  	_ =	shalt  }
0x87: {  	_ =	shalt  }
.Lfunc_end0:
.L_simem_size_0:
called_computation.2_lowered:
.L_overlay_start_0:
0x88: {  	s2 =	sld [smem:$0x3FD9]  }
0x89: {  	s3 =	sld [smem:$0x3FFE];
	_ =	sdelay $0x1  }
0x8a: {  	s1 =	srdreg.scid  }
0x8b: {  	s0 =	sand.u32 $0x1, s1  }
0x8c: {  	s17 =	sshll.u32 s0, $0xA;
	s2 =	sadd.s32 s3, s2  }
0x8d: {  	s2 =	sadd.s32 s2, s17  }
0x8e: {  	[smem:$0x3FC2] =	sst s2  }
0x8f: {  	_ = 	snop  }
0x90: {  	s2 =	sld [smem:$0x3FD0];
	(tm) =	ssettm $0x1  }
0x91: {  	s18 =	sld [smem:$0x3FFB];
	_ =	sdelay $0x3  }
0x92: {  	_ =	strace s18  }
0x93: {  	s3 =	sld [smem:$0x3FFC];
	_ =	sdelay $0x3  }
0x94: {  	_ =	strace s3  }
0x95: {  	s3 =	sld [smem:$0x3FFD];
	_ =	sdelay $0x3  }
0x96: {  	_ =	strace s3  }
0x97: {  	_ =	strace $0x8FFFFFFF  }
0x98: {  	s19 =	sld [smem:$0x3FDB];
	_ =	sdelay $0x1  }
0x99: {  	s4 =	simm.s32 $_scs_section_size  }
0x9a: {  	s5 =	simm.s32 $_size__tile_overlayer_lowered;
	s6 =	simm.s32 $_tile_overlayer_lowered  }
0x9b: {  	s22 =	simm.s32 $0x1BFF;
	s21 =	sshll.u32 s6, $0x1;
	s3 =	sadd.s32 s4, s19  }
0x9c: {  	s7 =	simm.s32 $0x0;
	s20 =	sshll.u32 s5, $0x1;
	s5 =	sadd.s32 s21, s3  }
0x9d: {  	[timem:s7], [sflag:s22] =	dma.local [hbm:s5], s20  }
0x9e: {  	_ =	swait.ge [sflag:s22], s20  }
0x9f: {  	s4 =	ssub.s32 $0x0, s20;
	[sflag:s22] =	ssyncset.done $0x0  }
0xa0: {  	[sflag:s22] =	ssyncadd.s32 s4;
	_ =	sdelay $0x1  }
0xa1: {  	s23 =	simm.s32 $0x1B8B  }
0xa2: {  	_ =	swait.ge [sflag:s23], $0x1  }
0xa3: {  	[sflag:s23] =	ssyncset.done $0x0  }
0xa4: {  	s25 =	simm.s32 $0x1B8E;
	s24 =	sld [smem:$0x3FFE];
	[sflag:s23] =	ssyncadd.s32 $0xFFFFFFFF  }
0xa5: {  	s26 =	simm.s32 $execute0_lowered;
	[smem:$0x3FD2] =	sst s25  }
0xa6: {  	s5 =	sshll.u32 s26, $0x1;
	_ =	strace $0x8000004C;
	[dreg:$0x1] =	wrdreg $0xFFFFFFFF  }
0xa7: {  	s28 =	simm.s32 $_size_execute0_lowered;
	s3 =	sadd.s32 s3, s5;
	[dreg:$0x0] =	wrdreg $0x0  }
0xa8: {  	s5 =	sshll.u32 s28, $0x1;
	[dreg:$0x2] =	wrdreg s3  }
0xa9: {  	[dreg:$0x3] =	wrdreg s5  }
0xaa: {  	[dreg:$0x4] =	wrdreg $0xC0  }
0xab: {  	_ =	task [dreg:s7], $0x5FFFF  }
0xac: {  	[dreg:$0x1] =	wrdreg $0xFFFFFFFF  }
0xad: {  	[dreg:$0x0] =	wrdreg $0x60  }
0xae: {  	[dreg:$0x2] =	wrdreg s24  }
0xaf: {  	[dreg:$0x3] =	wrdreg s2  }
0xb0: {  	[dreg:$0x4] =	wrdreg $0x67200  }
0xb1: {  	[dreg:$0x5] =	wrdreg $0x9  }
0xb2: {  	_ =	task.clear_ibuf [dreg:s7], $0x6FFFF;
	_ =	strace $0x9000004C  }
0xb3: {  	s29 =	simm.s32 $0x9;
	_ =	strace $0x8000004E  }
0xb4: {  	_ =	swait.ge [sflag:s29], $0x1  }
0xb5: {  	[sflag:s29] =	ssyncadd.s32 $0xFFFFFFFF  }
0xb6: {  	_ =	strace $0x9000004E  }
0xb7: {  	_ =	sfence  }
0xb8: {  	s30 =	sld [smem:$0x0];
	_ =	sdelay $0x2  }
0xb9: {  	s31 =	sshll.u32 s1, $0xD;
	s1 =	sshrl.u32 s1, $0x2  }
0xba: {  	s3 =	sand.u32 $0x4000, s31;
	s1 =	sadd.s32 s1, s30  }
0xbb: {  	s0 =	sor.u32 s3, s0;
	s1 =	sshll.u32 s1, $0x11  }
0xbc: {  	s0 =	sor.u32 s1, s0  }
0xbd: {  	s0 =	sadd.s32 $0x8F2B, s0  }
0xbe: {  	[sflag:s0] =	ssyncadd.remote.s32 $0x1  }
0xbf: {  	_ =	sfence.sel $0xFFFF  }
0xc0: {  	[dreg:$0x0] =	wrdreg $0xFFFFFFFF;
	(pc) =	sbr.abs _section_cstart, $3  }
0xc1: {  	[dreg:$0x1] =	wrdreg $0xFFFFFFFF  }
0xc2: {  	_ =	task.clear_ibuf [dreg:s7], $0x2FFFF;
	_ =	strace $0x9FFFFFFF  }
0xc3: {  	(tm) =	ssettm $0x7FFFFFFF  }
tec
execute0_lowered:
.L_overlay_start_1:
0x0: {  	(tag) =	ssettag $0x1  }
0x1: {  	s0 =	srdreg.scid;
	s2 =	rddreg [dreg:$0x0]  }
0x2: {  	s8 =	stileid.u32;
	s3 =	rddreg [dreg:$0x2]  }
0x3: {  	s4 =	simm.s32 $0x0;
	s12 =	simm.s32 $0xB;
	s14 =	simm.s32 $0x50  }
0x4: {  	s15 =	simm.s32 $0x4E20;
	s16 =	simm.s32 $0x5320;
	s18 =	simm.s32 $0x5820  }
0x5: {  	s20 =	simm.s32 $0x5D20;
	s22 =	simm.s32 $0x6220;
	s23 =	simm.s32 $0x1  }
0x6: {  	s24 =	simm.s32 $0x2;
	s28 =	simm.s32 $0x5;
	s29 =	simm.s32 $0x6  }
0x7: {  	s30 =	simm.s32 $0x7;
	s31 =	simm.s32 $0x8;
	s21 =	simm.s32 $0x4DD0  }
0x8: {  	s0 =	sand.u32 $0x1, s0;
	s6 =	smul.u32 $0x2800, s8;
	[smem:$0x7FF] =	sst s4  }
0x9: {  	s26 =	sshll.u32 s8, $0x6;
	s1 =	sshll.u32 s0, $0x4;
	s5 =	smul.u32 $0x28000, s0  }
0xa: {  	_ =	strace $0x8000004D;
	s0 =	ssub.s32 $0x2, s0;
	s1 =	sor.u32 s8, s1  }
0xb: {  	s25 =	sshrl.u32 s0, $0x1;
	s11 =	sadd.s32 s6, s3;
	s1 =	smul.u32 $0x2710, s1  }
0xc: {  	s5 =	sadd.s32 s6, s5;
	s0 =	ssub.s32 s0, s25;
	s6 =	sor.u32 $0x1C0B, s26  }
0xd: {  	s11 =	sshrl.u32 s11, $0x3;
	s25 =	simm.s32 $0x3;
	s26 =	simm.s32 $0x4  }
0xe: {  	s7 =	sshrl.u32 s5, $0x3;
	s5 =	sadd.s32 $0x16000, s2;
	s1 =	sshrl.u32 s1, $0x3  }
0xf: {  	s10 =	smax.u32 s0, $0x1;
	s0 =	simm.s32 $0xA;
	s1 =	sadd.s32 s1, s2  }
0x10: {  	s2 =	sadd.s32 s7, s2;
	s7 =	sadd.s32 $0x2600, s1;
	s8 =	sadd.s32 $0xC240, s1  }
0x11: {  	s9 =	sadd.s32 $0x1B000, s2;
	s1 =	simm.s32 $0x9;
	s2 =	simm.s32 $0x0  }
.LBB2_1:
0x12: {  	s13 =	rddreg [dreg:$0x1]  }
0x13: {  	[spmem:s11], [sflag:s6] =	dma.local [hbm:s13], $0x500  }
0x14: {  	_ =	swait.ge [sflag:s12], $0x500  }
0x15: {  	[sflag:s12] =	ssyncset.done $0x0  }
0x16: {  	[sflag:s12] =	ssyncadd.s32 $0xFFFFFB00  }
0x17: {  	[bflag:$0x0] =	sbarrier.arrive $0xFFFF  }
0x18: {  	[tilespmem:s4], [sflag:$0xB] =	stream.linear.gather [hbm4b:s7+s4], $0x2710, $0x38;
	[tilespmem:$0x8F20] =	vst v63  }
0x19: {  	_ =	swait.ge [sflag:s12], $0x2710  }
0x1a: {  	[sflag:s12] =	ssyncset.done $0x0  }
0x1b: {  	s19 =	simm.s32 $0x2710;
	[sflag:s12] =	ssyncadd.s32 $0xFFFFD8F0  }
0x1c: {  	[tilespmem:s19], [sflag:$0xB] =	stream.linear.gather [hbm4b:s8+s4], $0x2710, $0x38;
	[tilespmem:$0x8F20] =	vst v63  }
0x1d: {  	_ =	swait.ge [sflag:s12], $0x2710  }
0x1e: {  	[sflag:s12] =	ssyncset.done $0x0  }
0x1f: {  	[sflag:s12] =	ssyncadd.s32 $0xFFFFD8F0  }
0x20: {  	[tilespmem:s15], [sflag:$0x1] =	stream.indirect.gather [hbm4b:s5+s14], $0x10, s4, s14, $0xb8;
	[tilespmem:$0x8F20] =	vst v63  }
0x21: {  	_ = 	snop  }
0x22: {  	[tilespmem:s16], [sflag:$0x2] =	stream.indirect.gather [hbm4b:s5+s14], $0x10, s14, s14, $0xb8;
	[tilespmem:$0x8F20] =	vst v63  }
0x23: {  	s17 =	simm.s32 $0xA0  }
0x24: {  	[tilespmem:s18], [sflag:$0x3] =	stream.indirect.gather [hbm4b:s5+s14], $0x10, s17, s14, $0xb8;
	[tilespmem:$0x8F20] =	vst v63  }
0x25: {  	s19 =	simm.s32 $0xF0  }
0x26: {  	[tilespmem:s20], [sflag:$0x4] =	stream.indirect.gather [hbm4b:s5+s14], $0x10, s19, s14, $0xb8;
	[tilespmem:$0x8F20] =	vst v63  }
0x27: {  	s17 =	simm.s32 $0x140  }
0x28: {  	[tilespmem:s22], [sflag:$0x5] =	stream.indirect.gather [hbm4b:s5+s14], $0x10, s17, s14, $0xb8;
	[tilespmem:$0x8F20] =	vst v63  }
0x29: {  	_ =	swait.ge [sflag:s23], $0x500  }
0x2a: {  	[sflag:s23] =	ssyncset.done $0x0  }
0x2b: {  	s19 =	simm.s32 $0x2710;
	[sflag:s23] =	ssyncadd.s32 $0xFFFFFB00  }
0x2c: {  	[spmem:s3] =	stream.indirect.scatter.add.f32 [tilespmem:s15], [sflag:$0x6], $0x10, s19, s14, $0xb8;
	[tilespmem:$0x8F20] =	vst v63  }
0x2d: {  	_ =	swait.ge [sflag:s24], $0x500  }
0x2e: {  	[sflag:s24] =	ssyncset.done $0x0  }
0x2f: {  	s17 =	simm.s32 $0x2760;
	[sflag:s24] =	ssyncadd.s32 $0xFFFFFB00  }
0x30: {  	[spmem:s3] =	stream.indirect.scatter.add.f32 [tilespmem:s16], [sflag:$0x7], $0x10, s17, s14, $0xb8;
	[tilespmem:$0x8F20] =	vst v63  }
0x31: {  	_ =	swait.ge [sflag:s25], $0x500  }
0x32: {  	[sflag:s25] =	ssyncset.done $0x0  }
0x33: {  	s19 =	simm.s32 $0x27B0;
	[sflag:s25] =	ssyncadd.s32 $0xFFFFFB00  }
0x34: {  	[spmem:s3] =	stream.indirect.scatter.add.f32 [tilespmem:s18], [sflag:$0x8], $0x10, s19, s14, $0xb8;
	[tilespmem:$0x8F20] =	vst v63  }
0x35: {  	_ =	swait.ge [sflag:s26], $0x500  }
0x36: {  	[sflag:s26] =	ssyncset.done $0x0  }
0x37: {  	s17 =	simm.s32 $0x2800;
	[sflag:s26] =	ssyncadd.s32 $0xFFFFFB00  }
0x38: {  	[spmem:s3] =	stream.indirect.scatter.add.f32 [tilespmem:s20], [sflag:$0x9], $0x10, s17, s14, $0xb8;
	[tilespmem:$0x8F20] =	vst v63  }
0x39: {  	_ =	swait.ge [sflag:s28], $0x500  }
0x3a: {  	[sflag:s28] =	ssyncset.done $0x0  }
0x3b: {  	s19 =	simm.s32 $0x2850;
	[sflag:s28] =	ssyncadd.s32 $0xFFFFFB00  }
0x3c: {  	[spmem:s3] =	stream.indirect.scatter.add.f32 [tilespmem:s22], [sflag:$0xA], $0x10, s19, s14, $0xb8;
	[tilespmem:$0x8F20] =	vst v63  }
0x3d: {  	_ =	swait.ge [sflag:s29], $0x500  }
0x3e: {  	[sflag:s29] =	ssyncset.done $0x0  }
0x3f: {  	s17 =	simm.s32 $0x190;
	[sflag:s29] =	ssyncadd.s32 $0xFFFFFB00  }
0x40: {  	[tilespmem:s15], [sflag:$0x1] =	stream.indirect.gather [hbm4b:s5+s14], $0x10, s17, s14, $0xb8;
	[tilespmem:$0x8F20] =	vst v63  }
0x41: {  	_ =	swait.ge [sflag:s30], $0x500  }
0x42: {  	[sflag:s30] =	ssyncset.done $0x0  }
0x43: {  	s19 =	simm.s32 $0x1E0;
	[sflag:s30] =	ssyncadd.s32 $0xFFFFFB00  }
0x44: {  	[tilespmem:s16], [sflag:$0x2] =	stream.indirect.gather [hbm4b:s5+s14], $0x10, s19, s14, $0xb8;
	[tilespmem:$0x8F20] =	vst v63  }
0x45: {  	_ =	swait.ge [sflag:s31], $0x500  }
0x46: {  	[sflag:s31] =	ssyncset.done $0x0  }
0x47: {  	s17 =	simm.s32 $0x230;
	[sflag:s31] =	ssyncadd.s32 $0xFFFFFB00  }
0x48: {  	[tilespmem:s18], [sflag:$0x3] =	stream.indirect.gather [hbm4b:s5+s14], $0x10, s17, s14, $0xb8;
	[tilespmem:$0x8F20] =	vst v63  }
0x49: {  	_ =	swait.ge [sflag:s1], $0x500  }
0x4a: {  	[sflag:s1] =	ssyncset.done $0x0  }
0x4b: {  	s19 =	simm.s32 $0x280;
	[sflag:s1] =	ssyncadd.s32 $0xFFFFFB00  }
0x4c: {  	[tilespmem:s20], [sflag:$0x4] =	stream.indirect.gather [hbm4b:s5+s14], $0x10, s19, s14, $0xb8;
	[tilespmem:$0x8F20] =	vst v63  }
0x4d: {  	_ =	swait.ge [sflag:s0], $0x500  }
0x4e: {  	[sflag:s0] =	ssyncset.done $0x0  }
0x4f: {  	s13 =	simm.s32 $0x640;
	s17 =	simm.s32 $0x2D0;
	[sflag:s0] =	ssyncadd.s32 $0xFFFFFB00  }
.LBB2_2:
0x50: {  	[tilespmem:s22], [sflag:$0x5] =	stream.indirect.gather [hbm4b:s5+s14], $0x10, s17, s14, $0xb8;
	[tilespmem:$0x8F20] =	vst v63  }
0x51: {  	s17 =	smov.u32 s13  }
0x52: {  	p0 =	sne.s32 s13, $0x8FC0;
	s13 =	sadd.s32 $0x640, s13;
	_ =	swait.ge [sflag:s23], $0x500  }
0x53: {  	s17 =	sshra.s32 s17, $0x2;
	[sflag:s23] =	ssyncset.done $0x0  }
0x54: {  	s19 =	sadd.s32 $0x2710, s17;
	[sflag:s23] =	ssyncadd.s32 $0xFFFFFB00  }
0x55: {  	[spmem:s3] =	stream.indirect.scatter.add.f32 [tilespmem:s15], [sflag:$0x6], $0x10, s19, s14, $0xb8;
	[tilespmem:$0x8F20] =	vst v63  }
0x56: {  	_ =	swait.ge [sflag:s24], $0x500  }
0x57: {  	[sflag:s24] =	ssyncset.done $0x0  }
0x58: {  	s19 =	sadd.s32 $0x2760, s17;
	[sflag:s24] =	ssyncadd.s32 $0xFFFFFB00  }
0x59: {  	[spmem:s3] =	stream.indirect.scatter.add.f32 [tilespmem:s16], [sflag:$0x7], $0x10, s19, s14, $0xb8;
	[tilespmem:$0x8F20] =	vst v63  }
0x5a: {  	_ =	swait.ge [sflag:s25], $0x500  }
0x5b: {  	[sflag:s25] =	ssyncset.done $0x0  }
0x5c: {  	s19 =	sadd.s32 $0x27B0, s17;
	[sflag:s25] =	ssyncadd.s32 $0xFFFFFB00  }
0x5d: {  	[spmem:s3] =	stream.indirect.scatter.add.f32 [tilespmem:s18], [sflag:$0x8], $0x10, s19, s14, $0xb8;
	[tilespmem:$0x8F20] =	vst v63  }
0x5e: {  	_ =	swait.ge [sflag:s26], $0x500  }
0x5f: {  	[sflag:s26] =	ssyncset.done $0x0  }
0x60: {  	s19 =	sadd.s32 $0x2800, s17;
	[sflag:s26] =	ssyncadd.s32 $0xFFFFFB00  }
0x61: {  	[spmem:s3] =	stream.indirect.scatter.add.f32 [tilespmem:s20], [sflag:$0x9], $0x10, s19, s14, $0xb8;
	[tilespmem:$0x8F20] =	vst v63  }
0x62: {  	_ =	swait.ge [sflag:s28], $0x500  }
0x63: {  	[sflag:s28] =	ssyncset.done $0x0  }
0x64: {  	s19 =	sadd.s32 $0x2850, s17;
	[sflag:s28] =	ssyncadd.s32 $0xFFFFFB00  }
0x65: {  	[spmem:s3] =	stream.indirect.scatter.add.f32 [tilespmem:s22], [sflag:$0xA], $0x10, s19, s14, $0xb8;
	[tilespmem:$0x8F20] =	vst v63  }
0x66: {  	_ =	swait.ge [sflag:s29], $0x500  }
0x67: {  	[sflag:s29] =	ssyncset.done $0x0  }
0x68: {  	s19 =	sadd.s32 $0x190, s17;
	[sflag:s29] =	ssyncadd.s32 $0xFFFFFB00  }
0x69: {  	[tilespmem:s15], [sflag:$0x1] =	stream.indirect.gather [hbm4b:s5+s14], $0x10, s19, s14, $0xb8;
	[tilespmem:$0x8F20] =	vst v63  }
0x6a: {  	_ =	swait.ge [sflag:s30], $0x500  }
0x6b: {  	[sflag:s30] =	ssyncset.done $0x0  }
0x6c: {  	s19 =	sadd.s32 $0x1E0, s17;
	[sflag:s30] =	ssyncadd.s32 $0xFFFFFB00  }
0x6d: {  	[tilespmem:s16], [sflag:$0x2] =	stream.indirect.gather [hbm4b:s5+s14], $0x10, s19, s14, $0xb8;
	[tilespmem:$0x8F20] =	vst v63  }
0x6e: {  	_ =	swait.ge [sflag:s31], $0x500  }
0x6f: {  	[sflag:s31] =	ssyncset.done $0x0  }
0x70: {  	s19 =	sadd.s32 $0x230, s17;
	[sflag:s31] =	ssyncadd.s32 $0xFFFFFB00  }
0x71: {  	[tilespmem:s18], [sflag:$0x3] =	stream.indirect.gather [hbm4b:s5+s14], $0x10, s19, s14, $0xb8;
	[tilespmem:$0x8F20] =	vst v63  }
0x72: {  	_ =	swait.ge [sflag:s1], $0x500  }
0x73: {  	[sflag:s1] =	ssyncset.done $0x0  }
.Ltmp0:
0x74: {  	s19 =	sadd.s32 $0x280, s17;
	[sflag:s1] =	ssyncadd.s32 $0xFFFFFB00;
	(pc) =	sbr.rel @p0 .LBB2_2-.Ltmp0, $4  }
0x75: {  	[tilespmem:s20], [sflag:$0x4] =	stream.indirect.gather [hbm4b:s5+s14], $0x10, s19, s14, $0xb8;
	[tilespmem:$0x8F20] =	vst v63  }
0x76: {  	_ =	swait.ge [sflag:s0], $0x500  }
0x77: {  	[sflag:s0] =	ssyncset.done $0x0  }
0x78: {  	s17 =	sadd.s32 $0x2D0, s17;
	[sflag:s0] =	ssyncadd.s32 $0xFFFFFB00  }
0x79: {  	[tilespmem:s22], [sflag:$0x5] =	stream.indirect.gather [hbm4b:s5+s14], $0x10, s17, s14, $0xb8;
	[tilespmem:$0x8F20] =	vst v63  }
0x7a: {  	_ =	swait.ge [sflag:s23], $0x500  }
0x7b: {  	[sflag:s23] =	ssyncset.done $0x0  }
0x7c: {  	s13 =	simm.s32 $0x4C90;
	[sflag:s23] =	ssyncadd.s32 $0xFFFFFB00  }
0x7d: {  	[spmem:s3] =	stream.indirect.scatter.add.f32 [tilespmem:s15], [sflag:$0x6], $0x10, s13, s14, $0xb8;
	[tilespmem:$0x8F20] =	vst v63  }
0x7e: {  	_ =	swait.ge [sflag:s24], $0x500  }
0x7f: {  	[sflag:s24] =	ssyncset.done $0x0  }
0x80: {  	s19 =	simm.s32 $0x4CE0;
	[sflag:s24] =	ssyncadd.s32 $0xFFFFFB00  }
0x81: {  	[spmem:s3] =	stream.indirect.scatter.add.f32 [tilespmem:s16], [sflag:$0x7], $0x10, s19, s14, $0xb8;
	[tilespmem:$0x8F20] =	vst v63  }
0x82: {  	_ =	swait.ge [sflag:s25], $0x500  }
0x83: {  	[sflag:s25] =	ssyncset.done $0x0  }
0x84: {  	s17 =	simm.s32 $0x4D30;
	[sflag:s25] =	ssyncadd.s32 $0xFFFFFB00  }
0x85: {  	[spmem:s3] =	stream.indirect.scatter.add.f32 [tilespmem:s18], [sflag:$0x8], $0x10, s17, s14, $0xb8;
	[tilespmem:$0x8F20] =	vst v63  }
0x86: {  	_ =	swait.ge [sflag:s26], $0x500  }
0x87: {  	[sflag:s26] =	ssyncset.done $0x0  }
0x88: {  	s19 =	simm.s32 $0x4D80;
	[sflag:s26] =	ssyncadd.s32 $0xFFFFFB00  }
0x89: {  	[spmem:s3] =	stream.indirect.scatter.add.f32 [tilespmem:s20], [sflag:$0x9], $0x10, s19, s14, $0xb8;
	[tilespmem:$0x8F20] =	vst v63  }
0x8a: {  	_ =	swait.ge [sflag:s28], $0x500  }
0x8b: {  	[sflag:s28] =	ssyncset.done $0x0  }
0x8c: {  	[sflag:s28] =	ssyncadd.s32 $0xFFFFFB00  }
0x8d: {  	[spmem:s3] =	stream.indirect.scatter.add.f32 [tilespmem:s22], [sflag:$0xA], $0x10, s21, s14, $0xb8;
	[tilespmem:$0x8F20] =	vst v63  }
0x8e: {  	_ =	swait.ge [sflag:s29], $0x500  }
0x8f: {  	[sflag:s29] =	ssyncset.done $0x0  }
0x90: {  	[sflag:s29] =	ssyncadd.s32 $0xFFFFFB00  }
0x91: {  	_ =	swait.ge [sflag:s30], $0x500  }
0x92: {  	[sflag:s30] =	ssyncset.done $0x0  }
0x93: {  	[sflag:s30] =	ssyncadd.s32 $0xFFFFFB00  }
0x94: {  	_ =	swait.ge [sflag:s31], $0x500  }
0x95: {  	[sflag:s31] =	ssyncset.done $0x0  }
0x96: {  	[sflag:s31] =	ssyncadd.s32 $0xFFFFFB00  }
0x97: {  	_ =	swait.ge [sflag:s1], $0x500  }
0x98: {  	[sflag:s1] =	ssyncset.done $0x0  }
0x99: {  	[sflag:s1] =	ssyncadd.s32 $0xFFFFFB00  }
0x9a: {  	_ =	swait.ge [sflag:s0], $0x500  }
0x9b: {  	s2 =	sadd.s32 $0x1, s2;
	[sflag:s0] =	ssyncset.done $0x0  }
0x9c: {  	p0 =	sne.s32 s2, s10;
	[sflag:s0] =	ssyncadd.s32 $0xFFFFFB00  }
.Ltmp1:
0x9d: {  	[bflag:$0x0] =	sbarrier.arrive $0xFFFF;
	(pc) =	sbr.rel @p0 .LBB2_1-.Ltmp1, $4  }
0x9e: {  	[hbm:s9], [sflag:s6] =	dma.local [spmem:s11], $0x500  }
0x9f: {  	_ =	swait.ge [sflag:s12], $0x500  }
0xa0: {  	[sflag:s12] =	ssyncset.done $0x0  }
0xa1: {  	[sflag:s12] =	ssyncadd.s32 $0xFFFFFB00  }
0xa2: {  	_ =	sfence.sel $0x180000  }
0xa3: {  	[bflag:$0x0] =	sbarrier.arrive $0xFFFF  }
0xa4: {  	_ =	strace $0x9000004D  }
0xa5: {  	s0 =	stileid.u32;
	[bflag:$0x2] =	sbarrier.arrive $0xFFFF  }
0xa6: {  	p0 =	sne.s32 s0, $0x0;
	s0 =	rddreg [dreg:$0x3]  }
0xa7: {  	s0 =	sadd.s32 @!p0 $0x100000, s0  }
0xa8: {  	[sflag:s0] =	ssyncadd.tile.s32 @!p0 $0x1;
	_ =	shalt  }
.Lfunc_end2:
_tile_overlayer_lowered:
.L_overlay_start_2:
0xa9: {  	(tag) =	ssettag $0x2  }
0xaa: {  	s0 =	rddreg [dreg:$0x0];
	s2 =	stileid.u32  }
0xab: {  	s1 =	rddreg [dreg:$0x1];
	p0 =	sne.s32 s2, $0x0  }
0xac: {  	s3 =	rddreg [dreg:$0x2];
	[bflag:$0x3] =	sbarrier.arrive $0xFFFF;
	s2 =	simm.s32 @!p0 $0x1C0B  }
0xad: {  	[timem:s3], [sflag:s2] =	dma.local @!p0 [hbm:s0], s1  }
0xae: {  	s0 =	simm.s32 @!p0 $0xB  }
0xaf: {  	_ =	swait.ge @!p0 [sflag:s0], s1  }
0xb0: {  	s1 =	ssub.s32 @!p0 $0x0, s1;
	[sflag:s0] =	ssyncset.done @!p0 $0x0  }
0xb1: {  	[sflag:s0] =	ssyncadd.s32 @!p0 s1  }
0xb2: {  	[bflag:$0x3] =	sbarrier.arrive $0xFFFF  }
0xb3: {  	_ =	shalt  }

// kernel: kernel.8.cloned.1.call-start
scs
__scs_entry_jumppad:
0x0: {  	(pc) =	sbr.rel $0x88, $3  }
0x1: {  	(tag) =	ssettag $0x0;
	lr =	simm.s32 $0x1  }
0x2: {  	[smem:$0x3F9B] =	sst lr;
	_ =	strace $0xD0000000  }
0x3: {  	_ = 	snop  }
0x4: {  	_ = 	snop  }
0x5: {  	_ = 	snop  }
0x6: {  	_ = 	snop  }
0x7: {  	_ = 	snop  }
__scs_overlays_trampoline_lowered:
0x8: {  	[smem:$0x3FAA] =	sst s0  }
0x9: {  	[smem:$0x3FAB] =	sst s1  }
0xa: {  	[smem:$0x3FAC] =	sst s2  }
0xb: {  	[smem:$0x3FAD] =	sst s3  }
0xc: {  	[smem:$0x3FAE] =	sst s4  }
0xd: {  	[smem:$0x3FAF] =	sst s5  }
0xe: {  	[smem:$0x3FB0] =	sst s6  }
0xf: {  	[smem:$0x3FB1] =	sst s7  }
0x10: {  	[smem:$0x3FB2] =	sst s8  }
0x11: {  	[smem:$0x3FB3] =	sst s9;
	s0 =	simm.s32 @!p0 $0x0  }
0x12: {  	s1 =	sld [smem:$0x3F99];
	s0 =	simm.s32 @p0 $0x1  }
0x13: {  	[smem:$0x3FB4] =	sst s0;
	s0 =	simm.s32 @!p1 $0x0  }
0x14: {  	s2 =	sld [smem:$0x3F98];
	s0 =	simm.s32 @p1 $0x1  }
0x15: {  	[smem:$0x3FB5] =	sst s0;
	s0 =	simm.s32 @!p2 $0x0  }
0x16: {  	s3 =	sld [smem:$0x3FDB];
	s0 =	simm.s32 @p2 $0x1  }
0x17: {  	s4 =	simm.s32 $0x1BF5;
	[smem:$0x3FB7] =	sst s0  }
0x18: {  	s0 =	sld [smem:$0x3F9A];
	_ =	swait.ge [sflag:s4], $0x0  }
0x19: {  	s7 =	sld [smem:$0x3F9B]  }
0x1a: {  	s8 =	sadd.s32 $0xFFFFE003, lr  }
0x1b: {  	s9 =	sadd.s32 $0xFFFFFEF7, lr;
	s5 =	simm.s32 $0xFFFFFFFF;
	p2 =	slt.u32 s8, $0xFFFFF086  }
0x1c: {  	p1 =	slt.u32 s9, $0xF7A;
	s5 =	simm.s32 @!p2 $0x0  }
0x1d: {  	s5 =	simm.s32 @p1 $0x1;
	p0 =	seq.s32 s7, s2  }
0x1e: {  	s7 =	smul.u32 @!p0 $0xF7A, s2;
	p2 =	seq.s32 @!p0 s5, $0x0  }
0x1f: {  	s9 =	smul.u32 $0xF7A, s1;
	s8 =	simm.s32 @!p0 $0x1BF5;
	p2 =	por !p2, p0  }
0x20: {  	[sflag:s8] =	ssyncset.s32 @!p0 $0xFFFFF086;
	s6 =	sadd.s32 @!p0 s3, s7;
	s7 =	simm.s32 @!p0 $0x108  }
0x21: {  	s3 =	sadd.s32 s3, s9;
	s6 =	sadd.s32 @!p0 $0x88, s6;
	s7 =	simm.s32 @p2 $0x1082  }
0x22: {  	[simem:s7], [sflag:s8] =	dma.local @!p0 [hbm:s6], $0xF7A  }
0x23: {  	s9 =	sor.u32 $0xD0000000, s2;
	s6 =	simm.s32 $0x108;
	_ =	swait.ge @!p0 [sflag:s8], $0x0  }
0x24: {  	s3 =	sadd.s32 $0x88, s3;
	s6 =	simm.s32 @!p1 $0x1082;
	[sflag:s4] =	ssyncset.s32 $0xFFFFF086  }
0x25: {  	[simem:s6], [sflag:s4] =	dma.local [hbm:s3], $0xF7A  }
0x26: {  	[smem:$0x3F9B] =	sst s1;
	(tag) =	ssettag s2;
	_ =	strace s9  }
0x27: {  	s1 =	sld [smem:$0x3FAB]  }
0x28: {  	s2 =	sld [smem:$0x3FAC]  }
0x29: {  	s4 =	sld [smem:$0x3FAE]  }
0x2a: {  	p0 =	seq.s32 s5, $0x0;
	s5 =	sld [smem:$0x3FAF]  }
0x2b: {  	s6 =	sld [smem:$0x3FB0]  }
0x2c: {  	s7 =	sld [smem:$0x3FB1]  }
0x2d: {  	s3 =	simm.s32 $0x108;
	s8 =	sld [smem:$0x3FB2]  }
0x2e: {  	s3 =	simm.s32 @!p0 $0x1082;
	s9 =	sld [smem:$0x3FB3]  }
0x2f: {  	lr =	sadd.s32 s0, s3;
	s0 =	sld [smem:$0x3FAA]  }
0x30: {  	s3 =	sld [smem:$0x3FAD]  }
0x31: {  	[smem:$0x3FB6] =	sst s10  }
0x32: {  	s10 =	sld [smem:$0x3FB4];
	_ =	sdelay $0x3  }
0x33: {  	p0 =	seq.s32 s10, $0x1;
	s10 =	sld [smem:$0x3FB6];
	_ =	sdelay $0x3  }
0x34: {  	[smem:$0x3FB6] =	sst s10  }
0x35: {  	s10 =	sld [smem:$0x3FB5];
	_ =	sdelay $0x3  }
0x36: {  	p1 =	seq.s32 s10, $0x1;
	s10 =	sld [smem:$0x3FB6];
	_ =	sdelay $0x3  }
0x37: {  	[smem:$0x3FB6] =	sst s10  }
0x38: {  	s10 =	sld [smem:$0x3FB7]  }
0x39: {  	_ = 	snop;
	(pc) =	sbr.ind lr, $3  }
0x3a: {  	_ = 	snop  }
0x3b: {  	_ = 	snop  }
0x3c: {  	p2 =	seq.s32 s10, $0x1;
	s10 =	sld [smem:$0x3FB6]  }
0x3d: {  	_ =	shalt  }
0x3e: {  	_ =	shalt  }
0x3f: {  	_ =	shalt  }
0x40: {  	_ =	shalt  }
0x41: {  	_ =	shalt  }
0x42: {  	_ =	shalt  }
0x43: {  	_ =	shalt  }
0x44: {  	_ =	shalt  }
0x45: {  	_ =	shalt  }
0x46: {  	_ =	shalt  }
0x47: {  	_ =	shalt  }
0x48: {  	_ =	shalt  }
0x49: {  	_ =	shalt  }
0x4a: {  	_ =	shalt  }
0x4b: {  	_ =	shalt  }
0x4c: {  	_ =	shalt  }
0x4d: {  	_ =	shalt  }
0x4e: {  	_ =	shalt  }
0x4f: {  	_ =	shalt  }
0x50: {  	_ =	shalt  }
0x51: {  	_ =	shalt  }
0x52: {  	_ =	shalt  }
0x53: {  	_ =	shalt  }
0x54: {  	_ =	shalt  }
0x55: {  	_ =	shalt  }
0x56: {  	_ =	shalt  }
0x57: {  	_ =	shalt  }
0x58: {  	_ =	shalt  }
0x59: {  	_ =	shalt  }
0x5a: {  	_ =	shalt  }
0x5b: {  	_ =	shalt  }
0x5c: {  	_ =	shalt  }
0x5d: {  	_ =	shalt  }
0x5e: {  	_ =	shalt  }
0x5f: {  	_ =	shalt  }
0x60: {  	_ =	shalt  }
0x61: {  	_ =	shalt  }
0x62: {  	_ =	shalt  }
0x63: {  	_ =	shalt  }
0x64: {  	_ =	shalt  }
0x65: {  	_ =	shalt  }
0x66: {  	_ =	shalt  }
0x67: {  	_ =	shalt  }
0x68: {  	_ =	shalt  }
0x69: {  	_ =	shalt  }
0x6a: {  	_ =	shalt  }
0x6b: {  	_ =	shalt  }
0x6c: {  	_ =	shalt  }
0x6d: {  	_ =	shalt  }
0x6e: {  	_ =	shalt  }
0x6f: {  	_ =	shalt  }
0x70: {  	_ =	shalt  }
0x71: {  	_ =	shalt  }
0x72: {  	_ =	shalt  }
0x73: {  	_ =	shalt  }
0x74: {  	_ =	shalt  }
0x75: {  	_ =	shalt  }
0x76: {  	_ =	shalt  }
0x77: {  	_ =	shalt  }
0x78: {  	_ =	shalt  }
0x79: {  	_ =	shalt  }
0x7a: {  	_ =	shalt  }
0x7b: {  	_ =	shalt  }
0x7c: {  	_ =	shalt  }
0x7d: {  	_ =	shalt  }
0x7e: {  	_ =	shalt  }
0x7f: {  	_ =	shalt  }
0x80: {  	_ =	shalt  }
0x81: {  	_ =	shalt  }
0x82: {  	_ =	shalt  }
0x83: {  	_ =	shalt  }
0x84: {  	_ =	shalt  }
0x85: {  	_ =	shalt  }
0x86: {  	_ =	shalt  }
0x87: {  	_ =	shalt  }
.Lfunc_end0:
.L_simem_size_0:
called_computation_lowered:
.L_overlay_start_0:
0x88: {  	s2 =	sld [smem:$0x3FD9]  }
0x89: {  	s3 =	sld [smem:$0x3FFE];
	_ =	sdelay $0x1  }
0x8a: {  	s1 =	srdreg.scid  }
0x8b: {  	s0 =	sand.u32 $0x1, s1  }
0x8c: {  	s17 =	sshll.u32 s0, $0xA;
	s2 =	sadd.s32 s3, s2  }
0x8d: {  	s2 =	sadd.s32 s2, s17  }
0x8e: {  	[smem:$0x3FC2] =	sst s2  }
0x8f: {  	_ = 	snop  }
0x90: {  	s2 =	sld [smem:$0x3FD0];
	(tm) =	ssettm $0x1  }
0x91: {  	s18 =	sld [smem:$0x3FFB];
	_ =	sdelay $0x3  }
0x92: {  	_ =	strace s18  }
0x93: {  	s3 =	sld [smem:$0x3FFC];
	_ =	sdelay $0x3  }
0x94: {  	_ =	strace s3  }
0x95: {  	s3 =	sld [smem:$0x3FFD];
	_ =	sdelay $0x3  }
0x96: {  	_ =	strace s3  }
0x97: {  	_ =	strace $0x8FFFFFFF  }
0x98: {  	s19 =	sld [smem:$0x3FDB];
	_ =	sdelay $0x1  }
0x99: {  	s4 =	simm.s32 $_scs_section_size  }
0x9a: {  	s5 =	simm.s32 $_size__tile_overlayer_lowered;
	s6 =	simm.s32 $_tile_overlayer_lowered  }
0x9b: {  	s22 =	simm.s32 $0x1BFF;
	s21 =	sshll.u32 s6, $0x1;
	s3 =	sadd.s32 s4, s19  }
0x9c: {  	s7 =	simm.s32 $0x0;
	s20 =	sshll.u32 s5, $0x1;
	s5 =	sadd.s32 s21, s3  }
0x9d: {  	[timem:s7], [sflag:s22] =	dma.local [hbm:s5], s20  }
0x9e: {  	_ =	swait.ge [sflag:s22], s20  }
0x9f: {  	s4 =	ssub.s32 $0x0, s20;
	[sflag:s22] =	ssyncset.done $0x0  }
0xa0: {  	[sflag:s22] =	ssyncadd.s32 s4;
	_ =	sdelay $0x1  }
0xa1: {  	s23 =	simm.s32 $0x1B8B  }
0xa2: {  	_ =	swait.ge [sflag:s23], $0x1  }
0xa3: {  	[sflag:s23] =	ssyncset.done $0x0  }
0xa4: {  	s25 =	simm.s32 $0x1B8E;
	s24 =	sld [smem:$0x3FFE];
	[sflag:s23] =	ssyncadd.s32 $0xFFFFFFFF  }
0xa5: {  	s26 =	simm.s32 $execute0_lowered;
	[smem:$0x3FD2] =	sst s25  }
0xa6: {  	s5 =	sshll.u32 s26, $0x1;
	_ =	strace $0x80000046;
	[dreg:$0x1] =	wrdreg $0xFFFFFFFF  }
0xa7: {  	s28 =	simm.s32 $_size_execute0_lowered;
	s3 =	sadd.s32 s3, s5;
	[dreg:$0x0] =	wrdreg $0x0  }
0xa8: {  	s5 =	sshll.u32 s28, $0x1;
	[dreg:$0x2] =	wrdreg s3  }
0xa9: {  	[dreg:$0x3] =	wrdreg s5  }
0xaa: {  	[dreg:$0x4] =	wrdreg $0xC0  }
0xab: {  	_ =	task [dreg:s7], $0x5FFFF  }
0xac: {  	[dreg:$0x1] =	wrdreg $0xFFFFFFFF  }
0xad: {  	[dreg:$0x0] =	wrdreg $0x60  }
0xae: {  	[dreg:$0x2] =	wrdreg s24  }
0xaf: {  	[dreg:$0x3] =	wrdreg s2  }
0xb0: {  	[dreg:$0x4] =	wrdreg $0x29E00  }
0xb1: {  	[dreg:$0x5] =	wrdreg $0x9  }
0xb2: {  	_ =	task.clear_ibuf [dreg:s7], $0x6FFFF;
	_ =	strace $0x90000046  }
0xb3: {  	s29 =	simm.s32 $0x9;
	_ =	strace $0x80000048  }
0xb4: {  	_ =	swait.ge [sflag:s29], $0x1  }
0xb5: {  	[sflag:s29] =	ssyncadd.s32 $0xFFFFFFFF  }
0xb6: {  	_ =	strace $0x90000048  }
0xb7: {  	_ =	sfence  }
0xb8: {  	s30 =	sld [smem:$0x0];
	_ =	sdelay $0x2  }
0xb9: {  	s31 =	sshll.u32 s1, $0xD;
	s1 =	sshrl.u32 s1, $0x2  }
0xba: {  	s3 =	sand.u32 $0x4000, s31;
	s1 =	sadd.s32 s1, s30  }
0xbb: {  	s0 =	sor.u32 s3, s0;
	s1 =	sshll.u32 s1, $0x11  }
0xbc: {  	s0 =	sor.u32 s1, s0  }
0xbd: {  	s0 =	sadd.s32 $0x8F2B, s0  }
0xbe: {  	[sflag:s0] =	ssyncadd.remote.s32 $0x1  }
0xbf: {  	_ =	sfence.sel $0xFFFF  }
0xc0: {  	[dreg:$0x0] =	wrdreg $0xFFFFFFFF;
	(pc) =	sbr.abs _section_cstart, $3  }
0xc1: {  	[dreg:$0x1] =	wrdreg $0xFFFFFFFF  }
0xc2: {  	_ =	task.clear_ibuf [dreg:s7], $0x2FFFF;
	_ =	strace $0x9FFFFFFF  }
0xc3: {  	(tm) =	ssettm $0x7FFFFFFF  }
tec
execute0_lowered:
.L_overlay_start_1:
0x0: {  	(tag) =	ssettag $0x1  }
0x1: {  	s4 =	rddreg [dreg:$0x0]  }
0x2: {  	s0 =	srdreg.scid;
	s6 =	rddreg [dreg:$0x1]  }
0x3: {  	s2 =	rddreg [dreg:$0x2];
	s3 =	simm.s32 $0x0;
	s11 =	simm.s32 $0x2710  }
0x4: {  	s12 =	simm.s32 $0xA0;
	s13 =	simm.s32 $0xF0;
	s14 =	simm.s32 $0x140  }
0x5: {  	s15 =	simm.s32 $0x1;
	s16 =	simm.s32 $0x2;
	s17 =	simm.s32 $0x3  }
0x6: {  	s18 =	simm.s32 $0x4;
	s19 =	simm.s32 $0x5;
	s22 =	simm.s32 $0x0  }
0x7: {  	s5 =	sand.u32 $0x1, s0;
	s0 =	stileid.u32;
	[smem:$0x7FF] =	sst s3  }
0x8: {  	s1 =	sshll.u32 s5, $0x4;
	s8 =	smul.u32 $0x280, s0;
	s9 =	ssub.s32 $0x2, s5  }
0x9: {  	s5 =	smul.u32 $0x2800, s5;
	s20 =	sshll.u32 s0, $0x6;
	s7 =	sor.u32 s0, s1  }
0xa: {  	s1 =	rddreg [dreg:$0x3];
	_ =	strace $0x80000047;
	s7 =	smul.u32 $0x2710, s7  }
0xb: {  	s10 =	sshrl.u32 s9, $0x1;
	s20 =	sor.u32 $0x1C06, s20;
	s30 =	sadd.s32 s8, s5  }
0xc: {  	s9 =	ssub.s32 s9, s10;
	s31 =	sshrl.u32 s30, $0x3;
	s7 =	sshrl.u32 s7, $0x3  }
0xd: {  	s10 =	simm.s32 $0x50;
	s6 =	sadd.s32 s6, s31;
	s7 =	sadd.s32 s4, s7  }
0xe: {  	s4 =	sadd.s32 s8, s2;
	s8 =	simm.s32 $0x2760;
	s5 =	sadd.s32 $0xC240, s7  }
0xf: {  	v0 =	vimm.f32 $1.000000000e+00;
	v1 =	vimm.f32 $0.0e+00;
	s7 =	smax.u32 s9, $0x1;
	s9 =	simm.s32 $0x6;
	s21 =	sshrl.u32 s4, $0x3  }
.LBB2_1:
0x10: {  	[tilespmem:$0x2710] =	vst v0  }
0x11: {  	[tilespmem:$0x2720] =	vst v0  }
0x12: {  	[tilespmem:$0x2730] =	vst v0  }
0x13: {  	[tilespmem:$0x2740] =	vst v0  }
0x14: {  	[tilespmem:$0x2750] =	vst v0  }
0x15: {  	[tilespmem:$0x2760] =	vst v1  }
0x16: {  	[tilespmem:$0x2770] =	vst v1  }
0x17: {  	[tilespmem:$0x2780] =	vst v1  }
0x18: {  	[tilespmem:$0x2790] =	vst v1  }
0x19: {  	[tilespmem:$0x27A0] =	vst v1  }
0x1a: {  	[tilespmem:$0x27B0] =	vst v1  }
0x1b: {  	[tilespmem:$0x27C0] =	vst v1  }
0x1c: {  	[tilespmem:$0x27D0] =	vst v1  }
0x1d: {  	[tilespmem:$0x27E0] =	vst v1  }
0x1e: {  	[tilespmem:$0x27F0] =	vst v1  }
0x1f: {  	[tilespmem:$0x2800] =	vst v1  }
0x20: {  	[tilespmem:$0x2810] =	vst v1  }
0x21: {  	[tilespmem:$0x2820] =	vst v1  }
0x22: {  	[tilespmem:$0x2830] =	vst v1  }
0x23: {  	[tilespmem:$0x2840] =	vst v1  }
0x24: {  	[tilespmem:$0x2850] =	vst v1  }
0x25: {  	[tilespmem:$0x2860] =	vst v1  }
0x26: {  	[tilespmem:$0x2870] =	vst v1  }
0x27: {  	[tilespmem:$0x2880] =	vst v1  }
0x28: {  	[tilespmem:$0x2890] =	vst v1  }
0x29: {  	[tilespmem:$0x28A0] =	vst v1  }
0x2a: {  	[tilespmem:$0x28B0] =	vst v1  }
0x2b: {  	[tilespmem:$0x28C0] =	vst v1  }
0x2c: {  	[tilespmem:$0x28D0] =	vst v1  }
0x2d: {  	[tilespmem:$0x28E0] =	vst v1  }
0x2e: {  	[tilespmem:$0x28F0] =	vst v1  }
0x2f: {  	[tilespmem:$0x2900] =	vst v1  }
0x30: {  	[tilespmem:$0x2910] =	vst v1  }
0x31: {  	[tilespmem:$0x2920] =	vst v1  }
0x32: {  	[tilespmem:$0x2930] =	vst v1  }
0x33: {  	[tilespmem:$0x2940] =	vst v1  }
0x34: {  	[tilespmem:$0x2950] =	vst v1  }
0x35: {  	[tilespmem:$0x2960] =	vst v1  }
0x36: {  	[tilespmem:$0x2970] =	vst v1  }
0x37: {  	[tilespmem:$0x2980] =	vst v1  }
0x38: {  	[tilespmem:$0x2990] =	vst v1  }
0x39: {  	[tilespmem:$0x29A0] =	vst v1  }
0x3a: {  	[tilespmem:$0x29B0] =	vst v1  }
0x3b: {  	[tilespmem:$0x29C0] =	vst v1  }
0x3c: {  	[tilespmem:$0x29D0] =	vst v1  }
0x3d: {  	[spmem:s4] =	stream.linear.scatter [tilespmem:s8], [sflag:$0x6], $0x280, $0x38;
	[tilespmem:$0x2C60] =	vst v63  }
0x3e: {  	_ =	swait.ge [sflag:s9], $0x280  }
0x3f: {  	[sflag:s9] =	ssyncset.done $0x0  }
0x40: {  	[sflag:s9] =	ssyncadd.s32 $0xFFFFFD80  }
0x41: {  	[bflag:$0x0] =	sbarrier.arrive $0xFFFF  }
0x42: {  	[tilespmem:s3], [sflag:$0x6] =	stream.linear.gather [hbm4b:s5+s3], $0x2710, $0x38;
	[tilespmem:$0x2C60] =	vst v63  }
0x43: {  	_ =	swait.ge [sflag:s9], $0x2710  }
0x44: {  	[sflag:s9] =	ssyncset.done $0x0  }
0x45: {  	[sflag:s9] =	ssyncadd.s32 $0xFFFFD8F0  }
0x46: {  	[spmem:s2] =	stream.indirect.scatter.add.f32 [tilespmem:s11], [sflag:$0x1], $0x1, s3, s10, $0xb8;
	[tilespmem:$0x2C60] =	vst v63  }
0x47: {  	_ = 	snop  }
0x48: {  	[spmem:s2] =	stream.indirect.scatter.add.f32 [tilespmem:s11], [sflag:$0x2], $0x1, s10, s10, $0xb8;
	[tilespmem:$0x2C60] =	vst v63  }
0x49: {  	_ = 	snop  }
0x4a: {  	[spmem:s2] =	stream.indirect.scatter.add.f32 [tilespmem:s11], [sflag:$0x3], $0x1, s12, s10, $0xb8;
	[tilespmem:$0x2C60] =	vst v63  }
0x4b: {  	_ = 	snop  }
0x4c: {  	[spmem:s2] =	stream.indirect.scatter.add.f32 [tilespmem:s11], [sflag:$0x4], $0x1, s13, s10, $0xb8;
	[tilespmem:$0x2C60] =	vst v63  }
0x4d: {  	_ = 	snop  }
0x4e: {  	[spmem:s2] =	stream.indirect.scatter.add.f32 [tilespmem:s11], [sflag:$0x5], $0x1, s14, s10, $0xb8;
	[tilespmem:$0x2C60] =	vst v63  }
0x4f: {  	_ =	swait.ge [sflag:s15], $0x50  }
0x50: {  	[sflag:s15] =	ssyncset.done $0x0  }
0x51: {  	s23 =	simm.s32 $0x190;
	[sflag:s15] =	ssyncadd.s32 $0xFFFFFFB0  }
0x52: {  	[spmem:s2] =	stream.indirect.scatter.add.f32 [tilespmem:s11], [sflag:$0x1], $0x1, s23, s10, $0xb8;
	[tilespmem:$0x2C60] =	vst v63  }
0x53: {  	_ =	swait.ge [sflag:s16], $0x50  }
0x54: {  	[sflag:s16] =	ssyncset.done $0x0  }
0x55: {  	s29 =	simm.s32 $0x1E0;
	[sflag:s16] =	ssyncadd.s32 $0xFFFFFFB0  }
0x56: {  	[spmem:s2] =	stream.indirect.scatter.add.f32 [tilespmem:s11], [sflag:$0x2], $0x1, s29, s10, $0xb8;
	[tilespmem:$0x2C60] =	vst v63  }
0x57: {  	_ =	swait.ge [sflag:s17], $0x50  }
0x58: {  	[sflag:s17] =	ssyncset.done $0x0  }
0x59: {  	s30 =	simm.s32 $0x230;
	[sflag:s17] =	ssyncadd.s32 $0xFFFFFFB0  }
0x5a: {  	[spmem:s2] =	stream.indirect.scatter.add.f32 [tilespmem:s11], [sflag:$0x3], $0x1, s30, s10, $0xb8;
	[tilespmem:$0x2C60] =	vst v63  }
0x5b: {  	_ =	swait.ge [sflag:s18], $0x50  }
0x5c: {  	[sflag:s18] =	ssyncset.done $0x0  }
0x5d: {  	s31 =	simm.s32 $0x280;
	[sflag:s18] =	ssyncadd.s32 $0xFFFFFFB0  }
0x5e: {  	[spmem:s2] =	stream.indirect.scatter.add.f32 [tilespmem:s11], [sflag:$0x4], $0x1, s31, s10, $0xb8;
	[tilespmem:$0x2C60] =	vst v63  }
0x5f: {  	_ =	swait.ge [sflag:s19], $0x50  }
0x60: {  	[sflag:s19] =	ssyncset.done $0x0  }
0x61: {  	s24 =	simm.s32 $0x2D0;
	s23 =	simm.s32 $0xFFFF7040;
	[sflag:s19] =	ssyncadd.s32 $0xFFFFFFB0  }
.LBB2_2:
0x62: {  	[spmem:s2] =	stream.indirect.scatter.add.f32 [tilespmem:s11], [sflag:$0x5], $0x1, s24, s10, $0xb8;
	[tilespmem:$0x2C60] =	vst v63  }
0x63: {  	s24 =	smov.u32 s23  }
0x64: {  	p0 =	sne.s32 s23, $0xFFFFF9C0;
	s23 =	sadd.s32 $0x640, s23;
	_ =	swait.ge [sflag:s15], $0x50  }
0x65: {  	s24 =	sshra.s32 s24, $0x2;
	[sflag:s15] =	ssyncset.done $0x0  }
0x66: {  	s25 =	sadd.s32 $0x2710, s24;
	[sflag:s15] =	ssyncadd.s32 $0xFFFFFFB0  }
0x67: {  	[spmem:s2] =	stream.indirect.scatter.add.f32 [tilespmem:s11], [sflag:$0x1], $0x1, s25, s10, $0xb8;
	[tilespmem:$0x2C60] =	vst v63  }
0x68: {  	_ =	swait.ge [sflag:s16], $0x50  }
0x69: {  	[sflag:s16] =	ssyncset.done $0x0  }
0x6a: {  	s25 =	sadd.s32 $0x2760, s24;
	[sflag:s16] =	ssyncadd.s32 $0xFFFFFFB0  }
0x6b: {  	[spmem:s2] =	stream.indirect.scatter.add.f32 [tilespmem:s11], [sflag:$0x2], $0x1, s25, s10, $0xb8;
	[tilespmem:$0x2C60] =	vst v63  }
0x6c: {  	_ =	swait.ge [sflag:s17], $0x50  }
0x6d: {  	[sflag:s17] =	ssyncset.done $0x0  }
0x6e: {  	s25 =	sadd.s32 $0x27B0, s24;
	[sflag:s17] =	ssyncadd.s32 $0xFFFFFFB0  }
0x6f: {  	[spmem:s2] =	stream.indirect.scatter.add.f32 [tilespmem:s11], [sflag:$0x3], $0x1, s25, s10, $0xb8;
	[tilespmem:$0x2C60] =	vst v63  }
0x70: {  	_ =	swait.ge [sflag:s18], $0x50  }
0x71: {  	[sflag:s18] =	ssyncset.done $0x0  }
.Ltmp0:
0x72: {  	s25 =	sadd.s32 $0x2800, s24;
	[sflag:s18] =	ssyncadd.s32 $0xFFFFFFB0;
	(pc) =	sbr.rel @p0 .LBB2_2-.Ltmp0, $4  }
0x73: {  	[spmem:s2] =	stream.indirect.scatter.add.f32 [tilespmem:s11], [sflag:$0x4], $0x1, s25, s10, $0xb8;
	[tilespmem:$0x2C60] =	vst v63  }
0x74: {  	_ =	swait.ge [sflag:s19], $0x50  }
0x75: {  	[sflag:s19] =	ssyncset.done $0x0  }
0x76: {  	s24 =	sadd.s32 $0x2850, s24;
	[sflag:s19] =	ssyncadd.s32 $0xFFFFFFB0  }
0x77: {  	[spmem:s2] =	stream.indirect.scatter.add.f32 [tilespmem:s11], [sflag:$0x5], $0x1, s24, s10, $0xb8;
	[tilespmem:$0x2C60] =	vst v63  }
0x78: {  	_ =	swait.ge [sflag:s15], $0x50  }
0x79: {  	[sflag:s15] =	ssyncset.done $0x0  }
0x7a: {  	[sflag:s15] =	ssyncadd.s32 $0xFFFFFFB0  }
0x7b: {  	_ =	swait.ge [sflag:s16], $0x50  }
0x7c: {  	[sflag:s16] =	ssyncset.done $0x0  }
0x7d: {  	[sflag:s16] =	ssyncadd.s32 $0xFFFFFFB0  }
0x7e: {  	_ =	swait.ge [sflag:s17], $0x50  }
0x7f: {  	[sflag:s17] =	ssyncset.done $0x0  }
0x80: {  	[sflag:s17] =	ssyncadd.s32 $0xFFFFFFB0  }
0x81: {  	_ =	swait.ge [sflag:s18], $0x50  }
0x82: {  	[sflag:s18] =	ssyncset.done $0x0  }
0x83: {  	[sflag:s18] =	ssyncadd.s32 $0xFFFFFFB0  }
0x84: {  	_ =	swait.ge [sflag:s19], $0x50  }
0x85: {  	s22 =	sadd.s32 $0x1, s22;
	[sflag:s19] =	ssyncset.done $0x0  }
0x86: {  	p0 =	sne.s32 s22, s7;
	[sflag:s19] =	ssyncadd.s32 $0xFFFFFFB0  }
.Ltmp1:
0x87: {  	[bflag:$0x0] =	sbarrier.arrive $0xFFFF;
	(pc) =	sbr.rel @p0 .LBB2_1-.Ltmp1, $4  }
0x88: {  	[hbm:s6], [sflag:s20] =	dma.local [spmem:s21], $0x50  }
0x89: {  	_ =	swait.ge [sflag:s9], $0x50  }
0x8a: {  	[sflag:s9] =	ssyncset.done $0x0  }
0x8b: {  	[sflag:s9] =	ssyncadd.s32 $0xFFFFFFB0  }
0x8c: {  	_ =	sfence.sel $0x180000  }
0x8d: {  	[bflag:$0x0] =	sbarrier.arrive $0xFFFF  }
0x8e: {  	p0 =	sne.s32 s0, $0x0;
	_ =	strace $0x90000047  }
0x8f: {  	s0 =	sadd.s32 @!p0 $0x100000, s1;
	[bflag:$0x2] =	sbarrier.arrive $0xFFFF  }
0x90: {  	[sflag:s0] =	ssyncadd.tile.s32 @!p0 $0x1;
	_ =	shalt  }
.Lfunc_end2:
_tile_overlayer_lowered:
.L_overlay_start_2:
0x91: {  	(tag) =	ssettag $0x2  }
0x92: {  	s0 =	rddreg [dreg:$0x0];
	s2 =	stileid.u32  }
0x93: {  	s1 =	rddreg [dreg:$0x1];
	p0 =	sne.s32 s2, $0x0  }
0x94: {  	s3 =	rddreg [dreg:$0x2];
	[bflag:$0x3] =	sbarrier.arrive $0xFFFF;
	s2 =	simm.s32 @!p0 $0x1C06  }
0x95: {  	[timem:s3], [sflag:s2] =	dma.local @!p0 [hbm:s0], s1  }
0x96: {  	s0 =	simm.s32 @!p0 $0x6  }
0x97: {  	_ =	swait.ge @!p0 [sflag:s0], s1  }
0x98: {  	s1 =	ssub.s32 @!p0 $0x0, s1;
	[sflag:s0] =	ssyncset.done @!p0 $0x0  }
0x99: {  	[sflag:s0] =	ssyncadd.s32 @!p0 s1  }
0x9a: {  	[bflag:$0x3] =	sbarrier.arrive $0xFFFF  }
0x9b: {  	_ =	shalt  }

</sc_bundles>
